<compile_context>
chip_gen: v7x
topology: tpu7x:2x2x1
jax: 0.10.2.dev20260603
libtpu: 0.0.44.dev20260713+nightly
codegen_flags: <defaults>
</compile_context>

<pallas_src>
import functools

import jax
import jax.numpy as jnp
from jax import lax
from jax.experimental import pallas as pl
from jax.experimental.pallas import tpu as pltpu
from jax.experimental.pallas import tpu_sc as plsc

NUM_EMBEDDINGS = 100000
NB = 4096
SL = 50
D = 128
B = NB * SL
NC = 2
NS = 16
NW = NC * NS
B_PER_W = B // NW
IPR = 128
NGATH = B_PER_W // IPR
G = 3
NBUF = 2
GROUPS = [G] * (NGATH // G) + ([NGATH % G] if NGATH % G else [])
S = len(GROUPS)


def _emb_body(idx_hbm, table_hbm, out_hbm, idx_v, *scratch):
    bufs = scratch[:NBUF]
    gsems = scratch[NBUF:2 * NBUF]
    osems = scratch[2 * NBUF:3 * NBUF]
    wid = lax.axis_index("s") * NC + lax.axis_index("c")
    base = wid * B_PER_W
    pltpu.sync_copy(idx_hbm.at[pl.ds(base, B_PER_W)], idx_v)

    starts = [sum(GROUPS[:g]) for g in range(S)]

    def fire_out(g):
        n = GROUPS[g] * IPR
        return [pltpu.async_copy(
            bufs[g % NBUF].at[pl.ds(0, n)],
            out_hbm.at[pl.ds(base + starts[g] * IPR, n)],
            osems[g % NBUF],
        )]

    gath = {}
    outc = {}
    for g in range(S):
        b = g % NBUF
        if g >= NBUF:
            for c in outc[g - NBUF]:
                c.wait()
        gath[g] = [
            pltpu.async_copy(
                table_hbm.at[idx_v.at[pl.ds((starts[g] + j) * IPR, IPR)]],
                bufs[b].at[pl.ds(j * IPR, IPR)],
                gsems[b],
            )
            for j in range(GROUPS[g])
        ]
        if g >= 1:
            for c in gath[g - 1]:
                c.wait()
            outc[g - 1] = fire_out(g - 1)
    for c in gath[S - 1]:
        c.wait()
    outc[S - 1] = fire_out(S - 1)
    for g in range(max(0, S - NBUF), S):
        for c in outc[g]:
            c.wait()


@jax.jit
def _embedding_lookup(idx, weight):
    mesh = plsc.VectorSubcoreMesh(core_axis_name="c", subcore_axis_name="s")
    fn = functools.partial(
        pl.kernel,
        mesh=mesh,
        out_type=jax.ShapeDtypeStruct((B, D), jnp.float32),
        scratch_types=(
            [pltpu.VMEM((B_PER_W,), jnp.int32)]
            + [pltpu.VMEM((G * IPR, D), jnp.float32)] * NBUF
            + [pltpu.SemaphoreType.DMA] * (2 * NBUF)
        ),
    )(_emb_body)
    return fn(idx, weight)


def kernel(input_, weight):
    idx = input_.astype(jnp.int32).T.reshape(B)
    out = _embedding_lookup(idx, weight)
    return out.reshape(SL, NB, D).transpose(1, 0, 2)

# --- scband reference (transcript-rebuilt; emitter-appended) ---
"""Pipeline reference for scband-parallel-embedding-42528766165491 (READ-ONLY COPY).

The authoritative reference and input builder live on the scoring server;
editing this copy changes nothing except your own understanding.
"""

import jax, jax.numpy as jnp
import numpy as np

NUM_EMBEDDINGS = 100000
EMBEDDING_DIM = 128

def setup_inputs(seed: int = 0) -> dict:
    key = jax.random.key(seed)
    k1, k2 = jax.random.split(key)
    input_ = jax.random.randint(k1, (4096, 50), 0, NUM_EMBEDDINGS, dtype=jnp.int64 if jax.config.jax_enable_x64 else jnp.int32)
    weight = jax.random.normal(k2, (NUM_EMBEDDINGS, EMBEDDING_DIM), dtype=jnp.float32) * 0.02
    return {"input_": input_, "weight": weight}

def reference(input_, weight):
    # Single-process TP: tp_size=1, vocab_start_index=0, vocab_end_index=NUM_EMBEDDINGS
    vocab_start_index = 0
    vocab_end_index = NUM_EMBEDDINGS
    num_embeddings_per_partition = NUM_EMBEDDINGS
    mask = (input_ >= vocab_start_index) & (input_ < vocab_end_index)
    local_input = input_ - vocab_start_index
    local_input = jnp.clip(local_input, 0, num_embeddings_per_partition - 1)
    output_parallel = jnp.take(weight, local_input, axis=0)
    output_parallel = output_parallel * mask[..., None].astype(jnp.float32)
    # reduce_from_tensor_parallel_region is identity for tp_size=1
    return output_parallel

if __name__ == "__main__":
    import jax
    _d = setup_inputs()
    print(jax.jit(kernel)(*tuple(_d.values())))

</pallas_src>

<mosaic_0001>
#map = affine_map<(d0, d1) -> (0)>
#map1 = affine_map<(d0, d1) -> (0, 0)>
module attributes {stable_mosaic.version = 14 : i64} {
  func.func @_emb_body(%arg0: i32, %arg1: i32, %arg2: memref<204800xi32, #tpu.memory_space<hbm>>, %arg3: memref<100000x128xf32, #tpu.memory_space<hbm>>, %arg4: memref<204800x128xf32, #tpu.memory_space<hbm>>, %arg5: memref<6400xi32, #tpu.memory_space<vmem>>, %arg6: memref<384x128xf32, #tpu.memory_space<vmem>>, %arg7: memref<384x128xf32, #tpu.memory_space<vmem>>, %arg8: memref<!tpu.dma_semaphore, #tpu.memory_space<semaphore_mem>>, %arg9: memref<!tpu.dma_semaphore, #tpu.memory_space<semaphore_mem>>, %arg10: memref<!tpu.dma_semaphore, #tpu.memory_space<semaphore_mem>>, %arg11: memref<!tpu.dma_semaphore, #tpu.memory_space<semaphore_mem>>) attributes {dimension_semantics = [#tpu.dimension_semantics<core_parallel>, #tpu.dimension_semantics<subcore_parallel>], iteration_bounds = array<i64: 2, 16>, scalar_prefetch = 0 : i64, scratch_operands = 7 : i64, tpu.core_type = #tpu.core_type<sc_vector_subcore>, window_params = [{transform_indices = #map}, {transform_indices = #map1}, {transform_indices = #map1}]} {
    %mul3A = arith.constant 2 : i32
    %mul3A_0 = arith.muli %arg1, %mul3A : i32
    %add3A = arith.addi %mul3A_0, %arg0 : i32
    %mul3A_1 = arith.constant 6400 : i32
    %mul3A_2 = arith.muli %add3A, %mul3A_1 : i32
    "tpu.region"() ({
      %run_scoped3A = tpu.sem_alloc : memref<!tpu.dma_semaphore, #tpu.memory_space<semaphore_mem>>
      %dma_start3A_1175 = tpu.memref_slice %arg2[%mul3A_2] : memref<204800xi32, #tpu.memory_space<hbm>> -> memref<6400xi32, #tpu.memory_space<hbm>>
      %dma_start3A_1176 = tpu.memref_slice %arg2[%mul3A_2] : memref<204800xi32, #tpu.memory_space<hbm>> -> memref<6400xi32, #tpu.memory_space<hbm>>
      tpu.enqueue_dma source(%dma_start3A_1176 : memref<6400xi32, #tpu.memory_space<hbm>>) target(%arg5 : memref<6400xi32, #tpu.memory_space<vmem>>) target_semaphore(%run_scoped3A : memref<!tpu.dma_semaphore, #tpu.memory_space<semaphore_mem>>)
      %dma_wait3A_1177 = tpu.memref_slice %arg2[%mul3A_2] : memref<204800xi32, #tpu.memory_space<hbm>> -> memref<6400xi32, #tpu.memory_space<hbm>>
      %dma_wait3A_1178 = tpu.memref_slice %arg2[%mul3A_2] : memref<204800xi32, #tpu.memory_space<hbm>> -> memref<6400xi32, #tpu.memory_space<hbm>>
      tpu.wait_dma2 semaphore(%run_scoped3A : memref<!tpu.dma_semaphore, #tpu.memory_space<semaphore_mem>>) src(%dma_wait3A_1178 : memref<6400xi32, #tpu.memory_space<hbm>>) dst(%arg5 : memref<6400xi32, #tpu.memory_space<vmem>>)
      tpu.yield
    }) : () -> ()
    %dma_start3A = arith.constant 0 : i32
    %dma_start3A_3 = arith.constant 0 : i32
    %dma_start3A_4 = tpu.memref_slice %arg6[%dma_start3A, %dma_start3A_3] : memref<384x128xf32, #tpu.memory_space<vmem>> -> memref<128x128xf32, #tpu.memory_space<vmem>>
    %dma_start3A_5 = arith.constant 0 : i32
    %dma_start3A_6 = tpu.memref_slice %arg5[%dma_start3A_5] : memref<6400xi32, #tpu.memory_space<vmem>> -> memref<128xi32, #tpu.memory_space<vmem>>
    %dma_start3A_7 = arith.constant 0 : i32
    %dma_start3A_8 = arith.constant 0 : i32
    %dma_start3A_9 = tpu.memref_slice %arg3[%dma_start3A_7, %dma_start3A_8] : memref<100000x128xf32, #tpu.memory_space<hbm>> -> memref<100000x128xf32, #tpu.memory_space<hbm>>
    tpu.enqueue_indirect_dma source(%dma_start3A_9 : memref<100000x128xf32, #tpu.memory_space<hbm>>) target(%dma_start3A_4 : memref<128x128xf32, #tpu.memory_space<vmem>>) offsets(%dma_start3A_6 : memref<128xi32, #tpu.memory_space<vmem>>) semaphore(%arg8 : memref<!tpu.dma_semaphore, #tpu.memory_space<semaphore_mem>>)
    %dma_start3A_10 = arith.constant 128 : i32
    %dma_start3A_11 = arith.constant 0 : i32
    %dma_start3A_12 = tpu.memref_slice %arg6[%dma_start3A_10, %dma_start3A_11] : memref<384x128xf32, #tpu.memory_space<vmem>> -> memref<128x128xf32, #tpu.memory_space<vmem>>
    %dma_start3A_13 = arith.constant 128 : i32
    %dma_start3A_14 = tpu.memref_slice %arg5[%dma_start3A_13] : memref<6400xi32, #tpu.memory_space<vmem>> -> memref<128xi32, #tpu.memory_space<vmem>>
    %dma_start3A_15 = arith.constant 0 : i32
    %dma_start3A_16 = arith.constant 0 : i32
    %dma_start3A_17 = tpu.memref_slice %arg3[%dma_start3A_15, %dma_start3A_16] : memref<100000x128xf32, #tpu.memory_space<hbm>> -> memref<100000x128xf32, #tpu.memory_space<hbm>>
    tpu.enqueue_indirect_dma source(%dma_start3A_17 : memref<100000x128xf32, #tpu.memory_space<hbm>>) target(%dma_start3A_12 : memref<128x128xf32, #tpu.memory_space<vmem>>) offsets(%dma_start3A_14 : memref<128xi32, #tpu.memory_space<vmem>>) semaphore(%arg8 : memref<!tpu.dma_semaphore, #tpu.memory_space<semaphore_mem>>)
    %dma_start3A_18 = arith.constant 256 : i32
    %dma_start3A_19 = arith.constant 0 : i32
    %dma_start3A_20 = tpu.memref_slice %arg6[%dma_start3A_18, %dma_start3A_19] : memref<384x128xf32, #tpu.memory_space<vmem>> -> memref<128x128xf32, #tpu.memory_space<vmem>>
    %dma_start3A_21 = arith.constant 256 : i32
    %dma_start3A_22 = tpu.memref_slice %arg5[%dma_start3A_21] : memref<6400xi32, #tpu.memory_space<vmem>> -> memref<128xi32, #tpu.memory_space<vmem>>
    %dma_start3A_23 = arith.constant 0 : i32
    %dma_start3A_24 = arith.constant 0 : i32
    %dma_start3A_25 = tpu.memref_slice %arg3[%dma_start3A_23, %dma_start3A_24] : memref<100000x128xf32, #tpu.memory_space<hbm>> -> memref<100000x128xf32, #tpu.memory_space<hbm>>
    tpu.enqueue_indirect_dma source(%dma_start3A_25 : memref<100000x128xf32, #tpu.memory_space<hbm>>) target(%dma_start3A_20 : memref<128x128xf32, #tpu.memory_space<vmem>>) offsets(%dma_start3A_22 : memref<128xi32, #tpu.memory_space<vmem>>) semaphore(%arg8 : memref<!tpu.dma_semaphore, #tpu.memory_space<semaphore_mem>>)
    %dma_start3A_26 = arith.constant 0 : i32
    %dma_start3A_27 = arith.constant 0 : i32
    %dma_start3A_28 = tpu.memref_slice %arg7[%dma_start3A_26, %dma_start3A_27] : memref<384x128xf32, #tpu.memory_space<vmem>> -> memref<128x128xf32, #tpu.memory_space<vmem>>
    %dma_start3A_29 = arith.constant 384 : i32
    %dma_start3A_30 = tpu.memref_slice %arg5[%dma_start3A_29] : memref<6400xi32, #tpu.memory_space<vmem>> -> memref<128xi32, #tpu.memory_space<vmem>>
    %dma_start3A_31 = arith.constant 0 : i32
    %dma_start3A_32 = arith.constant 0 : i32
    %dma_start3A_33 = tpu.memref_slice %arg3[%dma_start3A_31, %dma_start3A_32] : memref<100000x128xf32, #tpu.memory_space<hbm>> -> memref<100000x128xf32, #tpu.memory_space<hbm>>
    tpu.enqueue_indirect_dma source(%dma_start3A_33 : memref<100000x128xf32, #tpu.memory_space<hbm>>) target(%dma_start3A_28 : memref<128x128xf32, #tpu.memory_space<vmem>>) offsets(%dma_start3A_30 : memref<128xi32, #tpu.memory_space<vmem>>) semaphore(%arg9 : memref<!tpu.dma_semaphore, #tpu.memory_space<semaphore_mem>>)
    %dma_start3A_34 = arith.constant 128 : i32
    %dma_start3A_35 = arith.constant 0 : i32
    %dma_start3A_36 = tpu.memref_slice %arg7[%dma_start3A_34, %dma_start3A_35] : memref<384x128xf32, #tpu.memory_space<vmem>> -> memref<128x128xf32, #tpu.memory_space<vmem>>
    %dma_start3A_37 = arith.constant 512 : i32
    %dma_start3A_38 = tpu.memref_slice %arg5[%dma_start3A_37] : memref<6400xi32, #tpu.memory_space<vmem>> -> memref<128xi32, #tpu.memory_space<vmem>>
    %dma_start3A_39 = arith.constant 0 : i32
    %dma_start3A_40 = arith.constant 0 : i32
    %dma_start3A_41 = tpu.memref_slice %arg3[%dma_start3A_39, %dma_start3A_40] : memref<100000x128xf32, #tpu.memory_space<hbm>> -> memref<100000x128xf32, #tpu.memory_space<hbm>>
    tpu.enqueue_indirect_dma source(%dma_start3A_41 : memref<100000x128xf32, #tpu.memory_space<hbm>>) target(%dma_start3A_36 : memref<128x128xf32, #tpu.memory_space<vmem>>) offsets(%dma_start3A_38 : memref<128xi32, #tpu.memory_space<vmem>>) semaphore(%arg9 : memref<!tpu.dma_semaphore, #tpu.memory_space<semaphore_mem>>)
    %dma_start3A_42 = arith.constant 256 : i32
    %dma_start3A_43 = arith.constant 0 : i32
    %dma_start3A_44 = tpu.memref_slice %arg7[%dma_start3A_42, %dma_start3A_43] : memref<384x128xf32, #tpu.memory_space<vmem>> -> memref<128x128xf32, #tpu.memory_space<vmem>>
    %dma_start3A_45 = arith.constant 640 : i32
    %dma_start3A_46 = tpu.memref_slice %arg5[%dma_start3A_45] : memref<6400xi32, #tpu.memory_space<vmem>> -> memref<128xi32, #tpu.memory_space<vmem>>
    %dma_start3A_47 = arith.constant 0 : i32
    %dma_start3A_48 = arith.constant 0 : i32
    %dma_start3A_49 = tpu.memref_slice %arg3[%dma_start3A_47, %dma_start3A_48] : memref<100000x128xf32, #tpu.memory_space<hbm>> -> memref<100000x128xf32, #tpu.memory_space<hbm>>
    tpu.enqueue_indirect_dma source(%dma_start3A_49 : memref<100000x128xf32, #tpu.memory_space<hbm>>) target(%dma_start3A_44 : memref<128x128xf32, #tpu.memory_space<vmem>>) offsets(%dma_start3A_46 : memref<128xi32, #tpu.memory_space<vmem>>) semaphore(%arg9 : memref<!tpu.dma_semaphore, #tpu.memory_space<semaphore_mem>>)
    %dma_wait3A = arith.constant 0 : i32
    %dma_wait3A_50 = arith.constant 0 : i32
    %dma_wait3A_51 = tpu.memref_slice %arg6[%dma_wait3A, %dma_wait3A_50] : memref<384x128xf32, #tpu.memory_space<vmem>> -> memref<128x128xf32, #tpu.memory_space<vmem>>
    %dma_wait3A_52 = arith.constant 0 : i32
    %dma_wait3A_53 = tpu.memref_slice %arg5[%dma_wait3A_52] : memref<6400xi32, #tpu.memory_space<vmem>> -> memref<128xi32, #tpu.memory_space<vmem>>
    %dma_wait3A_54 = arith.constant 0 : i32
    %dma_wait3A_55 = arith.constant 0 : i32
    %dma_wait3A_56 = tpu.memref_slice %arg3[%dma_wait3A_54, %dma_wait3A_55] : memref<100000x128xf32, #tpu.memory_space<hbm>> -> memref<100000x128xf32, #tpu.memory_space<hbm>>
    tpu.wait_indirect_dma semaphore(%arg8 : memref<!tpu.dma_semaphore, #tpu.memory_space<semaphore_mem>>) src(%dma_wait3A_56 : memref<100000x128xf32, #tpu.memory_space<hbm>>) dst(%dma_wait3A_51 : memref<128x128xf32, #tpu.memory_space<vmem>>)
    %dma_wait3A_57 = arith.constant 128 : i32
    %dma_wait3A_58 = arith.constant 0 : i32
    %dma_wait3A_59 = tpu.memref_slice %arg6[%dma_wait3A_57, %dma_wait3A_58] : memref<384x128xf32, #tpu.memory_space<vmem>> -> memref<128x128xf32, #tpu.memory_space<vmem>>
    %dma_wait3A_60 = arith.constant 128 : i32
    %dma_wait3A_61 = tpu.memref_slice %arg5[%dma_wait3A_60] : memref<6400xi32, #tpu.memory_space<vmem>> -> memref<128xi32, #tpu.memory_space<vmem>>
    %dma_wait3A_62 = arith.constant 0 : i32
    %dma_wait3A_63 = arith.constant 0 : i32
    %dma_wait3A_64 = tpu.memref_slice %arg3[%dma_wait3A_62, %dma_wait3A_63] : memref<100000x128xf32, #tpu.memory_space<hbm>> -> memref<100000x128xf32, #tpu.memory_space<hbm>>
    tpu.wait_indirect_dma semaphore(%arg8 : memref<!tpu.dma_semaphore, #tpu.memory_space<semaphore_mem>>) src(%dma_wait3A_64 : memref<100000x128xf32, #tpu.memory_space<hbm>>) dst(%dma_wait3A_59 : memref<128x128xf32, #tpu.memory_space<vmem>>)
    %dma_wait3A_65 = arith.constant 256 : i32
    %dma_wait3A_66 = arith.constant 0 : i32
    %dma_wait3A_67 = tpu.memref_slice %arg6[%dma_wait3A_65, %dma_wait3A_66] : memref<384x128xf32, #tpu.memory_space<vmem>> -> memref<128x128xf32, #tpu.memory_space<vmem>>
    %dma_wait3A_68 = arith.constant 256 : i32
    %dma_wait3A_69 = tpu.memref_slice %arg5[%dma_wait3A_68] : memref<6400xi32, #tpu.memory_space<vmem>> -> memref<128xi32, #tpu.memory_space<vmem>>
    %dma_wait3A_70 = arith.constant 0 : i32
    %dma_wait3A_71 = arith.constant 0 : i32
    %dma_wait3A_72 = tpu.memref_slice %arg3[%dma_wait3A_70, %dma_wait3A_71] : memref<100000x128xf32, #tpu.memory_space<hbm>> -> memref<100000x128xf32, #tpu.memory_space<hbm>>
    tpu.wait_indirect_dma semaphore(%arg8 : memref<!tpu.dma_semaphore, #tpu.memory_space<semaphore_mem>>) src(%dma_wait3A_72 : memref<100000x128xf32, #tpu.memory_space<hbm>>) dst(%dma_wait3A_67 : memref<128x128xf32, #tpu.memory_space<vmem>>)
    %add3A_73 = arith.constant 0 : i32
    %add3A_74 = arith.addi %mul3A_2, %add3A_73 : i32
    %dma_start3A_75 = arith.constant 0 : i32
    %dma_start3A_76 = arith.constant 0 : i32
    %dma_start3A_77 = tpu.memref_slice %arg6[%dma_start3A_75, %dma_start3A_76] : memref<384x128xf32, #tpu.memory_space<vmem>> -> memref<384x128xf32, #tpu.memory_space<vmem>>
    %dma_start3A_78 = arith.constant 0 : i32
    %dma_start3A_79 = tpu.memref_slice %arg4[%add3A_74, %dma_start3A_78] : memref<204800x128xf32, #tpu.memory_space<hbm>> -> memref<384x128xf32, #tpu.memory_space<hbm>>
    %dma_start3A_80 = arith.constant 0 : i32
    %dma_start3A_81 = tpu.memref_slice %arg4[%add3A_74, %dma_start3A_80] : memref<204800x128xf32, #tpu.memory_space<hbm>> -> memref<384x128xf32, #tpu.memory_space<hbm>>
    %dma_start3A_82 = arith.constant 0 : i32
    %dma_start3A_83 = arith.constant 0 : i32
    %dma_start3A_84 = tpu.memref_slice %arg6[%dma_start3A_82, %dma_start3A_83] : memref<384x128xf32, #tpu.memory_space<vmem>> -> memref<384x128xf32, #tpu.memory_space<vmem>>
    tpu.enqueue_dma source(%dma_start3A_84 : memref<384x128xf32, #tpu.memory_space<vmem>>) target(%dma_start3A_81 : memref<384x128xf32, #tpu.memory_space<hbm>>) target_semaphore(%arg10 : memref<!tpu.dma_semaphore, #tpu.memory_space<semaphore_mem>>)
    %dma_wait3A_85 = arith.constant 0 : i32
    %dma_wait3A_86 = arith.constant 0 : i32
    %dma_wait3A_87 = tpu.memref_slice %arg6[%dma_wait3A_85, %dma_wait3A_86] : memref<384x128xf32, #tpu.memory_space<vmem>> -> memref<384x128xf32, #tpu.memory_space<vmem>>
    %dma_wait3A_88 = arith.constant 0 : i32
    %dma_wait3A_89 = tpu.memref_slice %arg4[%add3A_74, %dma_wait3A_88] : memref<204800x128xf32, #tpu.memory_space<hbm>> -> memref<384x128xf32, #tpu.memory_space<hbm>>
    %dma_wait3A_90 = arith.constant 0 : i32
    %dma_wait3A_91 = tpu.memref_slice %arg4[%add3A_74, %dma_wait3A_90] : memref<204800x128xf32, #tpu.memory_space<hbm>> -> memref<384x128xf32, #tpu.memory_space<hbm>>
    %dma_wait3A_92 = arith.constant 0 : i32
    %dma_wait3A_93 = arith.constant 0 : i32
    %dma_wait3A_94 = tpu.memref_slice %arg6[%dma_wait3A_92, %dma_wait3A_93] : memref<384x128xf32, #tpu.memory_space<vmem>> -> memref<384x128xf32, #tpu.memory_space<vmem>>
    tpu.wait_dma2 semaphore(%arg10 : memref<!tpu.dma_semaphore, #tpu.memory_space<semaphore_mem>>) src(%dma_wait3A_94 : memref<384x128xf32, #tpu.memory_space<vmem>>) dst(%dma_wait3A_91 : memref<384x128xf32, #tpu.memory_space<hbm>>)
    %dma_start3A_95 = arith.constant 0 : i32
    %dma_start3A_96 = arith.constant 0 : i32
    %dma_start3A_97 = tpu.memref_slice %arg6[%dma_start3A_95, %dma_start3A_96] : memref<384x128xf32, #tpu.memory_space<vmem>> -> memref<128x128xf32, #tpu.memory_space<vmem>>
    %dma_start3A_98 = arith.constant 768 : i32
    %dma_start3A_99 = tpu.memref_slice %arg5[%dma_start3A_98] : memref<6400xi32, #tpu.memory_space<vmem>> -> memref<128xi32, #tpu.memory_space<vmem>>
    %dma_start3A_100 = arith.constant 0 : i32
    %dma_start3A_101 = arith.constant 0 : i32
    %dma_start3A_102 = tpu.memref_slice %arg3[%dma_start3A_100, %dma_start3A_101] : memref<100000x128xf32, #tpu.memory_space<hbm>> -> memref<100000x128xf32, #tpu.memory_space<hbm>>
    tpu.enqueue_indirect_dma source(%dma_start3A_102 : memref<100000x128xf32, #tpu.memory_space<hbm>>) target(%dma_start3A_97 : memref<128x128xf32, #tpu.memory_space<vmem>>) offsets(%dma_start3A_99 : memref<128xi32, #tpu.memory_space<vmem>>) semaphore(%arg8 : memref<!tpu.dma_semaphore, #tpu.memory_space<semaphore_mem>>)
    %dma_start3A_103 = arith.constant 128 : i32
    %dma_start3A_104 = arith.constant 0 : i32
    %dma_start3A_105 = tpu.memref_slice %arg6[%dma_start3A_103, %dma_start3A_104] : memref<384x128xf32, #tpu.memory_space<vmem>> -> memref<128x128xf32, #tpu.memory_space<vmem>>
    %dma_start3A_106 = arith.constant 896 : i32
    %dma_start3A_107 = tpu.memref_slice %arg5[%dma_start3A_106] : memref<6400xi32, #tpu.memory_space<vmem>> -> memref<128xi32, #tpu.memory_space<vmem>>
    %dma_start3A_108 = arith.constant 0 : i32
    %dma_start3A_109 = arith.constant 0 : i32
    %dma_start3A_110 = tpu.memref_slice %arg3[%dma_start3A_108, %dma_start3A_109] : memref<100000x128xf32, #tpu.memory_space<hbm>> -> memref<100000x128xf32, #tpu.memory_space<hbm>>
    tpu.enqueue_indirect_dma source(%dma_start3A_110 : memref<100000x128xf32, #tpu.memory_space<hbm>>) target(%dma_start3A_105 : memref<128x128xf32, #tpu.memory_space<vmem>>) offsets(%dma_start3A_107 : memref<128xi32, #tpu.memory_space<vmem>>) semaphore(%arg8 : memref<!tpu.dma_semaphore, #tpu.memory_space<semaphore_mem>>)
    %dma_start3A_111 = arith.constant 256 : i32
    %dma_start3A_112 = arith.constant 0 : i32
    %dma_start3A_113 = tpu.memref_slice %arg6[%dma_start3A_111, %dma_start3A_112] : memref<384x128xf32, #tpu.memory_space<vmem>> -> memref<128x128xf32, #tpu.memory_space<vmem>>
    %dma_start3A_114 = arith.constant 1024 : i32
    %dma_start3A_115 = tpu.memref_slice %arg5[%dma_start3A_114] : memref<6400xi32, #tpu.memory_space<vmem>> -> memref<128xi32, #tpu.memory_space<vmem>>
    %dma_start3A_116 = arith.constant 0 : i32
    %dma_start3A_117 = arith.constant 0 : i32
    %dma_start3A_118 = tpu.memref_slice %arg3[%dma_start3A_116, %dma_start3A_117] : memref<100000x128xf32, #tpu.memory_space<hbm>> -> memref<100000x128xf32, #tpu.memory_space<hbm>>
    tpu.enqueue_indirect_dma source(%dma_start3A_118 : memref<100000x128xf32, #tpu.memory_space<hbm>>) target(%dma_start3A_113 : memref<128x128xf32, #tpu.memory_space<vmem>>) offsets(%dma_start3A_115 : memref<128xi32, #tpu.memory_space<vmem>>) semaphore(%arg8 : memref<!tpu.dma_semaphore, #tpu.memory_space<semaphore_mem>>)
    %dma_wait3A_119 = arith.constant 0 : i32
    %dma_wait3A_120 = arith.constant 0 : i32
    %dma_wait3A_121 = tpu.memref_slice %arg7[%dma_wait3A_119, %dma_wait3A_120] : memref<384x128xf32, #tpu.memory_space<vmem>> -> memref<128x128xf32, #tpu.memory_space<vmem>>
    %dma_wait3A_122 = arith.constant 384 : i32
    %dma_wait3A_123 = tpu.memref_slice %arg5[%dma_wait3A_122] : memref<6400xi32, #tpu.memory_space<vmem>> -> memref<128xi32, #tpu.memory_space<vmem>>
    %dma_wait3A_124 = arith.constant 0 : i32
    %dma_wait3A_125 = arith.constant 0 : i32
    %dma_wait3A_126 = tpu.memref_slice %arg3[%dma_wait3A_124, %dma_wait3A_125] : memref<100000x128xf32, #tpu.memory_space<hbm>> -> memref<100000x128xf32, #tpu.memory_space<hbm>>
    tpu.wait_indirect_dma semaphore(%arg9 : memref<!tpu.dma_semaphore, #tpu.memory_space<semaphore_mem>>) src(%dma_wait3A_126 : memref<100000x128xf32, #tpu.memory_space<hbm>>) dst(%dma_wait3A_121 : memref<128x128xf32, #tpu.memory_space<vmem>>)
    %dma_wait3A_127 = arith.constant 128 : i32
    %dma_wait3A_128 = arith.constant 0 : i32
    %dma_wait3A_129 = tpu.memref_slice %arg7[%dma_wait3A_127, %dma_wait3A_128] : memref<384x128xf32, #tpu.memory_space<vmem>> -> memref<128x128xf32, #tpu.memory_space<vmem>>
    %dma_wait3A_130 = arith.constant 512 : i32
    %dma_wait3A_131 = tpu.memref_slice %arg5[%dma_wait3A_130] : memref<6400xi32, #tpu.memory_space<vmem>> -> memref<128xi32, #tpu.memory_space<vmem>>
    %dma_wait3A_132 = arith.constant 0 : i32
    %dma_wait3A_133 = arith.constant 0 : i32
    %dma_wait3A_134 = tpu.memref_slice %arg3[%dma_wait3A_132, %dma_wait3A_133] : memref<100000x128xf32, #tpu.memory_space<hbm>> -> memref<100000x128xf32, #tpu.memory_space<hbm>>
    tpu.wait_indirect_dma semaphore(%arg9 : memref<!tpu.dma_semaphore, #tpu.memory_space<semaphore_mem>>) src(%dma_wait3A_134 : memref<100000x128xf32, #tpu.memory_space<hbm>>) dst(%dma_wait3A_129 : memref<128x128xf32, #tpu.memory_space<vmem>>)
    %dma_wait3A_135 = arith.constant 256 : i32
    %dma_wait3A_136 = arith.constant 0 : i32
    %dma_wait3A_137 = tpu.memref_slice %arg7[%dma_wait3A_135, %dma_wait3A_136] : memref<384x128xf32, #tpu.memory_space<vmem>> -> memref<128x128xf32, #tpu.memory_space<vmem>>
    %dma_wait3A_138 = arith.constant 640 : i32
    %dma_wait3A_139 = tpu.memref_slice %arg5[%dma_wait3A_138] : memref<6400xi32, #tpu.memory_space<vmem>> -> memref<128xi32, #tpu.memory_space<vmem>>
    %dma_wait3A_140 = arith.constant 0 : i32
    %dma_wait3A_141 = arith.constant 0 : i32
    %dma_wait3A_142 = tpu.memref_slice %arg3[%dma_wait3A_140, %dma_wait3A_141] : memref<100000x128xf32, #tpu.memory_space<hbm>> -> memref<100000x128xf32, #tpu.memory_space<hbm>>
    tpu.wait_indirect_dma semaphore(%arg9 : memref<!tpu.dma_semaphore, #tpu.memory_space<semaphore_mem>>) src(%dma_wait3A_142 : memref<100000x128xf32, #tpu.memory_space<hbm>>) dst(%dma_wait3A_137 : memref<128x128xf32, #tpu.memory_space<vmem>>)
    %add3A_143 = arith.constant 384 : i32
    %add3A_144 = arith.addi %mul3A_2, %add3A_143 : i32
    %dma_start3A_145 = arith.constant 0 : i32
    %dma_start3A_146 = arith.constant 0 : i32
    %dma_start3A_147 = tpu.memref_slice %arg7[%dma_start3A_145, %dma_start3A_146] : memref<384x128xf32, #tpu.memory_space<vmem>> -> memref<384x128xf32, #tpu.memory_space<vmem>>
    %dma_start3A_148 = arith.constant 0 : i32
    %dma_start3A_149 = tpu.memref_slice %arg4[%add3A_144, %dma_start3A_148] : memref<204800x128xf32, #tpu.memory_space<hbm>> -> memref<384x128xf32, #tpu.memory_space<hbm>>
    %dma_start3A_150 = arith.constant 0 : i32
    %dma_start3A_151 = tpu.memref_slice %arg4[%add3A_144, %dma_start3A_150] : memref<204800x128xf32, #tpu.memory_space<hbm>> -> memref<384x128xf32, #tpu.memory_space<hbm>>
    %dma_start3A_152 = arith.constant 0 : i32
    %dma_start3A_153 = arith.constant 0 : i32
    %dma_start3A_154 = tpu.memref_slice %arg7[%dma_start3A_152, %dma_start3A_153] : memref<384x128xf32, #tpu.memory_space<vmem>> -> memref<384x128xf32, #tpu.memory_space<vmem>>
    tpu.enqueue_dma source(%dma_start3A_154 : memref<384x128xf32, #tpu.memory_space<vmem>>) target(%dma_start3A_151 : memref<384x128xf32, #tpu.memory_space<hbm>>) target_semaphore(%arg11 : memref<!tpu.dma_semaphore, #tpu.memory_space<semaphore_mem>>)
    %dma_wait3A_155 = arith.constant 0 : i32
    %dma_wait3A_156 = arith.constant 0 : i32
    %dma_wait3A_157 = tpu.memref_slice %arg7[%dma_wait3A_155, %dma_wait3A_156] : memref<384x128xf32, #tpu.memory_space<vmem>> -> memref<384x128xf32, #tpu.memory_space<vmem>>
    %dma_wait3A_158 = arith.constant 0 : i32
    %dma_wait3A_159 = tpu.memref_slice %arg4[%add3A_144, %dma_wait3A_158] : memref<204800x128xf32, #tpu.memory_space<hbm>> -> memref<384x128xf32, #tpu.memory_space<hbm>>
    %dma_wait3A_160 = arith.constant 0 : i32
    %dma_wait3A_161 = tpu.memref_slice %arg4[%add3A_144, %dma_wait3A_160] : memref<204800x128xf32, #tpu.memory_space<hbm>> -> memref<384x128xf32, #tpu.memory_space<hbm>>
    %dma_wait3A_162 = arith.constant 0 : i32
    %dma_wait3A_163 = arith.constant 0 : i32
    %dma_wait3A_164 = tpu.memref_slice %arg7[%dma_wait3A_162, %dma_wait3A_163] : memref<384x128xf32, #tpu.memory_space<vmem>> -> memref<384x128xf32, #tpu.memory_space<vmem>>
    tpu.wait_dma2 semaphore(%arg11 : memref<!tpu.dma_semaphore, #tpu.memory_space<semaphore_mem>>) src(%dma_wait3A_164 : memref<384x128xf32, #tpu.memory_space<vmem>>) dst(%dma_wait3A_161 : memref<384x128xf32, #tpu.memory_space<hbm>>)
    %dma_start3A_165 = arith.constant 0 : i32
    %dma_start3A_166 = arith.constant 0 : i32
    %dma_start3A_167 = tpu.memref_slice %arg7[%dma_start3A_165, %dma_start3A_166] : memref<384x128xf32, #tpu.memory_space<vmem>> -> memref<128x128xf32, #tpu.memory_space<vmem>>
    %dma_start3A_168 = arith.constant 1152 : i32
    %dma_start3A_169 = tpu.memref_slice %arg5[%dma_start3A_168] : memref<6400xi32, #tpu.memory_space<vmem>> -> memref<128xi32, #tpu.memory_space<vmem>>
    %dma_start3A_170 = arith.constant 0 : i32
    %dma_start3A_171 = arith.constant 0 : i32
    %dma_start3A_172 = tpu.memref_slice %arg3[%dma_start3A_170, %dma_start3A_171] : memref<100000x128xf32, #tpu.memory_space<hbm>> -> memref<100000x128xf32, #tpu.memory_space<hbm>>
    tpu.enqueue_indirect_dma source(%dma_start3A_172 : memref<100000x128xf32, #tpu.memory_space<hbm>>) target(%dma_start3A_167 : memref<128x128xf32, #tpu.memory_space<vmem>>) offsets(%dma_start3A_169 : memref<128xi32, #tpu.memory_space<vmem>>) semaphore(%arg9 : memref<!tpu.dma_semaphore, #tpu.memory_space<semaphore_mem>>)
    %dma_start3A_173 = arith.constant 128 : i32
    %dma_start3A_174 = arith.constant 0 : i32
    %dma_start3A_175 = tpu.memref_slice %arg7[%dma_start3A_173, %dma_start3A_174] : memref<384x128xf32, #tpu.memory_space<vmem>> -> memref<128x128xf32, #tpu.memory_space<vmem>>
    %dma_start3A_176 = arith.constant 1280 : i32
    %dma_start3A_177 = tpu.memref_slice %arg5[%dma_start3A_176] : memref<6400xi32, #tpu.memory_space<vmem>> -> memref<128xi32, #tpu.memory_space<vmem>>
    %dma_start3A_178 = arith.constant 0 : i32
    %dma_start3A_179 = arith.constant 0 : i32
    %dma_start3A_180 = tpu.memref_slice %arg3[%dma_start3A_178, %dma_start3A_179] : memref<100000x128xf32, #tpu.memory_space<hbm>> -> memref<100000x128xf32, #tpu.memory_space<hbm>>
    tpu.enqueue_indirect_dma source(%dma_start3A_180 : memref<100000x128xf32, #tpu.memory_space<hbm>>) target(%dma_start3A_175 : memref<128x128xf32, #tpu.memory_space<vmem>>) offsets(%dma_start3A_177 : memref<128xi32, #tpu.memory_space<vmem>>) semaphore(%arg9 : memref<!tpu.dma_semaphore, #tpu.memory_space<semaphore_mem>>)
    %dma_start3A_181 = arith.constant 256 : i32
    %dma_start3A_182 = arith.constant 0 : i32
    %dma_start3A_183 = tpu.memref_slice %arg7[%dma_start3A_181, %dma_start3A_182] : memref<384x128xf32, #tpu.memory_space<vmem>> -> memref<128x128xf32, #tpu.memory_space<vmem>>
    %dma_start3A_184 = arith.constant 1408 : i32
    %dma_start3A_185 = tpu.memref_slice %arg5[%dma_start3A_184] : memref<6400xi32, #tpu.memory_space<vmem>> -> memref<128xi32, #tpu.memory_space<vmem>>
    %dma_start3A_186 = arith.constant 0 : i32
    %dma_start3A_187 = arith.constant 0 : i32
    %dma_start3A_188 = tpu.memref_slice %arg3[%dma_start3A_186, %dma_start3A_187] : memref<100000x128xf32, #tpu.memory_space<hbm>> -> memref<100000x128xf32, #tpu.memory_space<hbm>>
    tpu.enqueue_indirect_dma source(%dma_start3A_188 : memref<100000x128xf32, #tpu.memory_space<hbm>>) target(%dma_start3A_183 : memref<128x128xf32, #tpu.memory_space<vmem>>) offsets(%dma_start3A_185 : memref<128xi32, #tpu.memory_space<vmem>>) semaphore(%arg9 : memref<!tpu.dma_semaphore, #tpu.memory_space<semaphore_mem>>)
    %dma_wait3A_189 = arith.constant 0 : i32
    %dma_wait3A_190 = arith.constant 0 : i32
    %dma_wait3A_191 = tpu.memref_slice %arg6[%dma_wait3A_189, %dma_wait3A_190] : memref<384x128xf32, #tpu.memory_space<vmem>> -> memref<128x128xf32, #tpu.memory_space<vmem>>
    %dma_wait3A_192 = arith.constant 768 : i32
    %dma_wait3A_193 = tpu.memref_slice %arg5[%dma_wait3A_192] : memref<6400xi32, #tpu.memory_space<vmem>> -> memref<128xi32, #tpu.memory_space<vmem>>
    %dma_wait3A_194 = arith.constant 0 : i32
    %dma_wait3A_195 = arith.constant 0 : i32
    %dma_wait3A_196 = tpu.memref_slice %arg3[%dma_wait3A_194, %dma_wait3A_195] : memref<100000x128xf32, #tpu.memory_space<hbm>> -> memref<100000x128xf32, #tpu.memory_space<hbm>>
    tpu.wait_indirect_dma semaphore(%arg8 : memref<!tpu.dma_semaphore, #tpu.memory_space<semaphore_mem>>) src(%dma_wait3A_196 : memref<100000x128xf32, #tpu.memory_space<hbm>>) dst(%dma_wait3A_191 : memref<128x128xf32, #tpu.memory_space<vmem>>)
    %dma_wait3A_197 = arith.constant 128 : i32
    %dma_wait3A_198 = arith.constant 0 : i32
    %dma_wait3A_199 = tpu.memref_slice %arg6[%dma_wait3A_197, %dma_wait3A_198] : memref<384x128xf32, #tpu.memory_space<vmem>> -> memref<128x128xf32, #tpu.memory_space<vmem>>
    %dma_wait3A_200 = arith.constant 896 : i32
    %dma_wait3A_201 = tpu.memref_slice %arg5[%dma_wait3A_200] : memref<6400xi32, #tpu.memory_space<vmem>> -> memref<128xi32, #tpu.memory_space<vmem>>
    %dma_wait3A_202 = arith.constant 0 : i32
    %dma_wait3A_203 = arith.constant 0 : i32
    %dma_wait3A_204 = tpu.memref_slice %arg3[%dma_wait3A_202, %dma_wait3A_203] : memref<100000x128xf32, #tpu.memory_space<hbm>> -> memref<100000x128xf32, #tpu.memory_space<hbm>>
    tpu.wait_indirect_dma semaphore(%arg8 : memref<!tpu.dma_semaphore, #tpu.memory_space<semaphore_mem>>) src(%dma_wait3A_204 : memref<100000x128xf32, #tpu.memory_space<hbm>>) dst(%dma_wait3A_199 : memref<128x128xf32, #tpu.memory_space<vmem>>)
    %dma_wait3A_205 = arith.constant 256 : i32
    %dma_wait3A_206 = arith.constant 0 : i32
    %dma_wait3A_207 = tpu.memref_slice %arg6[%dma_wait3A_205, %dma_wait3A_206] : memref<384x128xf32, #tpu.memory_space<vmem>> -> memref<128x128xf32, #tpu.memory_space<vmem>>
    %dma_wait3A_208 = arith.constant 1024 : i32
    %dma_wait3A_209 = tpu.memref_slice %arg5[%dma_wait3A_208] : memref<6400xi32, #tpu.memory_space<vmem>> -> memref<128xi32, #tpu.memory_space<vmem>>
    %dma_wait3A_210 = arith.constant 0 : i32
    %dma_wait3A_211 = arith.constant 0 : i32
    %dma_wait3A_212 = tpu.memref_slice %arg3[%dma_wait3A_210, %dma_wait3A_211] : memref<100000x128xf32, #tpu.memory_space<hbm>> -> memref<100000x128xf32, #tpu.memory_space<hbm>>
    tpu.wait_indirect_dma semaphore(%arg8 : memref<!tpu.dma_semaphore, #tpu.memory_space<semaphore_mem>>) src(%dma_wait3A_212 : memref<100000x128xf32, #tpu.memory_space<hbm>>) dst(%dma_wait3A_207 : memref<128x128xf32, #tpu.memory_space<vmem>>)
    %add3A_213 = arith.constant 768 : i32
    %add3A_214 = arith.addi %mul3A_2, %add3A_213 : i32
    %dma_start3A_215 = arith.constant 0 : i32
    %dma_start3A_216 = arith.constant 0 : i32
    %dma_start3A_217 = tpu.memref_slice %arg6[%dma_start3A_215, %dma_start3A_216] : memref<384x128xf32, #tpu.memory_space<vmem>> -> memref<384x128xf32, #tpu.memory_space<vmem>>
    %dma_start3A_218 = arith.constant 0 : i32
    %dma_start3A_219 = tpu.memref_slice %arg4[%add3A_214, %dma_start3A_218] : memref<204800x128xf32, #tpu.memory_space<hbm>> -> memref<384x128xf32, #tpu.memory_space<hbm>>
    %dma_start3A_220 = arith.constant 0 : i32
    %dma_start3A_221 = tpu.memref_slice %arg4[%add3A_214, %dma_start3A_220] : memref<204800x128xf32, #tpu.memory_space<hbm>> -> memref<384x128xf32, #tpu.memory_space<hbm>>
    %dma_start3A_222 = arith.constant 0 : i32
    %dma_start3A_223 = arith.constant 0 : i32
    %dma_start3A_224 = tpu.memref_slice %arg6[%dma_start3A_222, %dma_start3A_223] : memref<384x128xf32, #tpu.memory_space<vmem>> -> memref<384x128xf32, #tpu.memory_space<vmem>>
    tpu.enqueue_dma source(%dma_start3A_224 : memref<384x128xf32, #tpu.memory_space<vmem>>) target(%dma_start3A_221 : memref<384x128xf32, #tpu.memory_space<hbm>>) target_semaphore(%arg10 : memref<!tpu.dma_semaphore, #tpu.memory_space<semaphore_mem>>)
    %dma_wait3A_225 = arith.constant 0 : i32
    %dma_wait3A_226 = arith.constant 0 : i32
    %dma_wait3A_227 = tpu.memref_slice %arg6[%dma_wait3A_225, %dma_wait3A_226] : memref<384x128xf32, #tpu.memory_space<vmem>> -> memref<384x128xf32, #tpu.memory_space<vmem>>
    %dma_wait3A_228 = arith.constant 0 : i32
    %dma_wait3A_229 = tpu.memref_slice %arg4[%add3A_214, %dma_wait3A_228] : memref<204800x128xf32, #tpu.memory_space<hbm>> -> memref<384x128xf32, #tpu.memory_space<hbm>>
    %dma_wait3A_230 = arith.constant 0 : i32
    %dma_wait3A_231 = tpu.memref_slice %arg4[%add3A_214, %dma_wait3A_230] : memref<204800x128xf32, #tpu.memory_space<hbm>> -> memref<384x128xf32, #tpu.memory_space<hbm>>
    %dma_wait3A_232 = arith.constant 0 : i32
    %dma_wait3A_233 = arith.constant 0 : i32
    %dma_wait3A_234 = tpu.memref_slice %arg6[%dma_wait3A_232, %dma_wait3A_233] : memref<384x128xf32, #tpu.memory_space<vmem>> -> memref<384x128xf32, #tpu.memory_space<vmem>>
    tpu.wait_dma2 semaphore(%arg10 : memref<!tpu.dma_semaphore, #tpu.memory_space<semaphore_mem>>) src(%dma_wait3A_234 : memref<384x128xf32, #tpu.memory_space<vmem>>) dst(%dma_wait3A_231 : memref<384x128xf32, #tpu.memory_space<hbm>>)
    %dma_start3A_235 = arith.constant 0 : i32
    %dma_start3A_236 = arith.constant 0 : i32
    %dma_start3A_237 = tpu.memref_slice %arg6[%dma_start3A_235, %dma_start3A_236] : memref<384x128xf32, #tpu.memory_space<vmem>> -> memref<128x128xf32, #tpu.memory_space<vmem>>
    %dma_start3A_238 = arith.constant 1536 : i32
    %dma_start3A_239 = tpu.memref_slice %arg5[%dma_start3A_238] : memref<6400xi32, #tpu.memory_space<vmem>> -> memref<128xi32, #tpu.memory_space<vmem>>
    %dma_start3A_240 = arith.constant 0 : i32
    %dma_start3A_241 = arith.constant 0 : i32
    %dma_start3A_242 = tpu.memref_slice %arg3[%dma_start3A_240, %dma_start3A_241] : memref<100000x128xf32, #tpu.memory_space<hbm>> -> memref<100000x128xf32, #tpu.memory_space<hbm>>
    tpu.enqueue_indirect_dma source(%dma_start3A_242 : memref<100000x128xf32, #tpu.memory_space<hbm>>) target(%dma_start3A_237 : memref<128x128xf32, #tpu.memory_space<vmem>>) offsets(%dma_start3A_239 : memref<128xi32, #tpu.memory_space<vmem>>) semaphore(%arg8 : memref<!tpu.dma_semaphore, #tpu.memory_space<semaphore_mem>>)
    %dma_start3A_243 = arith.constant 128 : i32
    %dma_start3A_244 = arith.constant 0 : i32
    %dma_start3A_245 = tpu.memref_slice %arg6[%dma_start3A_243, %dma_start3A_244] : memref<384x128xf32, #tpu.memory_space<vmem>> -> memref<128x128xf32, #tpu.memory_space<vmem>>
    %dma_start3A_246 = arith.constant 1664 : i32
    %dma_start3A_247 = tpu.memref_slice %arg5[%dma_start3A_246] : memref<6400xi32, #tpu.memory_space<vmem>> -> memref<128xi32, #tpu.memory_space<vmem>>
    %dma_start3A_248 = arith.constant 0 : i32
    %dma_start3A_249 = arith.constant 0 : i32
    %dma_start3A_250 = tpu.memref_slice %arg3[%dma_start3A_248, %dma_start3A_249] : memref<100000x128xf32, #tpu.memory_space<hbm>> -> memref<100000x128xf32, #tpu.memory_space<hbm>>
    tpu.enqueue_indirect_dma source(%dma_start3A_250 : memref<100000x128xf32, #tpu.memory_space<hbm>>) target(%dma_start3A_245 : memref<128x128xf32, #tpu.memory_space<vmem>>) offsets(%dma_start3A_247 : memref<128xi32, #tpu.memory_space<vmem>>) semaphore(%arg8 : memref<!tpu.dma_semaphore, #tpu.memory_space<semaphore_mem>>)
    %dma_start3A_251 = arith.constant 256 : i32
    %dma_start3A_252 = arith.constant 0 : i32
    %dma_start3A_253 = tpu.memref_slice %arg6[%dma_start3A_251, %dma_start3A_252] : memref<384x128xf32, #tpu.memory_space<vmem>> -> memref<128x128xf32, #tpu.memory_space<vmem>>
    %dma_start3A_254 = arith.constant 1792 : i32
    %dma_start3A_255 = tpu.memref_slice %arg5[%dma_start3A_254] : memref<6400xi32, #tpu.memory_space<vmem>> -> memref<128xi32, #tpu.memory_space<vmem>>
    %dma_start3A_256 = arith.constant 0 : i32
    %dma_start3A_257 = arith.constant 0 : i32
    %dma_start3A_258 = tpu.memref_slice %arg3[%dma_start3A_256, %dma_start3A_257] : memref<100000x128xf32, #tpu.memory_space<hbm>> -> memref<100000x128xf32, #tpu.memory_space<hbm>>
    tpu.enqueue_indirect_dma source(%dma_start3A_258 : memref<100000x128xf32, #tpu.memory_space<hbm>>) target(%dma_start3A_253 : memref<128x128xf32, #tpu.memory_space<vmem>>) offsets(%dma_start3A_255 : memref<128xi32, #tpu.memory_space<vmem>>) semaphore(%arg8 : memref<!tpu.dma_semaphore, #tpu.memory_space<semaphore_mem>>)
    %dma_wait3A_259 = arith.constant 0 : i32
    %dma_wait3A_260 = arith.constant 0 : i32
    %dma_wait3A_261 = tpu.memref_slice %arg7[%dma_wait3A_259, %dma_wait3A_260] : memref<384x128xf32, #tpu.memory_space<vmem>> -> memref<128x128xf32, #tpu.memory_space<vmem>>
    %dma_wait3A_262 = arith.constant 1152 : i32
    %dma_wait3A_263 = tpu.memref_slice %arg5[%dma_wait3A_262] : memref<6400xi32, #tpu.memory_space<vmem>> -> memref<128xi32, #tpu.memory_space<vmem>>
    %dma_wait3A_264 = arith.constant 0 : i32
    %dma_wait3A_265 = arith.constant 0 : i32
    %dma_wait3A_266 = tpu.memref_slice %arg3[%dma_wait3A_264, %dma_wait3A_265] : memref<100000x128xf32, #tpu.memory_space<hbm>> -> memref<100000x128xf32, #tpu.memory_space<hbm>>
    tpu.wait_indirect_dma semaphore(%arg9 : memref<!tpu.dma_semaphore, #tpu.memory_space<semaphore_mem>>) src(%dma_wait3A_266 : memref<100000x128xf32, #tpu.memory_space<hbm>>) dst(%dma_wait3A_261 : memref<128x128xf32, #tpu.memory_space<vmem>>)
    %dma_wait3A_267 = arith.constant 128 : i32
    %dma_wait3A_268 = arith.constant 0 : i32
    %dma_wait3A_269 = tpu.memref_slice %arg7[%dma_wait3A_267, %dma_wait3A_268] : memref<384x128xf32, #tpu.memory_space<vmem>> -> memref<128x128xf32, #tpu.memory_space<vmem>>
    %dma_wait3A_270 = arith.constant 1280 : i32
    %dma_wait3A_271 = tpu.memref_slice %arg5[%dma_wait3A_270] : memref<6400xi32, #tpu.memory_space<vmem>> -> memref<128xi32, #tpu.memory_space<vmem>>
    %dma_wait3A_272 = arith.constant 0 : i32
    %dma_wait3A_273 = arith.constant 0 : i32
    %dma_wait3A_274 = tpu.memref_slice %arg3[%dma_wait3A_272, %dma_wait3A_273] : memref<100000x128xf32, #tpu.memory_space<hbm>> -> memref<100000x128xf32, #tpu.memory_space<hbm>>
    tpu.wait_indirect_dma semaphore(%arg9 : memref<!tpu.dma_semaphore, #tpu.memory_space<semaphore_mem>>) src(%dma_wait3A_274 : memref<100000x128xf32, #tpu.memory_space<hbm>>) dst(%dma_wait3A_269 : memref<128x128xf32, #tpu.memory_space<vmem>>)
    %dma_wait3A_275 = arith.constant 256 : i32
    %dma_wait3A_276 = arith.constant 0 : i32
    %dma_wait3A_277 = tpu.memref_slice %arg7[%dma_wait3A_275, %dma_wait3A_276] : memref<384x128xf32, #tpu.memory_space<vmem>> -> memref<128x128xf32, #tpu.memory_space<vmem>>
    %dma_wait3A_278 = arith.constant 1408 : i32
    %dma_wait3A_279 = tpu.memref_slice %arg5[%dma_wait3A_278] : memref<6400xi32, #tpu.memory_space<vmem>> -> memref<128xi32, #tpu.memory_space<vmem>>
    %dma_wait3A_280 = arith.constant 0 : i32
    %dma_wait3A_281 = arith.constant 0 : i32
    %dma_wait3A_282 = tpu.memref_slice %arg3[%dma_wait3A_280, %dma_wait3A_281] : memref<100000x128xf32, #tpu.memory_space<hbm>> -> memref<100000x128xf32, #tpu.memory_space<hbm>>
    tpu.wait_indirect_dma semaphore(%arg9 : memref<!tpu.dma_semaphore, #tpu.memory_space<semaphore_mem>>) src(%dma_wait3A_282 : memref<100000x128xf32, #tpu.memory_space<hbm>>) dst(%dma_wait3A_277 : memref<128x128xf32, #tpu.memory_space<vmem>>)
    %add3A_283 = arith.constant 1152 : i32
    %add3A_284 = arith.addi %mul3A_2, %add3A_283 : i32
    %dma_start3A_285 = arith.constant 0 : i32
    %dma_start3A_286 = arith.constant 0 : i32
    %dma_start3A_287 = tpu.memref_slice %arg7[%dma_start3A_285, %dma_start3A_286] : memref<384x128xf32, #tpu.memory_space<vmem>> -> memref<384x128xf32, #tpu.memory_space<vmem>>
    %dma_start3A_288 = arith.constant 0 : i32
    %dma_start3A_289 = tpu.memref_slice %arg4[%add3A_284, %dma_start3A_288] : memref<204800x128xf32, #tpu.memory_space<hbm>> -> memref<384x128xf32, #tpu.memory_space<hbm>>
    %dma_start3A_290 = arith.constant 0 : i32
    %dma_start3A_291 = tpu.memref_slice %arg4[%add3A_284, %dma_start3A_290] : memref<204800x128xf32, #tpu.memory_space<hbm>> -> memref<384x128xf32, #tpu.memory_space<hbm>>
    %dma_start3A_292 = arith.constant 0 : i32
    %dma_start3A_293 = arith.constant 0 : i32
    %dma_start3A_294 = tpu.memref_slice %arg7[%dma_start3A_292, %dma_start3A_293] : memref<384x128xf32, #tpu.memory_space<vmem>> -> memref<384x128xf32, #tpu.memory_space<vmem>>
    tpu.enqueue_dma source(%dma_start3A_294 : memref<384x128xf32, #tpu.memory_space<vmem>>) target(%dma_start3A_291 : memref<384x128xf32, #tpu.memory_space<hbm>>) target_semaphore(%arg11 : memref<!tpu.dma_semaphore, #tpu.memory_space<semaphore_mem>>)
    %dma_wait3A_295 = arith.constant 0 : i32
    %dma_wait3A_296 = arith.constant 0 : i32
    %dma_wait3A_297 = tpu.memref_slice %arg7[%dma_wait3A_295, %dma_wait3A_296] : memref<384x128xf32, #tpu.memory_space<vmem>> -> memref<384x128xf32, #tpu.memory_space<vmem>>
    %dma_wait3A_298 = arith.constant 0 : i32
    %dma_wait3A_299 = tpu.memref_slice %arg4[%add3A_284, %dma_wait3A_298] : memref<204800x128xf32, #tpu.memory_space<hbm>> -> memref<384x128xf32, #tpu.memory_space<hbm>>
    %dma_wait3A_300 = arith.constant 0 : i32
    %dma_wait3A_301 = tpu.memref_slice %arg4[%add3A_284, %dma_wait3A_300] : memref<204800x128xf32, #tpu.memory_space<hbm>> -> memref<384x128xf32, #tpu.memory_space<hbm>>
    %dma_wait3A_302 = arith.constant 0 : i32
    %dma_wait3A_303 = arith.constant 0 : i32
    %dma_wait3A_304 = tpu.memref_slice %arg7[%dma_wait3A_302, %dma_wait3A_303] : memref<384x128xf32, #tpu.memory_space<vmem>> -> memref<384x128xf32, #tpu.memory_space<vmem>>
    tpu.wait_dma2 semaphore(%arg11 : memref<!tpu.dma_semaphore, #tpu.memory_space<semaphore_mem>>) src(%dma_wait3A_304 : memref<384x128xf32, #tpu.memory_space<vmem>>) dst(%dma_wait3A_301 : memref<384x128xf32, #tpu.memory_space<hbm>>)
    %dma_start3A_305 = arith.constant 0 : i32
    %dma_start3A_306 = arith.constant 0 : i32
    %dma_start3A_307 = tpu.memref_slice %arg7[%dma_start3A_305, %dma_start3A_306] : memref<384x128xf32, #tpu.memory_space<vmem>> -> memref<128x128xf32, #tpu.memory_space<vmem>>
    %dma_start3A_308 = arith.constant 1920 : i32
    %dma_start3A_309 = tpu.memref_slice %arg5[%dma_start3A_308] : memref<6400xi32, #tpu.memory_space<vmem>> -> memref<128xi32, #tpu.memory_space<vmem>>
    %dma_start3A_310 = arith.constant 0 : i32
    %dma_start3A_311 = arith.constant 0 : i32
    %dma_start3A_312 = tpu.memref_slice %arg3[%dma_start3A_310, %dma_start3A_311] : memref<100000x128xf32, #tpu.memory_space<hbm>> -> memref<100000x128xf32, #tpu.memory_space<hbm>>
    tpu.enqueue_indirect_dma source(%dma_start3A_312 : memref<100000x128xf32, #tpu.memory_space<hbm>>) target(%dma_start3A_307 : memref<128x128xf32, #tpu.memory_space<vmem>>) offsets(%dma_start3A_309 : memref<128xi32, #tpu.memory_space<vmem>>) semaphore(%arg9 : memref<!tpu.dma_semaphore, #tpu.memory_space<semaphore_mem>>)
    %dma_start3A_313 = arith.constant 128 : i32
    %dma_start3A_314 = arith.constant 0 : i32
    %dma_start3A_315 = tpu.memref_slice %arg7[%dma_start3A_313, %dma_start3A_314] : memref<384x128xf32, #tpu.memory_space<vmem>> -> memref<128x128xf32, #tpu.memory_space<vmem>>
    %dma_start3A_316 = arith.constant 2048 : i32
    %dma_start3A_317 = tpu.memref_slice %arg5[%dma_start3A_316] : memref<6400xi32, #tpu.memory_space<vmem>> -> memref<128xi32, #tpu.memory_space<vmem>>
    %dma_start3A_318 = arith.constant 0 : i32
    %dma_start3A_319 = arith.constant 0 : i32
    %dma_start3A_320 = tpu.memref_slice %arg3[%dma_start3A_318, %dma_start3A_319] : memref<100000x128xf32, #tpu.memory_space<hbm>> -> memref<100000x128xf32, #tpu.memory_space<hbm>>
    tpu.enqueue_indirect_dma source(%dma_start3A_320 : memref<100000x128xf32, #tpu.memory_space<hbm>>) target(%dma_start3A_315 : memref<128x128xf32, #tpu.memory_space<vmem>>) offsets(%dma_start3A_317 : memref<128xi32, #tpu.memory_space<vmem>>) semaphore(%arg9 : memref<!tpu.dma_semaphore, #tpu.memory_space<semaphore_mem>>)
    %dma_start3A_321 = arith.constant 256 : i32
    %dma_start3A_322 = arith.constant 0 : i32
    %dma_start3A_323 = tpu.memref_slice %arg7[%dma_start3A_321, %dma_start3A_322] : memref<384x128xf32, #tpu.memory_space<vmem>> -> memref<128x128xf32, #tpu.memory_space<vmem>>
    %dma_start3A_324 = arith.constant 2176 : i32
    %dma_start3A_325 = tpu.memref_slice %arg5[%dma_start3A_324] : memref<6400xi32, #tpu.memory_space<vmem>> -> memref<128xi32, #tpu.memory_space<vmem>>
    %dma_start3A_326 = arith.constant 0 : i32
    %dma_start3A_327 = arith.constant 0 : i32
    %dma_start3A_328 = tpu.memref_slice %arg3[%dma_start3A_326, %dma_start3A_327] : memref<100000x128xf32, #tpu.memory_space<hbm>> -> memref<100000x128xf32, #tpu.memory_space<hbm>>
    tpu.enqueue_indirect_dma source(%dma_start3A_328 : memref<100000x128xf32, #tpu.memory_space<hbm>>) target(%dma_start3A_323 : memref<128x128xf32, #tpu.memory_space<vmem>>) offsets(%dma_start3A_325 : memref<128xi32, #tpu.memory_space<vmem>>) semaphore(%arg9 : memref<!tpu.dma_semaphore, #tpu.memory_space<semaphore_mem>>)
    %dma_wait3A_329 = arith.constant 0 : i32
    %dma_wait3A_330 = arith.constant 0 : i32
    %dma_wait3A_331 = tpu.memref_slice %arg6[%dma_wait3A_329, %dma_wait3A_330] : memref<384x128xf32, #tpu.memory_space<vmem>> -> memref<128x128xf32, #tpu.memory_space<vmem>>
    %dma_wait3A_332 = arith.constant 1536 : i32
    %dma_wait3A_333 = tpu.memref_slice %arg5[%dma_wait3A_332] : memref<6400xi32, #tpu.memory_space<vmem>> -> memref<128xi32, #tpu.memory_space<vmem>>
    %dma_wait3A_334 = arith.constant 0 : i32
    %dma_wait3A_335 = arith.constant 0 : i32
    %dma_wait3A_336 = tpu.memref_slice %arg3[%dma_wait3A_334, %dma_wait3A_335] : memref<100000x128xf32, #tpu.memory_space<hbm>> -> memref<100000x128xf32, #tpu.memory_space<hbm>>
    tpu.wait_indirect_dma semaphore(%arg8 : memref<!tpu.dma_semaphore, #tpu.memory_space<semaphore_mem>>) src(%dma_wait3A_336 : memref<100000x128xf32, #tpu.memory_space<hbm>>) dst(%dma_wait3A_331 : memref<128x128xf32, #tpu.memory_space<vmem>>)
    %dma_wait3A_337 = arith.constant 128 : i32
    %dma_wait3A_338 = arith.constant 0 : i32
    %dma_wait3A_339 = tpu.memref_slice %arg6[%dma_wait3A_337, %dma_wait3A_338] : memref<384x128xf32, #tpu.memory_space<vmem>> -> memref<128x128xf32, #tpu.memory_space<vmem>>
    %dma_wait3A_340 = arith.constant 1664 : i32
    %dma_wait3A_341 = tpu.memref_slice %arg5[%dma_wait3A_340] : memref<6400xi32, #tpu.memory_space<vmem>> -> memref<128xi32, #tpu.memory_space<vmem>>
    %dma_wait3A_342 = arith.constant 0 : i32
    %dma_wait3A_343 = arith.constant 0 : i32
    %dma_wait3A_344 = tpu.memref_slice %arg3[%dma_wait3A_342, %dma_wait3A_343] : memref<100000x128xf32, #tpu.memory_space<hbm>> -> memref<100000x128xf32, #tpu.memory_space<hbm>>
    tpu.wait_indirect_dma semaphore(%arg8 : memref<!tpu.dma_semaphore, #tpu.memory_space<semaphore_mem>>) src(%dma_wait3A_344 : memref<100000x128xf32, #tpu.memory_space<hbm>>) dst(%dma_wait3A_339 : memref<128x128xf32, #tpu.memory_space<vmem>>)
    %dma_wait3A_345 = arith.constant 256 : i32
    %dma_wait3A_346 = arith.constant 0 : i32
    %dma_wait3A_347 = tpu.memref_slice %arg6[%dma_wait3A_345, %dma_wait3A_346] : memref<384x128xf32, #tpu.memory_space<vmem>> -> memref<128x128xf32, #tpu.memory_space<vmem>>
    %dma_wait3A_348 = arith.constant 1792 : i32
    %dma_wait3A_349 = tpu.memref_slice %arg5[%dma_wait3A_348] : memref<6400xi32, #tpu.memory_space<vmem>> -> memref<128xi32, #tpu.memory_space<vmem>>
    %dma_wait3A_350 = arith.constant 0 : i32
    %dma_wait3A_351 = arith.constant 0 : i32
    %dma_wait3A_352 = tpu.memref_slice %arg3[%dma_wait3A_350, %dma_wait3A_351] : memref<100000x128xf32, #tpu.memory_space<hbm>> -> memref<100000x128xf32, #tpu.memory_space<hbm>>
    tpu.wait_indirect_dma semaphore(%arg8 : memref<!tpu.dma_semaphore, #tpu.memory_space<semaphore_mem>>) src(%dma_wait3A_352 : memref<100000x128xf32, #tpu.memory_space<hbm>>) dst(%dma_wait3A_347 : memref<128x128xf32, #tpu.memory_space<vmem>>)
    %add3A_353 = arith.constant 1536 : i32
    %add3A_354 = arith.addi %mul3A_2, %add3A_353 : i32
    %dma_start3A_355 = arith.constant 0 : i32
    %dma_start3A_356 = arith.constant 0 : i32
    %dma_start3A_357 = tpu.memref_slice %arg6[%dma_start3A_355, %dma_start3A_356] : memref<384x128xf32, #tpu.memory_space<vmem>> -> memref<384x128xf32, #tpu.memory_space<vmem>>
    %dma_start3A_358 = arith.constant 0 : i32
    %dma_start3A_359 = tpu.memref_slice %arg4[%add3A_354, %dma_start3A_358] : memref<204800x128xf32, #tpu.memory_space<hbm>> -> memref<384x128xf32, #tpu.memory_space<hbm>>
    %dma_start3A_360 = arith.constant 0 : i32
    %dma_start3A_361 = tpu.memref_slice %arg4[%add3A_354, %dma_start3A_360] : memref<204800x128xf32, #tpu.memory_space<hbm>> -> memref<384x128xf32, #tpu.memory_space<hbm>>
    %dma_start3A_362 = arith.constant 0 : i32
    %dma_start3A_363 = arith.constant 0 : i32
    %dma_start3A_364 = tpu.memref_slice %arg6[%dma_start3A_362, %dma_start3A_363] : memref<384x128xf32, #tpu.memory_space<vmem>> -> memref<384x128xf32, #tpu.memory_space<vmem>>
    tpu.enqueue_dma source(%dma_start3A_364 : memref<384x128xf32, #tpu.memory_space<vmem>>) target(%dma_start3A_361 : memref<384x128xf32, #tpu.memory_space<hbm>>) target_semaphore(%arg10 : memref<!tpu.dma_semaphore, #tpu.memory_space<semaphore_mem>>)
    %dma_wait3A_365 = arith.constant 0 : i32
    %dma_wait3A_366 = arith.constant 0 : i32
    %dma_wait3A_367 = tpu.memref_slice %arg6[%dma_wait3A_365, %dma_wait3A_366] : memref<384x128xf32, #tpu.memory_space<vmem>> -> memref<384x128xf32, #tpu.memory_space<vmem>>
    %dma_wait3A_368 = arith.constant 0 : i32
    %dma_wait3A_369 = tpu.memref_slice %arg4[%add3A_354, %dma_wait3A_368] : memref<204800x128xf32, #tpu.memory_space<hbm>> -> memref<384x128xf32, #tpu.memory_space<hbm>>
    %dma_wait3A_370 = arith.constant 0 : i32
    %dma_wait3A_371 = tpu.memref_slice %arg4[%add3A_354, %dma_wait3A_370] : memref<204800x128xf32, #tpu.memory_space<hbm>> -> memref<384x128xf32, #tpu.memory_space<hbm>>
    %dma_wait3A_372 = arith.constant 0 : i32
    %dma_wait3A_373 = arith.constant 0 : i32
    %dma_wait3A_374 = tpu.memref_slice %arg6[%dma_wait3A_372, %dma_wait3A_373] : memref<384x128xf32, #tpu.memory_space<vmem>> -> memref<384x128xf32, #tpu.memory_space<vmem>>
    tpu.wait_dma2 semaphore(%arg10 : memref<!tpu.dma_semaphore, #tpu.memory_space<semaphore_mem>>) src(%dma_wait3A_374 : memref<384x128xf32, #tpu.memory_space<vmem>>) dst(%dma_wait3A_371 : memref<384x128xf32, #tpu.memory_space<hbm>>)
    %dma_start3A_375 = arith.constant 0 : i32
    %dma_start3A_376 = arith.constant 0 : i32
    %dma_start3A_377 = tpu.memref_slice %arg6[%dma_start3A_375, %dma_start3A_376] : memref<384x128xf32, #tpu.memory_space<vmem>> -> memref<128x128xf32, #tpu.memory_space<vmem>>
    %dma_start3A_378 = arith.constant 2304 : i32
    %dma_start3A_379 = tpu.memref_slice %arg5[%dma_start3A_378] : memref<6400xi32, #tpu.memory_space<vmem>> -> memref<128xi32, #tpu.memory_space<vmem>>
    %dma_start3A_380 = arith.constant 0 : i32
    %dma_start3A_381 = arith.constant 0 : i32
    %dma_start3A_382 = tpu.memref_slice %arg3[%dma_start3A_380, %dma_start3A_381] : memref<100000x128xf32, #tpu.memory_space<hbm>> -> memref<100000x128xf32, #tpu.memory_space<hbm>>
    tpu.enqueue_indirect_dma source(%dma_start3A_382 : memref<100000x128xf32, #tpu.memory_space<hbm>>) target(%dma_start3A_377 : memref<128x128xf32, #tpu.memory_space<vmem>>) offsets(%dma_start3A_379 : memref<128xi32, #tpu.memory_space<vmem>>) semaphore(%arg8 : memref<!tpu.dma_semaphore, #tpu.memory_space<semaphore_mem>>)
    %dma_start3A_383 = arith.constant 128 : i32
    %dma_start3A_384 = arith.constant 0 : i32
    %dma_start3A_385 = tpu.memref_slice %arg6[%dma_start3A_383, %dma_start3A_384] : memref<384x128xf32, #tpu.memory_space<vmem>> -> memref<128x128xf32, #tpu.memory_space<vmem>>
    %dma_start3A_386 = arith.constant 2432 : i32
    %dma_start3A_387 = tpu.memref_slice %arg5[%dma_start3A_386] : memref<6400xi32, #tpu.memory_space<vmem>> -> memref<128xi32, #tpu.memory_space<vmem>>
    %dma_start3A_388 = arith.constant 0 : i32
    %dma_start3A_389 = arith.constant 0 : i32
    %dma_start3A_390 = tpu.memref_slice %arg3[%dma_start3A_388, %dma_start3A_389] : memref<100000x128xf32, #tpu.memory_space<hbm>> -> memref<100000x128xf32, #tpu.memory_space<hbm>>
    tpu.enqueue_indirect_dma source(%dma_start3A_390 : memref<100000x128xf32, #tpu.memory_space<hbm>>) target(%dma_start3A_385 : memref<128x128xf32, #tpu.memory_space<vmem>>) offsets(%dma_start3A_387 : memref<128xi32, #tpu.memory_space<vmem>>) semaphore(%arg8 : memref<!tpu.dma_semaphore, #tpu.memory_space<semaphore_mem>>)
    %dma_start3A_391 = arith.constant 256 : i32
    %dma_start3A_392 = arith.constant 0 : i32
    %dma_start3A_393 = tpu.memref_slice %arg6[%dma_start3A_391, %dma_start3A_392] : memref<384x128xf32, #tpu.memory_space<vmem>> -> memref<128x128xf32, #tpu.memory_space<vmem>>
    %dma_start3A_394 = arith.constant 2560 : i32
    %dma_start3A_395 = tpu.memref_slice %arg5[%dma_start3A_394] : memref<6400xi32, #tpu.memory_space<vmem>> -> memref<128xi32, #tpu.memory_space<vmem>>
    %dma_start3A_396 = arith.constant 0 : i32
    %dma_start3A_397 = arith.constant 0 : i32
    %dma_start3A_398 = tpu.memref_slice %arg3[%dma_start3A_396, %dma_start3A_397] : memref<100000x128xf32, #tpu.memory_space<hbm>> -> memref<100000x128xf32, #tpu.memory_space<hbm>>
    tpu.enqueue_indirect_dma source(%dma_start3A_398 : memref<100000x128xf32, #tpu.memory_space<hbm>>) target(%dma_start3A_393 : memref<128x128xf32, #tpu.memory_space<vmem>>) offsets(%dma_start3A_395 : memref<128xi32, #tpu.memory_space<vmem>>) semaphore(%arg8 : memref<!tpu.dma_semaphore, #tpu.memory_space<semaphore_mem>>)
    %dma_wait3A_399 = arith.constant 0 : i32
    %dma_wait3A_400 = arith.constant 0 : i32
    %dma_wait3A_401 = tpu.memref_slice %arg7[%dma_wait3A_399, %dma_wait3A_400] : memref<384x128xf32, #tpu.memory_space<vmem>> -> memref<128x128xf32, #tpu.memory_space<vmem>>
    %dma_wait3A_402 = arith.constant 1920 : i32
    %dma_wait3A_403 = tpu.memref_slice %arg5[%dma_wait3A_402] : memref<6400xi32, #tpu.memory_space<vmem>> -> memref<128xi32, #tpu.memory_space<vmem>>
    %dma_wait3A_404 = arith.constant 0 : i32
    %dma_wait3A_405 = arith.constant 0 : i32
    %dma_wait3A_406 = tpu.memref_slice %arg3[%dma_wait3A_404, %dma_wait3A_405] : memref<100000x128xf32, #tpu.memory_space<hbm>> -> memref<100000x128xf32, #tpu.memory_space<hbm>>
    tpu.wait_indirect_dma semaphore(%arg9 : memref<!tpu.dma_semaphore, #tpu.memory_space<semaphore_mem>>) src(%dma_wait3A_406 : memref<100000x128xf32, #tpu.memory_space<hbm>>) dst(%dma_wait3A_401 : memref<128x128xf32, #tpu.memory_space<vmem>>)
    %dma_wait3A_407 = arith.constant 128 : i32
    %dma_wait3A_408 = arith.constant 0 : i32
    %dma_wait3A_409 = tpu.memref_slice %arg7[%dma_wait3A_407, %dma_wait3A_408] : memref<384x128xf32, #tpu.memory_space<vmem>> -> memref<128x128xf32, #tpu.memory_space<vmem>>
    %dma_wait3A_410 = arith.constant 2048 : i32
    %dma_wait3A_411 = tpu.memref_slice %arg5[%dma_wait3A_410] : memref<6400xi32, #tpu.memory_space<vmem>> -> memref<128xi32, #tpu.memory_space<vmem>>
    %dma_wait3A_412 = arith.constant 0 : i32
    %dma_wait3A_413 = arith.constant 0 : i32
    %dma_wait3A_414 = tpu.memref_slice %arg3[%dma_wait3A_412, %dma_wait3A_413] : memref<100000x128xf32, #tpu.memory_space<hbm>> -> memref<100000x128xf32, #tpu.memory_space<hbm>>
    tpu.wait_indirect_dma semaphore(%arg9 : memref<!tpu.dma_semaphore, #tpu.memory_space<semaphore_mem>>) src(%dma_wait3A_414 : memref<100000x128xf32, #tpu.memory_space<hbm>>) dst(%dma_wait3A_409 : memref<128x128xf32, #tpu.memory_space<vmem>>)
    %dma_wait3A_415 = arith.constant 256 : i32
    %dma_wait3A_416 = arith.constant 0 : i32
    %dma_wait3A_417 = tpu.memref_slice %arg7[%dma_wait3A_415, %dma_wait3A_416] : memref<384x128xf32, #tpu.memory_space<vmem>> -> memref<128x128xf32, #tpu.memory_space<vmem>>
    %dma_wait3A_418 = arith.constant 2176 : i32
    %dma_wait3A_419 = tpu.memref_slice %arg5[%dma_wait3A_418] : memref<6400xi32, #tpu.memory_space<vmem>> -> memref<128xi32, #tpu.memory_space<vmem>>
    %dma_wait3A_420 = arith.constant 0 : i32
    %dma_wait3A_421 = arith.constant 0 : i32
    %dma_wait3A_422 = tpu.memref_slice %arg3[%dma_wait3A_420, %dma_wait3A_421] : memref<100000x128xf32, #tpu.memory_space<hbm>> -> memref<100000x128xf32, #tpu.memory_space<hbm>>
    tpu.wait_indirect_dma semaphore(%arg9 : memref<!tpu.dma_semaphore, #tpu.memory_space<semaphore_mem>>) src(%dma_wait3A_422 : memref<100000x128xf32, #tpu.memory_space<hbm>>) dst(%dma_wait3A_417 : memref<128x128xf32, #tpu.memory_space<vmem>>)
    %add3A_423 = arith.constant 1920 : i32
    %add3A_424 = arith.addi %mul3A_2, %add3A_423 : i32
    %dma_start3A_425 = arith.constant 0 : i32
    %dma_start3A_426 = arith.constant 0 : i32
    %dma_start3A_427 = tpu.memref_slice %arg7[%dma_start3A_425, %dma_start3A_426] : memref<384x128xf32, #tpu.memory_space<vmem>> -> memref<384x128xf32, #tpu.memory_space<vmem>>
    %dma_start3A_428 = arith.constant 0 : i32
    %dma_start3A_429 = tpu.memref_slice %arg4[%add3A_424, %dma_start3A_428] : memref<204800x128xf32, #tpu.memory_space<hbm>> -> memref<384x128xf32, #tpu.memory_space<hbm>>
    %dma_start3A_430 = arith.constant 0 : i32
    %dma_start3A_431 = tpu.memref_slice %arg4[%add3A_424, %dma_start3A_430] : memref<204800x128xf32, #tpu.memory_space<hbm>> -> memref<384x128xf32, #tpu.memory_space<hbm>>
    %dma_start3A_432 = arith.constant 0 : i32
    %dma_start3A_433 = arith.constant 0 : i32
    %dma_start3A_434 = tpu.memref_slice %arg7[%dma_start3A_432, %dma_start3A_433] : memref<384x128xf32, #tpu.memory_space<vmem>> -> memref<384x128xf32, #tpu.memory_space<vmem>>
    tpu.enqueue_dma source(%dma_start3A_434 : memref<384x128xf32, #tpu.memory_space<vmem>>) target(%dma_start3A_431 : memref<384x128xf32, #tpu.memory_space<hbm>>) target_semaphore(%arg11 : memref<!tpu.dma_semaphore, #tpu.memory_space<semaphore_mem>>)
    %dma_wait3A_435 = arith.constant 0 : i32
    %dma_wait3A_436 = arith.constant 0 : i32
    %dma_wait3A_437 = tpu.memref_slice %arg7[%dma_wait3A_435, %dma_wait3A_436] : memref<384x128xf32, #tpu.memory_space<vmem>> -> memref<384x128xf32, #tpu.memory_space<vmem>>
    %dma_wait3A_438 = arith.constant 0 : i32
    %dma_wait3A_439 = tpu.memref_slice %arg4[%add3A_424, %dma_wait3A_438] : memref<204800x128xf32, #tpu.memory_space<hbm>> -> memref<384x128xf32, #tpu.memory_space<hbm>>
    %dma_wait3A_440 = arith.constant 0 : i32
    %dma_wait3A_441 = tpu.memref_slice %arg4[%add3A_424, %dma_wait3A_440] : memref<204800x128xf32, #tpu.memory_space<hbm>> -> memref<384x128xf32, #tpu.memory_space<hbm>>
    %dma_wait3A_442 = arith.constant 0 : i32
    %dma_wait3A_443 = arith.constant 0 : i32
    %dma_wait3A_444 = tpu.memref_slice %arg7[%dma_wait3A_442, %dma_wait3A_443] : memref<384x128xf32, #tpu.memory_space<vmem>> -> memref<384x128xf32, #tpu.memory_space<vmem>>
    tpu.wait_dma2 semaphore(%arg11 : memref<!tpu.dma_semaphore, #tpu.memory_space<semaphore_mem>>) src(%dma_wait3A_444 : memref<384x128xf32, #tpu.memory_space<vmem>>) dst(%dma_wait3A_441 : memref<384x128xf32, #tpu.memory_space<hbm>>)
    %dma_start3A_445 = arith.constant 0 : i32
    %dma_start3A_446 = arith.constant 0 : i32
    %dma_start3A_447 = tpu.memref_slice %arg7[%dma_start3A_445, %dma_start3A_446] : memref<384x128xf32, #tpu.memory_space<vmem>> -> memref<128x128xf32, #tpu.memory_space<vmem>>
    %dma_start3A_448 = arith.constant 2688 : i32
    %dma_start3A_449 = tpu.memref_slice %arg5[%dma_start3A_448] : memref<6400xi32, #tpu.memory_space<vmem>> -> memref<128xi32, #tpu.memory_space<vmem>>
    %dma_start3A_450 = arith.constant 0 : i32
    %dma_start3A_451 = arith.constant 0 : i32
    %dma_start3A_452 = tpu.memref_slice %arg3[%dma_start3A_450, %dma_start3A_451] : memref<100000x128xf32, #tpu.memory_space<hbm>> -> memref<100000x128xf32, #tpu.memory_space<hbm>>
    tpu.enqueue_indirect_dma source(%dma_start3A_452 : memref<100000x128xf32, #tpu.memory_space<hbm>>) target(%dma_start3A_447 : memref<128x128xf32, #tpu.memory_space<vmem>>) offsets(%dma_start3A_449 : memref<128xi32, #tpu.memory_space<vmem>>) semaphore(%arg9 : memref<!tpu.dma_semaphore, #tpu.memory_space<semaphore_mem>>)
    %dma_start3A_453 = arith.constant 128 : i32
    %dma_start3A_454 = arith.constant 0 : i32
    %dma_start3A_455 = tpu.memref_slice %arg7[%dma_start3A_453, %dma_start3A_454] : memref<384x128xf32, #tpu.memory_space<vmem>> -> memref<128x128xf32, #tpu.memory_space<vmem>>
    %dma_start3A_456 = arith.constant 2816 : i32
    %dma_start3A_457 = tpu.memref_slice %arg5[%dma_start3A_456] : memref<6400xi32, #tpu.memory_space<vmem>> -> memref<128xi32, #tpu.memory_space<vmem>>
    %dma_start3A_458 = arith.constant 0 : i32
    %dma_start3A_459 = arith.constant 0 : i32
    %dma_start3A_460 = tpu.memref_slice %arg3[%dma_start3A_458, %dma_start3A_459] : memref<100000x128xf32, #tpu.memory_space<hbm>> -> memref<100000x128xf32, #tpu.memory_space<hbm>>
    tpu.enqueue_indirect_dma source(%dma_start3A_460 : memref<100000x128xf32, #tpu.memory_space<hbm>>) target(%dma_start3A_455 : memref<128x128xf32, #tpu.memory_space<vmem>>) offsets(%dma_start3A_457 : memref<128xi32, #tpu.memory_space<vmem>>) semaphore(%arg9 : memref<!tpu.dma_semaphore, #tpu.memory_space<semaphore_mem>>)
    %dma_start3A_461 = arith.constant 256 : i32
    %dma_start3A_462 = arith.constant 0 : i32
    %dma_start3A_463 = tpu.memref_slice %arg7[%dma_start3A_461, %dma_start3A_462] : memref<384x128xf32, #tpu.memory_space<vmem>> -> memref<128x128xf32, #tpu.memory_space<vmem>>
    %dma_start3A_464 = arith.constant 2944 : i32
    %dma_start3A_465 = tpu.memref_slice %arg5[%dma_start3A_464] : memref<6400xi32, #tpu.memory_space<vmem>> -> memref<128xi32, #tpu.memory_space<vmem>>
    %dma_start3A_466 = arith.constant 0 : i32
    %dma_start3A_467 = arith.constant 0 : i32
    %dma_start3A_468 = tpu.memref_slice %arg3[%dma_start3A_466, %dma_start3A_467] : memref<100000x128xf32, #tpu.memory_space<hbm>> -> memref<100000x128xf32, #tpu.memory_space<hbm>>
    tpu.enqueue_indirect_dma source(%dma_start3A_468 : memref<100000x128xf32, #tpu.memory_space<hbm>>) target(%dma_start3A_463 : memref<128x128xf32, #tpu.memory_space<vmem>>) offsets(%dma_start3A_465 : memref<128xi32, #tpu.memory_space<vmem>>) semaphore(%arg9 : memref<!tpu.dma_semaphore, #tpu.memory_space<semaphore_mem>>)
    %dma_wait3A_469 = arith.constant 0 : i32
    %dma_wait3A_470 = arith.constant 0 : i32
    %dma_wait3A_471 = tpu.memref_slice %arg6[%dma_wait3A_469, %dma_wait3A_470] : memref<384x128xf32, #tpu.memory_space<vmem>> -> memref<128x128xf32, #tpu.memory_space<vmem>>
    %dma_wait3A_472 = arith.constant 2304 : i32
    %dma_wait3A_473 = tpu.memref_slice %arg5[%dma_wait3A_472] : memref<6400xi32, #tpu.memory_space<vmem>> -> memref<128xi32, #tpu.memory_space<vmem>>
    %dma_wait3A_474 = arith.constant 0 : i32
    %dma_wait3A_475 = arith.constant 0 : i32
    %dma_wait3A_476 = tpu.memref_slice %arg3[%dma_wait3A_474, %dma_wait3A_475] : memref<100000x128xf32, #tpu.memory_space<hbm>> -> memref<100000x128xf32, #tpu.memory_space<hbm>>
    tpu.wait_indirect_dma semaphore(%arg8 : memref<!tpu.dma_semaphore, #tpu.memory_space<semaphore_mem>>) src(%dma_wait3A_476 : memref<100000x128xf32, #tpu.memory_space<hbm>>) dst(%dma_wait3A_471 : memref<128x128xf32, #tpu.memory_space<vmem>>)
    %dma_wait3A_477 = arith.constant 128 : i32
    %dma_wait3A_478 = arith.constant 0 : i32
    %dma_wait3A_479 = tpu.memref_slice %arg6[%dma_wait3A_477, %dma_wait3A_478] : memref<384x128xf32, #tpu.memory_space<vmem>> -> memref<128x128xf32, #tpu.memory_space<vmem>>
    %dma_wait3A_480 = arith.constant 2432 : i32
    %dma_wait3A_481 = tpu.memref_slice %arg5[%dma_wait3A_480] : memref<6400xi32, #tpu.memory_space<vmem>> -> memref<128xi32, #tpu.memory_space<vmem>>
    %dma_wait3A_482 = arith.constant 0 : i32
    %dma_wait3A_483 = arith.constant 0 : i32
    %dma_wait3A_484 = tpu.memref_slice %arg3[%dma_wait3A_482, %dma_wait3A_483] : memref<100000x128xf32, #tpu.memory_space<hbm>> -> memref<100000x128xf32, #tpu.memory_space<hbm>>
    tpu.wait_indirect_dma semaphore(%arg8 : memref<!tpu.dma_semaphore, #tpu.memory_space<semaphore_mem>>) src(%dma_wait3A_484 : memref<100000x128xf32, #tpu.memory_space<hbm>>) dst(%dma_wait3A_479 : memref<128x128xf32, #tpu.memory_space<vmem>>)
    %dma_wait3A_485 = arith.constant 256 : i32
    %dma_wait3A_486 = arith.constant 0 : i32
    %dma_wait3A_487 = tpu.memref_slice %arg6[%dma_wait3A_485, %dma_wait3A_486] : memref<384x128xf32, #tpu.memory_space<vmem>> -> memref<128x128xf32, #tpu.memory_space<vmem>>
    %dma_wait3A_488 = arith.constant 2560 : i32
    %dma_wait3A_489 = tpu.memref_slice %arg5[%dma_wait3A_488] : memref<6400xi32, #tpu.memory_space<vmem>> -> memref<128xi32, #tpu.memory_space<vmem>>
    %dma_wait3A_490 = arith.constant 0 : i32
    %dma_wait3A_491 = arith.constant 0 : i32
    %dma_wait3A_492 = tpu.memref_slice %arg3[%dma_wait3A_490, %dma_wait3A_491] : memref<100000x128xf32, #tpu.memory_space<hbm>> -> memref<100000x128xf32, #tpu.memory_space<hbm>>
    tpu.wait_indirect_dma semaphore(%arg8 : memref<!tpu.dma_semaphore, #tpu.memory_space<semaphore_mem>>) src(%dma_wait3A_492 : memref<100000x128xf32, #tpu.memory_space<hbm>>) dst(%dma_wait3A_487 : memref<128x128xf32, #tpu.memory_space<vmem>>)
    %add3A_493 = arith.constant 2304 : i32
    %add3A_494 = arith.addi %mul3A_2, %add3A_493 : i32
    %dma_start3A_495 = arith.constant 0 : i32
    %dma_start3A_496 = arith.constant 0 : i32
    %dma_start3A_497 = tpu.memref_slice %arg6[%dma_start3A_495, %dma_start3A_496] : memref<384x128xf32, #tpu.memory_space<vmem>> -> memref<384x128xf32, #tpu.memory_space<vmem>>
    %dma_start3A_498 = arith.constant 0 : i32
    %dma_start3A_499 = tpu.memref_slice %arg4[%add3A_494, %dma_start3A_498] : memref<204800x128xf32, #tpu.memory_space<hbm>> -> memref<384x128xf32, #tpu.memory_space<hbm>>
    %dma_start3A_500 = arith.constant 0 : i32
    %dma_start3A_501 = tpu.memref_slice %arg4[%add3A_494, %dma_start3A_500] : memref<204800x128xf32, #tpu.memory_space<hbm>> -> memref<384x128xf32, #tpu.memory_space<hbm>>
    %dma_start3A_502 = arith.constant 0 : i32
    %dma_start3A_503 = arith.constant 0 : i32
    %dma_start3A_504 = tpu.memref_slice %arg6[%dma_start3A_502, %dma_start3A_503] : memref<384x128xf32, #tpu.memory_space<vmem>> -> memref<384x128xf32, #tpu.memory_space<vmem>>
    tpu.enqueue_dma source(%dma_start3A_504 : memref<384x128xf32, #tpu.memory_space<vmem>>) target(%dma_start3A_501 : memref<384x128xf32, #tpu.memory_space<hbm>>) target_semaphore(%arg10 : memref<!tpu.dma_semaphore, #tpu.memory_space<semaphore_mem>>)
    %dma_wait3A_505 = arith.constant 0 : i32
    %dma_wait3A_506 = arith.constant 0 : i32
    %dma_wait3A_507 = tpu.memref_slice %arg6[%dma_wait3A_505, %dma_wait3A_506] : memref<384x128xf32, #tpu.memory_space<vmem>> -> memref<384x128xf32, #tpu.memory_space<vmem>>
    %dma_wait3A_508 = arith.constant 0 : i32
    %dma_wait3A_509 = tpu.memref_slice %arg4[%add3A_494, %dma_wait3A_508] : memref<204800x128xf32, #tpu.memory_space<hbm>> -> memref<384x128xf32, #tpu.memory_space<hbm>>
    %dma_wait3A_510 = arith.constant 0 : i32
    %dma_wait3A_511 = tpu.memref_slice %arg4[%add3A_494, %dma_wait3A_510] : memref<204800x128xf32, #tpu.memory_space<hbm>> -> memref<384x128xf32, #tpu.memory_space<hbm>>
    %dma_wait3A_512 = arith.constant 0 : i32
    %dma_wait3A_513 = arith.constant 0 : i32
    %dma_wait3A_514 = tpu.memref_slice %arg6[%dma_wait3A_512, %dma_wait3A_513] : memref<384x128xf32, #tpu.memory_space<vmem>> -> memref<384x128xf32, #tpu.memory_space<vmem>>
    tpu.wait_dma2 semaphore(%arg10 : memref<!tpu.dma_semaphore, #tpu.memory_space<semaphore_mem>>) src(%dma_wait3A_514 : memref<384x128xf32, #tpu.memory_space<vmem>>) dst(%dma_wait3A_511 : memref<384x128xf32, #tpu.memory_space<hbm>>)
    %dma_start3A_515 = arith.constant 0 : i32
    %dma_start3A_516 = arith.constant 0 : i32
    %dma_start3A_517 = tpu.memref_slice %arg6[%dma_start3A_515, %dma_start3A_516] : memref<384x128xf32, #tpu.memory_space<vmem>> -> memref<128x128xf32, #tpu.memory_space<vmem>>
    %dma_start3A_518 = arith.constant 3072 : i32
    %dma_start3A_519 = tpu.memref_slice %arg5[%dma_start3A_518] : memref<6400xi32, #tpu.memory_space<vmem>> -> memref<128xi32, #tpu.memory_space<vmem>>
    %dma_start3A_520 = arith.constant 0 : i32
    %dma_start3A_521 = arith.constant 0 : i32
    %dma_start3A_522 = tpu.memref_slice %arg3[%dma_start3A_520, %dma_start3A_521] : memref<100000x128xf32, #tpu.memory_space<hbm>> -> memref<100000x128xf32, #tpu.memory_space<hbm>>
    tpu.enqueue_indirect_dma source(%dma_start3A_522 : memref<100000x128xf32, #tpu.memory_space<hbm>>) target(%dma_start3A_517 : memref<128x128xf32, #tpu.memory_space<vmem>>) offsets(%dma_start3A_519 : memref<128xi32, #tpu.memory_space<vmem>>) semaphore(%arg8 : memref<!tpu.dma_semaphore, #tpu.memory_space<semaphore_mem>>)
    %dma_start3A_523 = arith.constant 128 : i32
    %dma_start3A_524 = arith.constant 0 : i32
    %dma_start3A_525 = tpu.memref_slice %arg6[%dma_start3A_523, %dma_start3A_524] : memref<384x128xf32, #tpu.memory_space<vmem>> -> memref<128x128xf32, #tpu.memory_space<vmem>>
    %dma_start3A_526 = arith.constant 3200 : i32
    %dma_start3A_527 = tpu.memref_slice %arg5[%dma_start3A_526] : memref<6400xi32, #tpu.memory_space<vmem>> -> memref<128xi32, #tpu.memory_space<vmem>>
    %dma_start3A_528 = arith.constant 0 : i32
    %dma_start3A_529 = arith.constant 0 : i32
    %dma_start3A_530 = tpu.memref_slice %arg3[%dma_start3A_528, %dma_start3A_529] : memref<100000x128xf32, #tpu.memory_space<hbm>> -> memref<100000x128xf32, #tpu.memory_space<hbm>>
    tpu.enqueue_indirect_dma source(%dma_start3A_530 : memref<100000x128xf32, #tpu.memory_space<hbm>>) target(%dma_start3A_525 : memref<128x128xf32, #tpu.memory_space<vmem>>) offsets(%dma_start3A_527 : memref<128xi32, #tpu.memory_space<vmem>>) semaphore(%arg8 : memref<!tpu.dma_semaphore, #tpu.memory_space<semaphore_mem>>)
    %dma_start3A_531 = arith.constant 256 : i32
    %dma_start3A_532 = arith.constant 0 : i32
    %dma_start3A_533 = tpu.memref_slice %arg6[%dma_start3A_531, %dma_start3A_532] : memref<384x128xf32, #tpu.memory_space<vmem>> -> memref<128x128xf32, #tpu.memory_space<vmem>>
    %dma_start3A_534 = arith.constant 3328 : i32
    %dma_start3A_535 = tpu.memref_slice %arg5[%dma_start3A_534] : memref<6400xi32, #tpu.memory_space<vmem>> -> memref<128xi32, #tpu.memory_space<vmem>>
    %dma_start3A_536 = arith.constant 0 : i32
    %dma_start3A_537 = arith.constant 0 : i32
    %dma_start3A_538 = tpu.memref_slice %arg3[%dma_start3A_536, %dma_start3A_537] : memref<100000x128xf32, #tpu.memory_space<hbm>> -> memref<100000x128xf32, #tpu.memory_space<hbm>>
    tpu.enqueue_indirect_dma source(%dma_start3A_538 : memref<100000x128xf32, #tpu.memory_space<hbm>>) target(%dma_start3A_533 : memref<128x128xf32, #tpu.memory_space<vmem>>) offsets(%dma_start3A_535 : memref<128xi32, #tpu.memory_space<vmem>>) semaphore(%arg8 : memref<!tpu.dma_semaphore, #tpu.memory_space<semaphore_mem>>)
    %dma_wait3A_539 = arith.constant 0 : i32
    %dma_wait3A_540 = arith.constant 0 : i32
    %dma_wait3A_541 = tpu.memref_slice %arg7[%dma_wait3A_539, %dma_wait3A_540] : memref<384x128xf32, #tpu.memory_space<vmem>> -> memref<128x128xf32, #tpu.memory_space<vmem>>
    %dma_wait3A_542 = arith.constant 2688 : i32
    %dma_wait3A_543 = tpu.memref_slice %arg5[%dma_wait3A_542] : memref<6400xi32, #tpu.memory_space<vmem>> -> memref<128xi32, #tpu.memory_space<vmem>>
    %dma_wait3A_544 = arith.constant 0 : i32
    %dma_wait3A_545 = arith.constant 0 : i32
    %dma_wait3A_546 = tpu.memref_slice %arg3[%dma_wait3A_544, %dma_wait3A_545] : memref<100000x128xf32, #tpu.memory_space<hbm>> -> memref<100000x128xf32, #tpu.memory_space<hbm>>
    tpu.wait_indirect_dma semaphore(%arg9 : memref<!tpu.dma_semaphore, #tpu.memory_space<semaphore_mem>>) src(%dma_wait3A_546 : memref<100000x128xf32, #tpu.memory_space<hbm>>) dst(%dma_wait3A_541 : memref<128x128xf32, #tpu.memory_space<vmem>>)
    %dma_wait3A_547 = arith.constant 128 : i32
    %dma_wait3A_548 = arith.constant 0 : i32
    %dma_wait3A_549 = tpu.memref_slice %arg7[%dma_wait3A_547, %dma_wait3A_548] : memref<384x128xf32, #tpu.memory_space<vmem>> -> memref<128x128xf32, #tpu.memory_space<vmem>>
    %dma_wait3A_550 = arith.constant 2816 : i32
    %dma_wait3A_551 = tpu.memref_slice %arg5[%dma_wait3A_550] : memref<6400xi32, #tpu.memory_space<vmem>> -> memref<128xi32, #tpu.memory_space<vmem>>
    %dma_wait3A_552 = arith.constant 0 : i32
    %dma_wait3A_553 = arith.constant 0 : i32
    %dma_wait3A_554 = tpu.memref_slice %arg3[%dma_wait3A_552, %dma_wait3A_553] : memref<100000x128xf32, #tpu.memory_space<hbm>> -> memref<100000x128xf32, #tpu.memory_space<hbm>>
    tpu.wait_indirect_dma semaphore(%arg9 : memref<!tpu.dma_semaphore, #tpu.memory_space<semaphore_mem>>) src(%dma_wait3A_554 : memref<100000x128xf32, #tpu.memory_space<hbm>>) dst(%dma_wait3A_549 : memref<128x128xf32, #tpu.memory_space<vmem>>)
    %dma_wait3A_555 = arith.constant 256 : i32
    %dma_wait3A_556 = arith.constant 0 : i32
    %dma_wait3A_557 = tpu.memref_slice %arg7[%dma_wait3A_555, %dma_wait3A_556] : memref<384x128xf32, #tpu.memory_space<vmem>> -> memref<128x128xf32, #tpu.memory_space<vmem>>
    %dma_wait3A_558 = arith.constant 2944 : i32
    %dma_wait3A_559 = tpu.memref_slice %arg5[%dma_wait3A_558] : memref<6400xi32, #tpu.memory_space<vmem>> -> memref<128xi32, #tpu.memory_space<vmem>>
    %dma_wait3A_560 = arith.constant 0 : i32
    %dma_wait3A_561 = arith.constant 0 : i32
    %dma_wait3A_562 = tpu.memref_slice %arg3[%dma_wait3A_560, %dma_wait3A_561] : memref<100000x128xf32, #tpu.memory_space<hbm>> -> memref<100000x128xf32, #tpu.memory_space<hbm>>
    tpu.wait_indirect_dma semaphore(%arg9 : memref<!tpu.dma_semaphore, #tpu.memory_space<semaphore_mem>>) src(%dma_wait3A_562 : memref<100000x128xf32, #tpu.memory_space<hbm>>) dst(%dma_wait3A_557 : memref<128x128xf32, #tpu.memory_space<vmem>>)
    %add3A_563 = arith.constant 2688 : i32
    %add3A_564 = arith.addi %mul3A_2, %add3A_563 : i32
    %dma_start3A_565 = arith.constant 0 : i32
    %dma_start3A_566 = arith.constant 0 : i32
    %dma_start3A_567 = tpu.memref_slice %arg7[%dma_start3A_565, %dma_start3A_566] : memref<384x128xf32, #tpu.memory_space<vmem>> -> memref<384x128xf32, #tpu.memory_space<vmem>>
    %dma_start3A_568 = arith.constant 0 : i32
    %dma_start3A_569 = tpu.memref_slice %arg4[%add3A_564, %dma_start3A_568] : memref<204800x128xf32, #tpu.memory_space<hbm>> -> memref<384x128xf32, #tpu.memory_space<hbm>>
    %dma_start3A_570 = arith.constant 0 : i32
    %dma_start3A_571 = tpu.memref_slice %arg4[%add3A_564, %dma_start3A_570] : memref<204800x128xf32, #tpu.memory_space<hbm>> -> memref<384x128xf32, #tpu.memory_space<hbm>>
    %dma_start3A_572 = arith.constant 0 : i32
    %dma_start3A_573 = arith.constant 0 : i32
    %dma_start3A_574 = tpu.memref_slice %arg7[%dma_start3A_572, %dma_start3A_573] : memref<384x128xf32, #tpu.memory_space<vmem>> -> memref<384x128xf32, #tpu.memory_space<vmem>>
    tpu.enqueue_dma source(%dma_start3A_574 : memref<384x128xf32, #tpu.memory_space<vmem>>) target(%dma_start3A_571 : memref<384x128xf32, #tpu.memory_space<hbm>>) target_semaphore(%arg11 : memref<!tpu.dma_semaphore, #tpu.memory_space<semaphore_mem>>)
    %dma_wait3A_575 = arith.constant 0 : i32
    %dma_wait3A_576 = arith.constant 0 : i32
    %dma_wait3A_577 = tpu.memref_slice %arg7[%dma_wait3A_575, %dma_wait3A_576] : memref<384x128xf32, #tpu.memory_space<vmem>> -> memref<384x128xf32, #tpu.memory_space<vmem>>
    %dma_wait3A_578 = arith.constant 0 : i32
    %dma_wait3A_579 = tpu.memref_slice %arg4[%add3A_564, %dma_wait3A_578] : memref<204800x128xf32, #tpu.memory_space<hbm>> -> memref<384x128xf32, #tpu.memory_space<hbm>>
    %dma_wait3A_580 = arith.constant 0 : i32
    %dma_wait3A_581 = tpu.memref_slice %arg4[%add3A_564, %dma_wait3A_580] : memref<204800x128xf32, #tpu.memory_space<hbm>> -> memref<384x128xf32, #tpu.memory_space<hbm>>
    %dma_wait3A_582 = arith.constant 0 : i32
    %dma_wait3A_583 = arith.constant 0 : i32
    %dma_wait3A_584 = tpu.memref_slice %arg7[%dma_wait3A_582, %dma_wait3A_583] : memref<384x128xf32, #tpu.memory_space<vmem>> -> memref<384x128xf32, #tpu.memory_space<vmem>>
    tpu.wait_dma2 semaphore(%arg11 : memref<!tpu.dma_semaphore, #tpu.memory_space<semaphore_mem>>) src(%dma_wait3A_584 : memref<384x128xf32, #tpu.memory_space<vmem>>) dst(%dma_wait3A_581 : memref<384x128xf32, #tpu.memory_space<hbm>>)
    %dma_start3A_585 = arith.constant 0 : i32
    %dma_start3A_586 = arith.constant 0 : i32
    %dma_start3A_587 = tpu.memref_slice %arg7[%dma_start3A_585, %dma_start3A_586] : memref<384x128xf32, #tpu.memory_space<vmem>> -> memref<128x128xf32, #tpu.memory_space<vmem>>
    %dma_start3A_588 = arith.constant 3456 : i32
    %dma_start3A_589 = tpu.memref_slice %arg5[%dma_start3A_588] : memref<6400xi32, #tpu.memory_space<vmem>> -> memref<128xi32, #tpu.memory_space<vmem>>
    %dma_start3A_590 = arith.constant 0 : i32
    %dma_start3A_591 = arith.constant 0 : i32
    %dma_start3A_592 = tpu.memref_slice %arg3[%dma_start3A_590, %dma_start3A_591] : memref<100000x128xf32, #tpu.memory_space<hbm>> -> memref<100000x128xf32, #tpu.memory_space<hbm>>
    tpu.enqueue_indirect_dma source(%dma_start3A_592 : memref<100000x128xf32, #tpu.memory_space<hbm>>) target(%dma_start3A_587 : memref<128x128xf32, #tpu.memory_space<vmem>>) offsets(%dma_start3A_589 : memref<128xi32, #tpu.memory_space<vmem>>) semaphore(%arg9 : memref<!tpu.dma_semaphore, #tpu.memory_space<semaphore_mem>>)
    %dma_start3A_593 = arith.constant 128 : i32
    %dma_start3A_594 = arith.constant 0 : i32
    %dma_start3A_595 = tpu.memref_slice %arg7[%dma_start3A_593, %dma_start3A_594] : memref<384x128xf32, #tpu.memory_space<vmem>> -> memref<128x128xf32, #tpu.memory_space<vmem>>
    %dma_start3A_596 = arith.constant 3584 : i32
    %dma_start3A_597 = tpu.memref_slice %arg5[%dma_start3A_596] : memref<6400xi32, #tpu.memory_space<vmem>> -> memref<128xi32, #tpu.memory_space<vmem>>
    %dma_start3A_598 = arith.constant 0 : i32
    %dma_start3A_599 = arith.constant 0 : i32
    %dma_start3A_600 = tpu.memref_slice %arg3[%dma_start3A_598, %dma_start3A_599] : memref<100000x128xf32, #tpu.memory_space<hbm>> -> memref<100000x128xf32, #tpu.memory_space<hbm>>
    tpu.enqueue_indirect_dma source(%dma_start3A_600 : memref<100000x128xf32, #tpu.memory_space<hbm>>) target(%dma_start3A_595 : memref<128x128xf32, #tpu.memory_space<vmem>>) offsets(%dma_start3A_597 : memref<128xi32, #tpu.memory_space<vmem>>) semaphore(%arg9 : memref<!tpu.dma_semaphore, #tpu.memory_space<semaphore_mem>>)
    %dma_start3A_601 = arith.constant 256 : i32
    %dma_start3A_602 = arith.constant 0 : i32
    %dma_start3A_603 = tpu.memref_slice %arg7[%dma_start3A_601, %dma_start3A_602] : memref<384x128xf32, #tpu.memory_space<vmem>> -> memref<128x128xf32, #tpu.memory_space<vmem>>
    %dma_start3A_604 = arith.constant 3712 : i32
    %dma_start3A_605 = tpu.memref_slice %arg5[%dma_start3A_604] : memref<6400xi32, #tpu.memory_space<vmem>> -> memref<128xi32, #tpu.memory_space<vmem>>
    %dma_start3A_606 = arith.constant 0 : i32
    %dma_start3A_607 = arith.constant 0 : i32
    %dma_start3A_608 = tpu.memref_slice %arg3[%dma_start3A_606, %dma_start3A_607] : memref<100000x128xf32, #tpu.memory_space<hbm>> -> memref<100000x128xf32, #tpu.memory_space<hbm>>
    tpu.enqueue_indirect_dma source(%dma_start3A_608 : memref<100000x128xf32, #tpu.memory_space<hbm>>) target(%dma_start3A_603 : memref<128x128xf32, #tpu.memory_space<vmem>>) offsets(%dma_start3A_605 : memref<128xi32, #tpu.memory_space<vmem>>) semaphore(%arg9 : memref<!tpu.dma_semaphore, #tpu.memory_space<semaphore_mem>>)
    %dma_wait3A_609 = arith.constant 0 : i32
    %dma_wait3A_610 = arith.constant 0 : i32
    %dma_wait3A_611 = tpu.memref_slice %arg6[%dma_wait3A_609, %dma_wait3A_610] : memref<384x128xf32, #tpu.memory_space<vmem>> -> memref<128x128xf32, #tpu.memory_space<vmem>>
    %dma_wait3A_612 = arith.constant 3072 : i32
    %dma_wait3A_613 = tpu.memref_slice %arg5[%dma_wait3A_612] : memref<6400xi32, #tpu.memory_space<vmem>> -> memref<128xi32, #tpu.memory_space<vmem>>
    %dma_wait3A_614 = arith.constant 0 : i32
    %dma_wait3A_615 = arith.constant 0 : i32
    %dma_wait3A_616 = tpu.memref_slice %arg3[%dma_wait3A_614, %dma_wait3A_615] : memref<100000x128xf32, #tpu.memory_space<hbm>> -> memref<100000x128xf32, #tpu.memory_space<hbm>>
    tpu.wait_indirect_dma semaphore(%arg8 : memref<!tpu.dma_semaphore, #tpu.memory_space<semaphore_mem>>) src(%dma_wait3A_616 : memref<100000x128xf32, #tpu.memory_space<hbm>>) dst(%dma_wait3A_611 : memref<128x128xf32, #tpu.memory_space<vmem>>)
    %dma_wait3A_617 = arith.constant 128 : i32
    %dma_wait3A_618 = arith.constant 0 : i32
    %dma_wait3A_619 = tpu.memref_slice %arg6[%dma_wait3A_617, %dma_wait3A_618] : memref<384x128xf32, #tpu.memory_space<vmem>> -> memref<128x128xf32, #tpu.memory_space<vmem>>
    %dma_wait3A_620 = arith.constant 3200 : i32
    %dma_wait3A_621 = tpu.memref_slice %arg5[%dma_wait3A_620] : memref<6400xi32, #tpu.memory_space<vmem>> -> memref<128xi32, #tpu.memory_space<vmem>>
    %dma_wait3A_622 = arith.constant 0 : i32
    %dma_wait3A_623 = arith.constant 0 : i32
    %dma_wait3A_624 = tpu.memref_slice %arg3[%dma_wait3A_622, %dma_wait3A_623] : memref<100000x128xf32, #tpu.memory_space<hbm>> -> memref<100000x128xf32, #tpu.memory_space<hbm>>
    tpu.wait_indirect_dma semaphore(%arg8 : memref<!tpu.dma_semaphore, #tpu.memory_space<semaphore_mem>>) src(%dma_wait3A_624 : memref<100000x128xf32, #tpu.memory_space<hbm>>) dst(%dma_wait3A_619 : memref<128x128xf32, #tpu.memory_space<vmem>>)
    %dma_wait3A_625 = arith.constant 256 : i32
    %dma_wait3A_626 = arith.constant 0 : i32
    %dma_wait3A_627 = tpu.memref_slice %arg6[%dma_wait3A_625, %dma_wait3A_626] : memref<384x128xf32, #tpu.memory_space<vmem>> -> memref<128x128xf32, #tpu.memory_space<vmem>>
    %dma_wait3A_628 = arith.constant 3328 : i32
    %dma_wait3A_629 = tpu.memref_slice %arg5[%dma_wait3A_628] : memref<6400xi32, #tpu.memory_space<vmem>> -> memref<128xi32, #tpu.memory_space<vmem>>
    %dma_wait3A_630 = arith.constant 0 : i32
    %dma_wait3A_631 = arith.constant 0 : i32
    %dma_wait3A_632 = tpu.memref_slice %arg3[%dma_wait3A_630, %dma_wait3A_631] : memref<100000x128xf32, #tpu.memory_space<hbm>> -> memref<100000x128xf32, #tpu.memory_space<hbm>>
    tpu.wait_indirect_dma semaphore(%arg8 : memref<!tpu.dma_semaphore, #tpu.memory_space<semaphore_mem>>) src(%dma_wait3A_632 : memref<100000x128xf32, #tpu.memory_space<hbm>>) dst(%dma_wait3A_627 : memref<128x128xf32, #tpu.memory_space<vmem>>)
    %add3A_633 = arith.constant 3072 : i32
    %add3A_634 = arith.addi %mul3A_2, %add3A_633 : i32
    %dma_start3A_635 = arith.constant 0 : i32
    %dma_start3A_636 = arith.constant 0 : i32
    %dma_start3A_637 = tpu.memref_slice %arg6[%dma_start3A_635, %dma_start3A_636] : memref<384x128xf32, #tpu.memory_space<vmem>> -> memref<384x128xf32, #tpu.memory_space<vmem>>
    %dma_start3A_638 = arith.constant 0 : i32
    %dma_start3A_639 = tpu.memref_slice %arg4[%add3A_634, %dma_start3A_638] : memref<204800x128xf32, #tpu.memory_space<hbm>> -> memref<384x128xf32, #tpu.memory_space<hbm>>
    %dma_start3A_640 = arith.constant 0 : i32
    %dma_start3A_641 = tpu.memref_slice %arg4[%add3A_634, %dma_start3A_640] : memref<204800x128xf32, #tpu.memory_space<hbm>> -> memref<384x128xf32, #tpu.memory_space<hbm>>
    %dma_start3A_642 = arith.constant 0 : i32
    %dma_start3A_643 = arith.constant 0 : i32
    %dma_start3A_644 = tpu.memref_slice %arg6[%dma_start3A_642, %dma_start3A_643] : memref<384x128xf32, #tpu.memory_space<vmem>> -> memref<384x128xf32, #tpu.memory_space<vmem>>
    tpu.enqueue_dma source(%dma_start3A_644 : memref<384x128xf32, #tpu.memory_space<vmem>>) target(%dma_start3A_641 : memref<384x128xf32, #tpu.memory_space<hbm>>) target_semaphore(%arg10 : memref<!tpu.dma_semaphore, #tpu.memory_space<semaphore_mem>>)
    %dma_wait3A_645 = arith.constant 0 : i32
    %dma_wait3A_646 = arith.constant 0 : i32
    %dma_wait3A_647 = tpu.memref_slice %arg6[%dma_wait3A_645, %dma_wait3A_646] : memref<384x128xf32, #tpu.memory_space<vmem>> -> memref<384x128xf32, #tpu.memory_space<vmem>>
    %dma_wait3A_648 = arith.constant 0 : i32
    %dma_wait3A_649 = tpu.memref_slice %arg4[%add3A_634, %dma_wait3A_648] : memref<204800x128xf32, #tpu.memory_space<hbm>> -> memref<384x128xf32, #tpu.memory_space<hbm>>
    %dma_wait3A_650 = arith.constant 0 : i32
    %dma_wait3A_651 = tpu.memref_slice %arg4[%add3A_634, %dma_wait3A_650] : memref<204800x128xf32, #tpu.memory_space<hbm>> -> memref<384x128xf32, #tpu.memory_space<hbm>>
    %dma_wait3A_652 = arith.constant 0 : i32
    %dma_wait3A_653 = arith.constant 0 : i32
    %dma_wait3A_654 = tpu.memref_slice %arg6[%dma_wait3A_652, %dma_wait3A_653] : memref<384x128xf32, #tpu.memory_space<vmem>> -> memref<384x128xf32, #tpu.memory_space<vmem>>
    tpu.wait_dma2 semaphore(%arg10 : memref<!tpu.dma_semaphore, #tpu.memory_space<semaphore_mem>>) src(%dma_wait3A_654 : memref<384x128xf32, #tpu.memory_space<vmem>>) dst(%dma_wait3A_651 : memref<384x128xf32, #tpu.memory_space<hbm>>)
    %dma_start3A_655 = arith.constant 0 : i32
    %dma_start3A_656 = arith.constant 0 : i32
    %dma_start3A_657 = tpu.memref_slice %arg6[%dma_start3A_655, %dma_start3A_656] : memref<384x128xf32, #tpu.memory_space<vmem>> -> memref<128x128xf32, #tpu.memory_space<vmem>>
    %dma_start3A_658 = arith.constant 3840 : i32
    %dma_start3A_659 = tpu.memref_slice %arg5[%dma_start3A_658] : memref<6400xi32, #tpu.memory_space<vmem>> -> memref<128xi32, #tpu.memory_space<vmem>>
    %dma_start3A_660 = arith.constant 0 : i32
    %dma_start3A_661 = arith.constant 0 : i32
    %dma_start3A_662 = tpu.memref_slice %arg3[%dma_start3A_660, %dma_start3A_661] : memref<100000x128xf32, #tpu.memory_space<hbm>> -> memref<100000x128xf32, #tpu.memory_space<hbm>>
    tpu.enqueue_indirect_dma source(%dma_start3A_662 : memref<100000x128xf32, #tpu.memory_space<hbm>>) target(%dma_start3A_657 : memref<128x128xf32, #tpu.memory_space<vmem>>) offsets(%dma_start3A_659 : memref<128xi32, #tpu.memory_space<vmem>>) semaphore(%arg8 : memref<!tpu.dma_semaphore, #tpu.memory_space<semaphore_mem>>)
    %dma_start3A_663 = arith.constant 128 : i32
    %dma_start3A_664 = arith.constant 0 : i32
    %dma_start3A_665 = tpu.memref_slice %arg6[%dma_start3A_663, %dma_start3A_664] : memref<384x128xf32, #tpu.memory_space<vmem>> -> memref<128x128xf32, #tpu.memory_space<vmem>>
    %dma_start3A_666 = arith.constant 3968 : i32
    %dma_start3A_667 = tpu.memref_slice %arg5[%dma_start3A_666] : memref<6400xi32, #tpu.memory_space<vmem>> -> memref<128xi32, #tpu.memory_space<vmem>>
    %dma_start3A_668 = arith.constant 0 : i32
    %dma_start3A_669 = arith.constant 0 : i32
    %dma_start3A_670 = tpu.memref_slice %arg3[%dma_start3A_668, %dma_start3A_669] : memref<100000x128xf32, #tpu.memory_space<hbm>> -> memref<100000x128xf32, #tpu.memory_space<hbm>>
    tpu.enqueue_indirect_dma source(%dma_start3A_670 : memref<100000x128xf32, #tpu.memory_space<hbm>>) target(%dma_start3A_665 : memref<128x128xf32, #tpu.memory_space<vmem>>) offsets(%dma_start3A_667 : memref<128xi32, #tpu.memory_space<vmem>>) semaphore(%arg8 : memref<!tpu.dma_semaphore, #tpu.memory_space<semaphore_mem>>)
    %dma_start3A_671 = arith.constant 256 : i32
    %dma_start3A_672 = arith.constant 0 : i32
    %dma_start3A_673 = tpu.memref_slice %arg6[%dma_start3A_671, %dma_start3A_672] : memref<384x128xf32, #tpu.memory_space<vmem>> -> memref<128x128xf32, #tpu.memory_space<vmem>>
    %dma_start3A_674 = arith.constant 4096 : i32
    %dma_start3A_675 = tpu.memref_slice %arg5[%dma_start3A_674] : memref<6400xi32, #tpu.memory_space<vmem>> -> memref<128xi32, #tpu.memory_space<vmem>>
    %dma_start3A_676 = arith.constant 0 : i32
    %dma_start3A_677 = arith.constant 0 : i32
    %dma_start3A_678 = tpu.memref_slice %arg3[%dma_start3A_676, %dma_start3A_677] : memref<100000x128xf32, #tpu.memory_space<hbm>> -> memref<100000x128xf32, #tpu.memory_space<hbm>>
    tpu.enqueue_indirect_dma source(%dma_start3A_678 : memref<100000x128xf32, #tpu.memory_space<hbm>>) target(%dma_start3A_673 : memref<128x128xf32, #tpu.memory_space<vmem>>) offsets(%dma_start3A_675 : memref<128xi32, #tpu.memory_space<vmem>>) semaphore(%arg8 : memref<!tpu.dma_semaphore, #tpu.memory_space<semaphore_mem>>)
    %dma_wait3A_679 = arith.constant 0 : i32
    %dma_wait3A_680 = arith.constant 0 : i32
    %dma_wait3A_681 = tpu.memref_slice %arg7[%dma_wait3A_679, %dma_wait3A_680] : memref<384x128xf32, #tpu.memory_space<vmem>> -> memref<128x128xf32, #tpu.memory_space<vmem>>
    %dma_wait3A_682 = arith.constant 3456 : i32
    %dma_wait3A_683 = tpu.memref_slice %arg5[%dma_wait3A_682] : memref<6400xi32, #tpu.memory_space<vmem>> -> memref<128xi32, #tpu.memory_space<vmem>>
    %dma_wait3A_684 = arith.constant 0 : i32
    %dma_wait3A_685 = arith.constant 0 : i32
    %dma_wait3A_686 = tpu.memref_slice %arg3[%dma_wait3A_684, %dma_wait3A_685] : memref<100000x128xf32, #tpu.memory_space<hbm>> -> memref<100000x128xf32, #tpu.memory_space<hbm>>
    tpu.wait_indirect_dma semaphore(%arg9 : memref<!tpu.dma_semaphore, #tpu.memory_space<semaphore_mem>>) src(%dma_wait3A_686 : memref<100000x128xf32, #tpu.memory_space<hbm>>) dst(%dma_wait3A_681 : memref<128x128xf32, #tpu.memory_space<vmem>>)
    %dma_wait3A_687 = arith.constant 128 : i32
    %dma_wait3A_688 = arith.constant 0 : i32
    %dma_wait3A_689 = tpu.memref_slice %arg7[%dma_wait3A_687, %dma_wait3A_688] : memref<384x128xf32, #tpu.memory_space<vmem>> -> memref<128x128xf32, #tpu.memory_space<vmem>>
    %dma_wait3A_690 = arith.constant 3584 : i32
    %dma_wait3A_691 = tpu.memref_slice %arg5[%dma_wait3A_690] : memref<6400xi32, #tpu.memory_space<vmem>> -> memref<128xi32, #tpu.memory_space<vmem>>
    %dma_wait3A_692 = arith.constant 0 : i32
    %dma_wait3A_693 = arith.constant 0 : i32
    %dma_wait3A_694 = tpu.memref_slice %arg3[%dma_wait3A_692, %dma_wait3A_693] : memref<100000x128xf32, #tpu.memory_space<hbm>> -> memref<100000x128xf32, #tpu.memory_space<hbm>>
    tpu.wait_indirect_dma semaphore(%arg9 : memref<!tpu.dma_semaphore, #tpu.memory_space<semaphore_mem>>) src(%dma_wait3A_694 : memref<100000x128xf32, #tpu.memory_space<hbm>>) dst(%dma_wait3A_689 : memref<128x128xf32, #tpu.memory_space<vmem>>)
    %dma_wait3A_695 = arith.constant 256 : i32
    %dma_wait3A_696 = arith.constant 0 : i32
    %dma_wait3A_697 = tpu.memref_slice %arg7[%dma_wait3A_695, %dma_wait3A_696] : memref<384x128xf32, #tpu.memory_space<vmem>> -> memref<128x128xf32, #tpu.memory_space<vmem>>
    %dma_wait3A_698 = arith.constant 3712 : i32
    %dma_wait3A_699 = tpu.memref_slice %arg5[%dma_wait3A_698] : memref<6400xi32, #tpu.memory_space<vmem>> -> memref<128xi32, #tpu.memory_space<vmem>>
    %dma_wait3A_700 = arith.constant 0 : i32
    %dma_wait3A_701 = arith.constant 0 : i32
    %dma_wait3A_702 = tpu.memref_slice %arg3[%dma_wait3A_700, %dma_wait3A_701] : memref<100000x128xf32, #tpu.memory_space<hbm>> -> memref<100000x128xf32, #tpu.memory_space<hbm>>
    tpu.wait_indirect_dma semaphore(%arg9 : memref<!tpu.dma_semaphore, #tpu.memory_space<semaphore_mem>>) src(%dma_wait3A_702 : memref<100000x128xf32, #tpu.memory_space<hbm>>) dst(%dma_wait3A_697 : memref<128x128xf32, #tpu.memory_space<vmem>>)
    %add3A_703 = arith.constant 3456 : i32
    %add3A_704 = arith.addi %mul3A_2, %add3A_703 : i32
    %dma_start3A_705 = arith.constant 0 : i32
    %dma_start3A_706 = arith.constant 0 : i32
    %dma_start3A_707 = tpu.memref_slice %arg7[%dma_start3A_705, %dma_start3A_706] : memref<384x128xf32, #tpu.memory_space<vmem>> -> memref<384x128xf32, #tpu.memory_space<vmem>>
    %dma_start3A_708 = arith.constant 0 : i32
    %dma_start3A_709 = tpu.memref_slice %arg4[%add3A_704, %dma_start3A_708] : memref<204800x128xf32, #tpu.memory_space<hbm>> -> memref<384x128xf32, #tpu.memory_space<hbm>>
    %dma_start3A_710 = arith.constant 0 : i32
    %dma_start3A_711 = tpu.memref_slice %arg4[%add3A_704, %dma_start3A_710] : memref<204800x128xf32, #tpu.memory_space<hbm>> -> memref<384x128xf32, #tpu.memory_space<hbm>>
    %dma_start3A_712 = arith.constant 0 : i32
    %dma_start3A_713 = arith.constant 0 : i32
    %dma_start3A_714 = tpu.memref_slice %arg7[%dma_start3A_712, %dma_start3A_713] : memref<384x128xf32, #tpu.memory_space<vmem>> -> memref<384x128xf32, #tpu.memory_space<vmem>>
    tpu.enqueue_dma source(%dma_start3A_714 : memref<384x128xf32, #tpu.memory_space<vmem>>) target(%dma_start3A_711 : memref<384x128xf32, #tpu.memory_space<hbm>>) target_semaphore(%arg11 : memref<!tpu.dma_semaphore, #tpu.memory_space<semaphore_mem>>)
    %dma_wait3A_715 = arith.constant 0 : i32
    %dma_wait3A_716 = arith.constant 0 : i32
    %dma_wait3A_717 = tpu.memref_slice %arg7[%dma_wait3A_715, %dma_wait3A_716] : memref<384x128xf32, #tpu.memory_space<vmem>> -> memref<384x128xf32, #tpu.memory_space<vmem>>
    %dma_wait3A_718 = arith.constant 0 : i32
    %dma_wait3A_719 = tpu.memref_slice %arg4[%add3A_704, %dma_wait3A_718] : memref<204800x128xf32, #tpu.memory_space<hbm>> -> memref<384x128xf32, #tpu.memory_space<hbm>>
    %dma_wait3A_720 = arith.constant 0 : i32
    %dma_wait3A_721 = tpu.memref_slice %arg4[%add3A_704, %dma_wait3A_720] : memref<204800x128xf32, #tpu.memory_space<hbm>> -> memref<384x128xf32, #tpu.memory_space<hbm>>
    %dma_wait3A_722 = arith.constant 0 : i32
    %dma_wait3A_723 = arith.constant 0 : i32
    %dma_wait3A_724 = tpu.memref_slice %arg7[%dma_wait3A_722, %dma_wait3A_723] : memref<384x128xf32, #tpu.memory_space<vmem>> -> memref<384x128xf32, #tpu.memory_space<vmem>>
    tpu.wait_dma2 semaphore(%arg11 : memref<!tpu.dma_semaphore, #tpu.memory_space<semaphore_mem>>) src(%dma_wait3A_724 : memref<384x128xf32, #tpu.memory_space<vmem>>) dst(%dma_wait3A_721 : memref<384x128xf32, #tpu.memory_space<hbm>>)
    %dma_start3A_725 = arith.constant 0 : i32
    %dma_start3A_726 = arith.constant 0 : i32
    %dma_start3A_727 = tpu.memref_slice %arg7[%dma_start3A_725, %dma_start3A_726] : memref<384x128xf32, #tpu.memory_space<vmem>> -> memref<128x128xf32, #tpu.memory_space<vmem>>
    %dma_start3A_728 = arith.constant 4224 : i32
    %dma_start3A_729 = tpu.memref_slice %arg5[%dma_start3A_728] : memref<6400xi32, #tpu.memory_space<vmem>> -> memref<128xi32, #tpu.memory_space<vmem>>
    %dma_start3A_730 = arith.constant 0 : i32
    %dma_start3A_731 = arith.constant 0 : i32
    %dma_start3A_732 = tpu.memref_slice %arg3[%dma_start3A_730, %dma_start3A_731] : memref<100000x128xf32, #tpu.memory_space<hbm>> -> memref<100000x128xf32, #tpu.memory_space<hbm>>
    tpu.enqueue_indirect_dma source(%dma_start3A_732 : memref<100000x128xf32, #tpu.memory_space<hbm>>) target(%dma_start3A_727 : memref<128x128xf32, #tpu.memory_space<vmem>>) offsets(%dma_start3A_729 : memref<128xi32, #tpu.memory_space<vmem>>) semaphore(%arg9 : memref<!tpu.dma_semaphore, #tpu.memory_space<semaphore_mem>>)
    %dma_start3A_733 = arith.constant 128 : i32
    %dma_start3A_734 = arith.constant 0 : i32
    %dma_start3A_735 = tpu.memref_slice %arg7[%dma_start3A_733, %dma_start3A_734] : memref<384x128xf32, #tpu.memory_space<vmem>> -> memref<128x128xf32, #tpu.memory_space<vmem>>
    %dma_start3A_736 = arith.constant 4352 : i32
    %dma_start3A_737 = tpu.memref_slice %arg5[%dma_start3A_736] : memref<6400xi32, #tpu.memory_space<vmem>> -> memref<128xi32, #tpu.memory_space<vmem>>
    %dma_start3A_738 = arith.constant 0 : i32
    %dma_start3A_739 = arith.constant 0 : i32
    %dma_start3A_740 = tpu.memref_slice %arg3[%dma_start3A_738, %dma_start3A_739] : memref<100000x128xf32, #tpu.memory_space<hbm>> -> memref<100000x128xf32, #tpu.memory_space<hbm>>
    tpu.enqueue_indirect_dma source(%dma_start3A_740 : memref<100000x128xf32, #tpu.memory_space<hbm>>) target(%dma_start3A_735 : memref<128x128xf32, #tpu.memory_space<vmem>>) offsets(%dma_start3A_737 : memref<128xi32, #tpu.memory_space<vmem>>) semaphore(%arg9 : memref<!tpu.dma_semaphore, #tpu.memory_space<semaphore_mem>>)
    %dma_start3A_741 = arith.constant 256 : i32
    %dma_start3A_742 = arith.constant 0 : i32
    %dma_start3A_743 = tpu.memref_slice %arg7[%dma_start3A_741, %dma_start3A_742] : memref<384x128xf32, #tpu.memory_space<vmem>> -> memref<128x128xf32, #tpu.memory_space<vmem>>
    %dma_start3A_744 = arith.constant 4480 : i32
    %dma_start3A_745 = tpu.memref_slice %arg5[%dma_start3A_744] : memref<6400xi32, #tpu.memory_space<vmem>> -> memref<128xi32, #tpu.memory_space<vmem>>
    %dma_start3A_746 = arith.constant 0 : i32
    %dma_start3A_747 = arith.constant 0 : i32
    %dma_start3A_748 = tpu.memref_slice %arg3[%dma_start3A_746, %dma_start3A_747] : memref<100000x128xf32, #tpu.memory_space<hbm>> -> memref<100000x128xf32, #tpu.memory_space<hbm>>
    tpu.enqueue_indirect_dma source(%dma_start3A_748 : memref<100000x128xf32, #tpu.memory_space<hbm>>) target(%dma_start3A_743 : memref<128x128xf32, #tpu.memory_space<vmem>>) offsets(%dma_start3A_745 : memref<128xi32, #tpu.memory_space<vmem>>) semaphore(%arg9 : memref<!tpu.dma_semaphore, #tpu.memory_space<semaphore_mem>>)
    %dma_wait3A_749 = arith.constant 0 : i32
    %dma_wait3A_750 = arith.constant 0 : i32
    %dma_wait3A_751 = tpu.memref_slice %arg6[%dma_wait3A_749, %dma_wait3A_750] : memref<384x128xf32, #tpu.memory_space<vmem>> -> memref<128x128xf32, #tpu.memory_space<vmem>>
    %dma_wait3A_752 = arith.constant 3840 : i32
    %dma_wait3A_753 = tpu.memref_slice %arg5[%dma_wait3A_752] : memref<6400xi32, #tpu.memory_space<vmem>> -> memref<128xi32, #tpu.memory_space<vmem>>
    %dma_wait3A_754 = arith.constant 0 : i32
    %dma_wait3A_755 = arith.constant 0 : i32
    %dma_wait3A_756 = tpu.memref_slice %arg3[%dma_wait3A_754, %dma_wait3A_755] : memref<100000x128xf32, #tpu.memory_space<hbm>> -> memref<100000x128xf32, #tpu.memory_space<hbm>>
    tpu.wait_indirect_dma semaphore(%arg8 : memref<!tpu.dma_semaphore, #tpu.memory_space<semaphore_mem>>) src(%dma_wait3A_756 : memref<100000x128xf32, #tpu.memory_space<hbm>>) dst(%dma_wait3A_751 : memref<128x128xf32, #tpu.memory_space<vmem>>)
    %dma_wait3A_757 = arith.constant 128 : i32
    %dma_wait3A_758 = arith.constant 0 : i32
    %dma_wait3A_759 = tpu.memref_slice %arg6[%dma_wait3A_757, %dma_wait3A_758] : memref<384x128xf32, #tpu.memory_space<vmem>> -> memref<128x128xf32, #tpu.memory_space<vmem>>
    %dma_wait3A_760 = arith.constant 3968 : i32
    %dma_wait3A_761 = tpu.memref_slice %arg5[%dma_wait3A_760] : memref<6400xi32, #tpu.memory_space<vmem>> -> memref<128xi32, #tpu.memory_space<vmem>>
    %dma_wait3A_762 = arith.constant 0 : i32
    %dma_wait3A_763 = arith.constant 0 : i32
    %dma_wait3A_764 = tpu.memref_slice %arg3[%dma_wait3A_762, %dma_wait3A_763] : memref<100000x128xf32, #tpu.memory_space<hbm>> -> memref<100000x128xf32, #tpu.memory_space<hbm>>
    tpu.wait_indirect_dma semaphore(%arg8 : memref<!tpu.dma_semaphore, #tpu.memory_space<semaphore_mem>>) src(%dma_wait3A_764 : memref<100000x128xf32, #tpu.memory_space<hbm>>) dst(%dma_wait3A_759 : memref<128x128xf32, #tpu.memory_space<vmem>>)
    %dma_wait3A_765 = arith.constant 256 : i32
    %dma_wait3A_766 = arith.constant 0 : i32
    %dma_wait3A_767 = tpu.memref_slice %arg6[%dma_wait3A_765, %dma_wait3A_766] : memref<384x128xf32, #tpu.memory_space<vmem>> -> memref<128x128xf32, #tpu.memory_space<vmem>>
    %dma_wait3A_768 = arith.constant 4096 : i32
    %dma_wait3A_769 = tpu.memref_slice %arg5[%dma_wait3A_768] : memref<6400xi32, #tpu.memory_space<vmem>> -> memref<128xi32, #tpu.memory_space<vmem>>
    %dma_wait3A_770 = arith.constant 0 : i32
    %dma_wait3A_771 = arith.constant 0 : i32
    %dma_wait3A_772 = tpu.memref_slice %arg3[%dma_wait3A_770, %dma_wait3A_771] : memref<100000x128xf32, #tpu.memory_space<hbm>> -> memref<100000x128xf32, #tpu.memory_space<hbm>>
    tpu.wait_indirect_dma semaphore(%arg8 : memref<!tpu.dma_semaphore, #tpu.memory_space<semaphore_mem>>) src(%dma_wait3A_772 : memref<100000x128xf32, #tpu.memory_space<hbm>>) dst(%dma_wait3A_767 : memref<128x128xf32, #tpu.memory_space<vmem>>)
    %add3A_773 = arith.constant 3840 : i32
    %add3A_774 = arith.addi %mul3A_2, %add3A_773 : i32
    %dma_start3A_775 = arith.constant 0 : i32
    %dma_start3A_776 = arith.constant 0 : i32
    %dma_start3A_777 = tpu.memref_slice %arg6[%dma_start3A_775, %dma_start3A_776] : memref<384x128xf32, #tpu.memory_space<vmem>> -> memref<384x128xf32, #tpu.memory_space<vmem>>
    %dma_start3A_778 = arith.constant 0 : i32
    %dma_start3A_779 = tpu.memref_slice %arg4[%add3A_774, %dma_start3A_778] : memref<204800x128xf32, #tpu.memory_space<hbm>> -> memref<384x128xf32, #tpu.memory_space<hbm>>
    %dma_start3A_780 = arith.constant 0 : i32
    %dma_start3A_781 = tpu.memref_slice %arg4[%add3A_774, %dma_start3A_780] : memref<204800x128xf32, #tpu.memory_space<hbm>> -> memref<384x128xf32, #tpu.memory_space<hbm>>
    %dma_start3A_782 = arith.constant 0 : i32
    %dma_start3A_783 = arith.constant 0 : i32
    %dma_start3A_784 = tpu.memref_slice %arg6[%dma_start3A_782, %dma_start3A_783] : memref<384x128xf32, #tpu.memory_space<vmem>> -> memref<384x128xf32, #tpu.memory_space<vmem>>
    tpu.enqueue_dma source(%dma_start3A_784 : memref<384x128xf32, #tpu.memory_space<vmem>>) target(%dma_start3A_781 : memref<384x128xf32, #tpu.memory_space<hbm>>) target_semaphore(%arg10 : memref<!tpu.dma_semaphore, #tpu.memory_space<semaphore_mem>>)
    %dma_wait3A_785 = arith.constant 0 : i32
    %dma_wait3A_786 = arith.constant 0 : i32
    %dma_wait3A_787 = tpu.memref_slice %arg6[%dma_wait3A_785, %dma_wait3A_786] : memref<384x128xf32, #tpu.memory_space<vmem>> -> memref<384x128xf32, #tpu.memory_space<vmem>>
    %dma_wait3A_788 = arith.constant 0 : i32
    %dma_wait3A_789 = tpu.memref_slice %arg4[%add3A_774, %dma_wait3A_788] : memref<204800x128xf32, #tpu.memory_space<hbm>> -> memref<384x128xf32, #tpu.memory_space<hbm>>
    %dma_wait3A_790 = arith.constant 0 : i32
    %dma_wait3A_791 = tpu.memref_slice %arg4[%add3A_774, %dma_wait3A_790] : memref<204800x128xf32, #tpu.memory_space<hbm>> -> memref<384x128xf32, #tpu.memory_space<hbm>>
    %dma_wait3A_792 = arith.constant 0 : i32
    %dma_wait3A_793 = arith.constant 0 : i32
    %dma_wait3A_794 = tpu.memref_slice %arg6[%dma_wait3A_792, %dma_wait3A_793] : memref<384x128xf32, #tpu.memory_space<vmem>> -> memref<384x128xf32, #tpu.memory_space<vmem>>
    tpu.wait_dma2 semaphore(%arg10 : memref<!tpu.dma_semaphore, #tpu.memory_space<semaphore_mem>>) src(%dma_wait3A_794 : memref<384x128xf32, #tpu.memory_space<vmem>>) dst(%dma_wait3A_791 : memref<384x128xf32, #tpu.memory_space<hbm>>)
    %dma_start3A_795 = arith.constant 0 : i32
    %dma_start3A_796 = arith.constant 0 : i32
    %dma_start3A_797 = tpu.memref_slice %arg6[%dma_start3A_795, %dma_start3A_796] : memref<384x128xf32, #tpu.memory_space<vmem>> -> memref<128x128xf32, #tpu.memory_space<vmem>>
    %dma_start3A_798 = arith.constant 4608 : i32
    %dma_start3A_799 = tpu.memref_slice %arg5[%dma_start3A_798] : memref<6400xi32, #tpu.memory_space<vmem>> -> memref<128xi32, #tpu.memory_space<vmem>>
    %dma_start3A_800 = arith.constant 0 : i32
    %dma_start3A_801 = arith.constant 0 : i32
    %dma_start3A_802 = tpu.memref_slice %arg3[%dma_start3A_800, %dma_start3A_801] : memref<100000x128xf32, #tpu.memory_space<hbm>> -> memref<100000x128xf32, #tpu.memory_space<hbm>>
    tpu.enqueue_indirect_dma source(%dma_start3A_802 : memref<100000x128xf32, #tpu.memory_space<hbm>>) target(%dma_start3A_797 : memref<128x128xf32, #tpu.memory_space<vmem>>) offsets(%dma_start3A_799 : memref<128xi32, #tpu.memory_space<vmem>>) semaphore(%arg8 : memref<!tpu.dma_semaphore, #tpu.memory_space<semaphore_mem>>)
    %dma_start3A_803 = arith.constant 128 : i32
    %dma_start3A_804 = arith.constant 0 : i32
    %dma_start3A_805 = tpu.memref_slice %arg6[%dma_start3A_803, %dma_start3A_804] : memref<384x128xf32, #tpu.memory_space<vmem>> -> memref<128x128xf32, #tpu.memory_space<vmem>>
    %dma_start3A_806 = arith.constant 4736 : i32
    %dma_start3A_807 = tpu.memref_slice %arg5[%dma_start3A_806] : memref<6400xi32, #tpu.memory_space<vmem>> -> memref<128xi32, #tpu.memory_space<vmem>>
    %dma_start3A_808 = arith.constant 0 : i32
    %dma_start3A_809 = arith.constant 0 : i32
    %dma_start3A_810 = tpu.memref_slice %arg3[%dma_start3A_808, %dma_start3A_809] : memref<100000x128xf32, #tpu.memory_space<hbm>> -> memref<100000x128xf32, #tpu.memory_space<hbm>>
    tpu.enqueue_indirect_dma source(%dma_start3A_810 : memref<100000x128xf32, #tpu.memory_space<hbm>>) target(%dma_start3A_805 : memref<128x128xf32, #tpu.memory_space<vmem>>) offsets(%dma_start3A_807 : memref<128xi32, #tpu.memory_space<vmem>>) semaphore(%arg8 : memref<!tpu.dma_semaphore, #tpu.memory_space<semaphore_mem>>)
    %dma_start3A_811 = arith.constant 256 : i32
    %dma_start3A_812 = arith.constant 0 : i32
    %dma_start3A_813 = tpu.memref_slice %arg6[%dma_start3A_811, %dma_start3A_812] : memref<384x128xf32, #tpu.memory_space<vmem>> -> memref<128x128xf32, #tpu.memory_space<vmem>>
    %dma_start3A_814 = arith.constant 4864 : i32
    %dma_start3A_815 = tpu.memref_slice %arg5[%dma_start3A_814] : memref<6400xi32, #tpu.memory_space<vmem>> -> memref<128xi32, #tpu.memory_space<vmem>>
    %dma_start3A_816 = arith.constant 0 : i32
    %dma_start3A_817 = arith.constant 0 : i32
    %dma_start3A_818 = tpu.memref_slice %arg3[%dma_start3A_816, %dma_start3A_817] : memref<100000x128xf32, #tpu.memory_space<hbm>> -> memref<100000x128xf32, #tpu.memory_space<hbm>>
    tpu.enqueue_indirect_dma source(%dma_start3A_818 : memref<100000x128xf32, #tpu.memory_space<hbm>>) target(%dma_start3A_813 : memref<128x128xf32, #tpu.memory_space<vmem>>) offsets(%dma_start3A_815 : memref<128xi32, #tpu.memory_space<vmem>>) semaphore(%arg8 : memref<!tpu.dma_semaphore, #tpu.memory_space<semaphore_mem>>)
    %dma_wait3A_819 = arith.constant 0 : i32
    %dma_wait3A_820 = arith.constant 0 : i32
    %dma_wait3A_821 = tpu.memref_slice %arg7[%dma_wait3A_819, %dma_wait3A_820] : memref<384x128xf32, #tpu.memory_space<vmem>> -> memref<128x128xf32, #tpu.memory_space<vmem>>
    %dma_wait3A_822 = arith.constant 4224 : i32
    %dma_wait3A_823 = tpu.memref_slice %arg5[%dma_wait3A_822] : memref<6400xi32, #tpu.memory_space<vmem>> -> memref<128xi32, #tpu.memory_space<vmem>>
    %dma_wait3A_824 = arith.constant 0 : i32
    %dma_wait3A_825 = arith.constant 0 : i32
    %dma_wait3A_826 = tpu.memref_slice %arg3[%dma_wait3A_824, %dma_wait3A_825] : memref<100000x128xf32, #tpu.memory_space<hbm>> -> memref<100000x128xf32, #tpu.memory_space<hbm>>
    tpu.wait_indirect_dma semaphore(%arg9 : memref<!tpu.dma_semaphore, #tpu.memory_space<semaphore_mem>>) src(%dma_wait3A_826 : memref<100000x128xf32, #tpu.memory_space<hbm>>) dst(%dma_wait3A_821 : memref<128x128xf32, #tpu.memory_space<vmem>>)
    %dma_wait3A_827 = arith.constant 128 : i32
    %dma_wait3A_828 = arith.constant 0 : i32
    %dma_wait3A_829 = tpu.memref_slice %arg7[%dma_wait3A_827, %dma_wait3A_828] : memref<384x128xf32, #tpu.memory_space<vmem>> -> memref<128x128xf32, #tpu.memory_space<vmem>>
    %dma_wait3A_830 = arith.constant 4352 : i32
    %dma_wait3A_831 = tpu.memref_slice %arg5[%dma_wait3A_830] : memref<6400xi32, #tpu.memory_space<vmem>> -> memref<128xi32, #tpu.memory_space<vmem>>
    %dma_wait3A_832 = arith.constant 0 : i32
    %dma_wait3A_833 = arith.constant 0 : i32
    %dma_wait3A_834 = tpu.memref_slice %arg3[%dma_wait3A_832, %dma_wait3A_833] : memref<100000x128xf32, #tpu.memory_space<hbm>> -> memref<100000x128xf32, #tpu.memory_space<hbm>>
    tpu.wait_indirect_dma semaphore(%arg9 : memref<!tpu.dma_semaphore, #tpu.memory_space<semaphore_mem>>) src(%dma_wait3A_834 : memref<100000x128xf32, #tpu.memory_space<hbm>>) dst(%dma_wait3A_829 : memref<128x128xf32, #tpu.memory_space<vmem>>)
    %dma_wait3A_835 = arith.constant 256 : i32
    %dma_wait3A_836 = arith.constant 0 : i32
    %dma_wait3A_837 = tpu.memref_slice %arg7[%dma_wait3A_835, %dma_wait3A_836] : memref<384x128xf32, #tpu.memory_space<vmem>> -> memref<128x128xf32, #tpu.memory_space<vmem>>
    %dma_wait3A_838 = arith.constant 4480 : i32
    %dma_wait3A_839 = tpu.memref_slice %arg5[%dma_wait3A_838] : memref<6400xi32, #tpu.memory_space<vmem>> -> memref<128xi32, #tpu.memory_space<vmem>>
    %dma_wait3A_840 = arith.constant 0 : i32
    %dma_wait3A_841 = arith.constant 0 : i32
    %dma_wait3A_842 = tpu.memref_slice %arg3[%dma_wait3A_840, %dma_wait3A_841] : memref<100000x128xf32, #tpu.memory_space<hbm>> -> memref<100000x128xf32, #tpu.memory_space<hbm>>
    tpu.wait_indirect_dma semaphore(%arg9 : memref<!tpu.dma_semaphore, #tpu.memory_space<semaphore_mem>>) src(%dma_wait3A_842 : memref<100000x128xf32, #tpu.memory_space<hbm>>) dst(%dma_wait3A_837 : memref<128x128xf32, #tpu.memory_space<vmem>>)
    %add3A_843 = arith.constant 4224 : i32
    %add3A_844 = arith.addi %mul3A_2, %add3A_843 : i32
    %dma_start3A_845 = arith.constant 0 : i32
    %dma_start3A_846 = arith.constant 0 : i32
    %dma_start3A_847 = tpu.memref_slice %arg7[%dma_start3A_845, %dma_start3A_846] : memref<384x128xf32, #tpu.memory_space<vmem>> -> memref<384x128xf32, #tpu.memory_space<vmem>>
    %dma_start3A_848 = arith.constant 0 : i32
    %dma_start3A_849 = tpu.memref_slice %arg4[%add3A_844, %dma_start3A_848] : memref<204800x128xf32, #tpu.memory_space<hbm>> -> memref<384x128xf32, #tpu.memory_space<hbm>>
    %dma_start3A_850 = arith.constant 0 : i32
    %dma_start3A_851 = tpu.memref_slice %arg4[%add3A_844, %dma_start3A_850] : memref<204800x128xf32, #tpu.memory_space<hbm>> -> memref<384x128xf32, #tpu.memory_space<hbm>>
    %dma_start3A_852 = arith.constant 0 : i32
    %dma_start3A_853 = arith.constant 0 : i32
    %dma_start3A_854 = tpu.memref_slice %arg7[%dma_start3A_852, %dma_start3A_853] : memref<384x128xf32, #tpu.memory_space<vmem>> -> memref<384x128xf32, #tpu.memory_space<vmem>>
    tpu.enqueue_dma source(%dma_start3A_854 : memref<384x128xf32, #tpu.memory_space<vmem>>) target(%dma_start3A_851 : memref<384x128xf32, #tpu.memory_space<hbm>>) target_semaphore(%arg11 : memref<!tpu.dma_semaphore, #tpu.memory_space<semaphore_mem>>)
    %dma_wait3A_855 = arith.constant 0 : i32
    %dma_wait3A_856 = arith.constant 0 : i32
    %dma_wait3A_857 = tpu.memref_slice %arg7[%dma_wait3A_855, %dma_wait3A_856] : memref<384x128xf32, #tpu.memory_space<vmem>> -> memref<384x128xf32, #tpu.memory_space<vmem>>
    %dma_wait3A_858 = arith.constant 0 : i32
    %dma_wait3A_859 = tpu.memref_slice %arg4[%add3A_844, %dma_wait3A_858] : memref<204800x128xf32, #tpu.memory_space<hbm>> -> memref<384x128xf32, #tpu.memory_space<hbm>>
    %dma_wait3A_860 = arith.constant 0 : i32
    %dma_wait3A_861 = tpu.memref_slice %arg4[%add3A_844, %dma_wait3A_860] : memref<204800x128xf32, #tpu.memory_space<hbm>> -> memref<384x128xf32, #tpu.memory_space<hbm>>
    %dma_wait3A_862 = arith.constant 0 : i32
    %dma_wait3A_863 = arith.constant 0 : i32
    %dma_wait3A_864 = tpu.memref_slice %arg7[%dma_wait3A_862, %dma_wait3A_863] : memref<384x128xf32, #tpu.memory_space<vmem>> -> memref<384x128xf32, #tpu.memory_space<vmem>>
    tpu.wait_dma2 semaphore(%arg11 : memref<!tpu.dma_semaphore, #tpu.memory_space<semaphore_mem>>) src(%dma_wait3A_864 : memref<384x128xf32, #tpu.memory_space<vmem>>) dst(%dma_wait3A_861 : memref<384x128xf32, #tpu.memory_space<hbm>>)
    %dma_start3A_865 = arith.constant 0 : i32
    %dma_start3A_866 = arith.constant 0 : i32
    %dma_start3A_867 = tpu.memref_slice %arg7[%dma_start3A_865, %dma_start3A_866] : memref<384x128xf32, #tpu.memory_space<vmem>> -> memref<128x128xf32, #tpu.memory_space<vmem>>
    %dma_start3A_868 = arith.constant 4992 : i32
    %dma_start3A_869 = tpu.memref_slice %arg5[%dma_start3A_868] : memref<6400xi32, #tpu.memory_space<vmem>> -> memref<128xi32, #tpu.memory_space<vmem>>
    %dma_start3A_870 = arith.constant 0 : i32
    %dma_start3A_871 = arith.constant 0 : i32
    %dma_start3A_872 = tpu.memref_slice %arg3[%dma_start3A_870, %dma_start3A_871] : memref<100000x128xf32, #tpu.memory_space<hbm>> -> memref<100000x128xf32, #tpu.memory_space<hbm>>
    tpu.enqueue_indirect_dma source(%dma_start3A_872 : memref<100000x128xf32, #tpu.memory_space<hbm>>) target(%dma_start3A_867 : memref<128x128xf32, #tpu.memory_space<vmem>>) offsets(%dma_start3A_869 : memref<128xi32, #tpu.memory_space<vmem>>) semaphore(%arg9 : memref<!tpu.dma_semaphore, #tpu.memory_space<semaphore_mem>>)
    %dma_start3A_873 = arith.constant 128 : i32
    %dma_start3A_874 = arith.constant 0 : i32
    %dma_start3A_875 = tpu.memref_slice %arg7[%dma_start3A_873, %dma_start3A_874] : memref<384x128xf32, #tpu.memory_space<vmem>> -> memref<128x128xf32, #tpu.memory_space<vmem>>
    %dma_start3A_876 = arith.constant 5120 : i32
    %dma_start3A_877 = tpu.memref_slice %arg5[%dma_start3A_876] : memref<6400xi32, #tpu.memory_space<vmem>> -> memref<128xi32, #tpu.memory_space<vmem>>
    %dma_start3A_878 = arith.constant 0 : i32
    %dma_start3A_879 = arith.constant 0 : i32
    %dma_start3A_880 = tpu.memref_slice %arg3[%dma_start3A_878, %dma_start3A_879] : memref<100000x128xf32, #tpu.memory_space<hbm>> -> memref<100000x128xf32, #tpu.memory_space<hbm>>
    tpu.enqueue_indirect_dma source(%dma_start3A_880 : memref<100000x128xf32, #tpu.memory_space<hbm>>) target(%dma_start3A_875 : memref<128x128xf32, #tpu.memory_space<vmem>>) offsets(%dma_start3A_877 : memref<128xi32, #tpu.memory_space<vmem>>) semaphore(%arg9 : memref<!tpu.dma_semaphore, #tpu.memory_space<semaphore_mem>>)
    %dma_start3A_881 = arith.constant 256 : i32
    %dma_start3A_882 = arith.constant 0 : i32
    %dma_start3A_883 = tpu.memref_slice %arg7[%dma_start3A_881, %dma_start3A_882] : memref<384x128xf32, #tpu.memory_space<vmem>> -> memref<128x128xf32, #tpu.memory_space<vmem>>
    %dma_start3A_884 = arith.constant 5248 : i32
    %dma_start3A_885 = tpu.memref_slice %arg5[%dma_start3A_884] : memref<6400xi32, #tpu.memory_space<vmem>> -> memref<128xi32, #tpu.memory_space<vmem>>
    %dma_start3A_886 = arith.constant 0 : i32
    %dma_start3A_887 = arith.constant 0 : i32
    %dma_start3A_888 = tpu.memref_slice %arg3[%dma_start3A_886, %dma_start3A_887] : memref<100000x128xf32, #tpu.memory_space<hbm>> -> memref<100000x128xf32, #tpu.memory_space<hbm>>
    tpu.enqueue_indirect_dma source(%dma_start3A_888 : memref<100000x128xf32, #tpu.memory_space<hbm>>) target(%dma_start3A_883 : memref<128x128xf32, #tpu.memory_space<vmem>>) offsets(%dma_start3A_885 : memref<128xi32, #tpu.memory_space<vmem>>) semaphore(%arg9 : memref<!tpu.dma_semaphore, #tpu.memory_space<semaphore_mem>>)
    %dma_wait3A_889 = arith.constant 0 : i32
    %dma_wait3A_890 = arith.constant 0 : i32
    %dma_wait3A_891 = tpu.memref_slice %arg6[%dma_wait3A_889, %dma_wait3A_890] : memref<384x128xf32, #tpu.memory_space<vmem>> -> memref<128x128xf32, #tpu.memory_space<vmem>>
    %dma_wait3A_892 = arith.constant 4608 : i32
    %dma_wait3A_893 = tpu.memref_slice %arg5[%dma_wait3A_892] : memref<6400xi32, #tpu.memory_space<vmem>> -> memref<128xi32, #tpu.memory_space<vmem>>
    %dma_wait3A_894 = arith.constant 0 : i32
    %dma_wait3A_895 = arith.constant 0 : i32
    %dma_wait3A_896 = tpu.memref_slice %arg3[%dma_wait3A_894, %dma_wait3A_895] : memref<100000x128xf32, #tpu.memory_space<hbm>> -> memref<100000x128xf32, #tpu.memory_space<hbm>>
    tpu.wait_indirect_dma semaphore(%arg8 : memref<!tpu.dma_semaphore, #tpu.memory_space<semaphore_mem>>) src(%dma_wait3A_896 : memref<100000x128xf32, #tpu.memory_space<hbm>>) dst(%dma_wait3A_891 : memref<128x128xf32, #tpu.memory_space<vmem>>)
    %dma_wait3A_897 = arith.constant 128 : i32
    %dma_wait3A_898 = arith.constant 0 : i32
    %dma_wait3A_899 = tpu.memref_slice %arg6[%dma_wait3A_897, %dma_wait3A_898] : memref<384x128xf32, #tpu.memory_space<vmem>> -> memref<128x128xf32, #tpu.memory_space<vmem>>
    %dma_wait3A_900 = arith.constant 4736 : i32
    %dma_wait3A_901 = tpu.memref_slice %arg5[%dma_wait3A_900] : memref<6400xi32, #tpu.memory_space<vmem>> -> memref<128xi32, #tpu.memory_space<vmem>>
    %dma_wait3A_902 = arith.constant 0 : i32
    %dma_wait3A_903 = arith.constant 0 : i32
    %dma_wait3A_904 = tpu.memref_slice %arg3[%dma_wait3A_902, %dma_wait3A_903] : memref<100000x128xf32, #tpu.memory_space<hbm>> -> memref<100000x128xf32, #tpu.memory_space<hbm>>
    tpu.wait_indirect_dma semaphore(%arg8 : memref<!tpu.dma_semaphore, #tpu.memory_space<semaphore_mem>>) src(%dma_wait3A_904 : memref<100000x128xf32, #tpu.memory_space<hbm>>) dst(%dma_wait3A_899 : memref<128x128xf32, #tpu.memory_space<vmem>>)
    %dma_wait3A_905 = arith.constant 256 : i32
    %dma_wait3A_906 = arith.constant 0 : i32
    %dma_wait3A_907 = tpu.memref_slice %arg6[%dma_wait3A_905, %dma_wait3A_906] : memref<384x128xf32, #tpu.memory_space<vmem>> -> memref<128x128xf32, #tpu.memory_space<vmem>>
    %dma_wait3A_908 = arith.constant 4864 : i32
    %dma_wait3A_909 = tpu.memref_slice %arg5[%dma_wait3A_908] : memref<6400xi32, #tpu.memory_space<vmem>> -> memref<128xi32, #tpu.memory_space<vmem>>
    %dma_wait3A_910 = arith.constant 0 : i32
    %dma_wait3A_911 = arith.constant 0 : i32
    %dma_wait3A_912 = tpu.memref_slice %arg3[%dma_wait3A_910, %dma_wait3A_911] : memref<100000x128xf32, #tpu.memory_space<hbm>> -> memref<100000x128xf32, #tpu.memory_space<hbm>>
    tpu.wait_indirect_dma semaphore(%arg8 : memref<!tpu.dma_semaphore, #tpu.memory_space<semaphore_mem>>) src(%dma_wait3A_912 : memref<100000x128xf32, #tpu.memory_space<hbm>>) dst(%dma_wait3A_907 : memref<128x128xf32, #tpu.memory_space<vmem>>)
    %add3A_913 = arith.constant 4608 : i32
    %add3A_914 = arith.addi %mul3A_2, %add3A_913 : i32
    %dma_start3A_915 = arith.constant 0 : i32
    %dma_start3A_916 = arith.constant 0 : i32
    %dma_start3A_917 = tpu.memref_slice %arg6[%dma_start3A_915, %dma_start3A_916] : memref<384x128xf32, #tpu.memory_space<vmem>> -> memref<384x128xf32, #tpu.memory_space<vmem>>
    %dma_start3A_918 = arith.constant 0 : i32
    %dma_start3A_919 = tpu.memref_slice %arg4[%add3A_914, %dma_start3A_918] : memref<204800x128xf32, #tpu.memory_space<hbm>> -> memref<384x128xf32, #tpu.memory_space<hbm>>
    %dma_start3A_920 = arith.constant 0 : i32
    %dma_start3A_921 = tpu.memref_slice %arg4[%add3A_914, %dma_start3A_920] : memref<204800x128xf32, #tpu.memory_space<hbm>> -> memref<384x128xf32, #tpu.memory_space<hbm>>
    %dma_start3A_922 = arith.constant 0 : i32
    %dma_start3A_923 = arith.constant 0 : i32
    %dma_start3A_924 = tpu.memref_slice %arg6[%dma_start3A_922, %dma_start3A_923] : memref<384x128xf32, #tpu.memory_space<vmem>> -> memref<384x128xf32, #tpu.memory_space<vmem>>
    tpu.enqueue_dma source(%dma_start3A_924 : memref<384x128xf32, #tpu.memory_space<vmem>>) target(%dma_start3A_921 : memref<384x128xf32, #tpu.memory_space<hbm>>) target_semaphore(%arg10 : memref<!tpu.dma_semaphore, #tpu.memory_space<semaphore_mem>>)
    %dma_wait3A_925 = arith.constant 0 : i32
    %dma_wait3A_926 = arith.constant 0 : i32
    %dma_wait3A_927 = tpu.memref_slice %arg6[%dma_wait3A_925, %dma_wait3A_926] : memref<384x128xf32, #tpu.memory_space<vmem>> -> memref<384x128xf32, #tpu.memory_space<vmem>>
    %dma_wait3A_928 = arith.constant 0 : i32
    %dma_wait3A_929 = tpu.memref_slice %arg4[%add3A_914, %dma_wait3A_928] : memref<204800x128xf32, #tpu.memory_space<hbm>> -> memref<384x128xf32, #tpu.memory_space<hbm>>
    %dma_wait3A_930 = arith.constant 0 : i32
    %dma_wait3A_931 = tpu.memref_slice %arg4[%add3A_914, %dma_wait3A_930] : memref<204800x128xf32, #tpu.memory_space<hbm>> -> memref<384x128xf32, #tpu.memory_space<hbm>>
    %dma_wait3A_932 = arith.constant 0 : i32
    %dma_wait3A_933 = arith.constant 0 : i32
    %dma_wait3A_934 = tpu.memref_slice %arg6[%dma_wait3A_932, %dma_wait3A_933] : memref<384x128xf32, #tpu.memory_space<vmem>> -> memref<384x128xf32, #tpu.memory_space<vmem>>
    tpu.wait_dma2 semaphore(%arg10 : memref<!tpu.dma_semaphore, #tpu.memory_space<semaphore_mem>>) src(%dma_wait3A_934 : memref<384x128xf32, #tpu.memory_space<vmem>>) dst(%dma_wait3A_931 : memref<384x128xf32, #tpu.memory_space<hbm>>)
    %dma_start3A_935 = arith.constant 0 : i32
    %dma_start3A_936 = arith.constant 0 : i32
    %dma_start3A_937 = tpu.memref_slice %arg6[%dma_start3A_935, %dma_start3A_936] : memref<384x128xf32, #tpu.memory_space<vmem>> -> memref<128x128xf32, #tpu.memory_space<vmem>>
    %dma_start3A_938 = arith.constant 5376 : i32
    %dma_start3A_939 = tpu.memref_slice %arg5[%dma_start3A_938] : memref<6400xi32, #tpu.memory_space<vmem>> -> memref<128xi32, #tpu.memory_space<vmem>>
    %dma_start3A_940 = arith.constant 0 : i32
    %dma_start3A_941 = arith.constant 0 : i32
    %dma_start3A_942 = tpu.memref_slice %arg3[%dma_start3A_940, %dma_start3A_941] : memref<100000x128xf32, #tpu.memory_space<hbm>> -> memref<100000x128xf32, #tpu.memory_space<hbm>>
    tpu.enqueue_indirect_dma source(%dma_start3A_942 : memref<100000x128xf32, #tpu.memory_space<hbm>>) target(%dma_start3A_937 : memref<128x128xf32, #tpu.memory_space<vmem>>) offsets(%dma_start3A_939 : memref<128xi32, #tpu.memory_space<vmem>>) semaphore(%arg8 : memref<!tpu.dma_semaphore, #tpu.memory_space<semaphore_mem>>)
    %dma_start3A_943 = arith.constant 128 : i32
    %dma_start3A_944 = arith.constant 0 : i32
    %dma_start3A_945 = tpu.memref_slice %arg6[%dma_start3A_943, %dma_start3A_944] : memref<384x128xf32, #tpu.memory_space<vmem>> -> memref<128x128xf32, #tpu.memory_space<vmem>>
    %dma_start3A_946 = arith.constant 5504 : i32
    %dma_start3A_947 = tpu.memref_slice %arg5[%dma_start3A_946] : memref<6400xi32, #tpu.memory_space<vmem>> -> memref<128xi32, #tpu.memory_space<vmem>>
    %dma_start3A_948 = arith.constant 0 : i32
    %dma_start3A_949 = arith.constant 0 : i32
    %dma_start3A_950 = tpu.memref_slice %arg3[%dma_start3A_948, %dma_start3A_949] : memref<100000x128xf32, #tpu.memory_space<hbm>> -> memref<100000x128xf32, #tpu.memory_space<hbm>>
    tpu.enqueue_indirect_dma source(%dma_start3A_950 : memref<100000x128xf32, #tpu.memory_space<hbm>>) target(%dma_start3A_945 : memref<128x128xf32, #tpu.memory_space<vmem>>) offsets(%dma_start3A_947 : memref<128xi32, #tpu.memory_space<vmem>>) semaphore(%arg8 : memref<!tpu.dma_semaphore, #tpu.memory_space<semaphore_mem>>)
    %dma_start3A_951 = arith.constant 256 : i32
    %dma_start3A_952 = arith.constant 0 : i32
    %dma_start3A_953 = tpu.memref_slice %arg6[%dma_start3A_951, %dma_start3A_952] : memref<384x128xf32, #tpu.memory_space<vmem>> -> memref<128x128xf32, #tpu.memory_space<vmem>>
    %dma_start3A_954 = arith.constant 5632 : i32
    %dma_start3A_955 = tpu.memref_slice %arg5[%dma_start3A_954] : memref<6400xi32, #tpu.memory_space<vmem>> -> memref<128xi32, #tpu.memory_space<vmem>>
    %dma_start3A_956 = arith.constant 0 : i32
    %dma_start3A_957 = arith.constant 0 : i32
    %dma_start3A_958 = tpu.memref_slice %arg3[%dma_start3A_956, %dma_start3A_957] : memref<100000x128xf32, #tpu.memory_space<hbm>> -> memref<100000x128xf32, #tpu.memory_space<hbm>>
    tpu.enqueue_indirect_dma source(%dma_start3A_958 : memref<100000x128xf32, #tpu.memory_space<hbm>>) target(%dma_start3A_953 : memref<128x128xf32, #tpu.memory_space<vmem>>) offsets(%dma_start3A_955 : memref<128xi32, #tpu.memory_space<vmem>>) semaphore(%arg8 : memref<!tpu.dma_semaphore, #tpu.memory_space<semaphore_mem>>)
    %dma_wait3A_959 = arith.constant 0 : i32
    %dma_wait3A_960 = arith.constant 0 : i32
    %dma_wait3A_961 = tpu.memref_slice %arg7[%dma_wait3A_959, %dma_wait3A_960] : memref<384x128xf32, #tpu.memory_space<vmem>> -> memref<128x128xf32, #tpu.memory_space<vmem>>
    %dma_wait3A_962 = arith.constant 4992 : i32
    %dma_wait3A_963 = tpu.memref_slice %arg5[%dma_wait3A_962] : memref<6400xi32, #tpu.memory_space<vmem>> -> memref<128xi32, #tpu.memory_space<vmem>>
    %dma_wait3A_964 = arith.constant 0 : i32
    %dma_wait3A_965 = arith.constant 0 : i32
    %dma_wait3A_966 = tpu.memref_slice %arg3[%dma_wait3A_964, %dma_wait3A_965] : memref<100000x128xf32, #tpu.memory_space<hbm>> -> memref<100000x128xf32, #tpu.memory_space<hbm>>
    tpu.wait_indirect_dma semaphore(%arg9 : memref<!tpu.dma_semaphore, #tpu.memory_space<semaphore_mem>>) src(%dma_wait3A_966 : memref<100000x128xf32, #tpu.memory_space<hbm>>) dst(%dma_wait3A_961 : memref<128x128xf32, #tpu.memory_space<vmem>>)
    %dma_wait3A_967 = arith.constant 128 : i32
    %dma_wait3A_968 = arith.constant 0 : i32
    %dma_wait3A_969 = tpu.memref_slice %arg7[%dma_wait3A_967, %dma_wait3A_968] : memref<384x128xf32, #tpu.memory_space<vmem>> -> memref<128x128xf32, #tpu.memory_space<vmem>>
    %dma_wait3A_970 = arith.constant 5120 : i32
    %dma_wait3A_971 = tpu.memref_slice %arg5[%dma_wait3A_970] : memref<6400xi32, #tpu.memory_space<vmem>> -> memref<128xi32, #tpu.memory_space<vmem>>
    %dma_wait3A_972 = arith.constant 0 : i32
    %dma_wait3A_973 = arith.constant 0 : i32
    %dma_wait3A_974 = tpu.memref_slice %arg3[%dma_wait3A_972, %dma_wait3A_973] : memref<100000x128xf32, #tpu.memory_space<hbm>> -> memref<100000x128xf32, #tpu.memory_space<hbm>>
    tpu.wait_indirect_dma semaphore(%arg9 : memref<!tpu.dma_semaphore, #tpu.memory_space<semaphore_mem>>) src(%dma_wait3A_974 : memref<100000x128xf32, #tpu.memory_space<hbm>>) dst(%dma_wait3A_969 : memref<128x128xf32, #tpu.memory_space<vmem>>)
    %dma_wait3A_975 = arith.constant 256 : i32
    %dma_wait3A_976 = arith.constant 0 : i32
    %dma_wait3A_977 = tpu.memref_slice %arg7[%dma_wait3A_975, %dma_wait3A_976] : memref<384x128xf32, #tpu.memory_space<vmem>> -> memref<128x128xf32, #tpu.memory_space<vmem>>
    %dma_wait3A_978 = arith.constant 5248 : i32
    %dma_wait3A_979 = tpu.memref_slice %arg5[%dma_wait3A_978] : memref<6400xi32, #tpu.memory_space<vmem>> -> memref<128xi32, #tpu.memory_space<vmem>>
    %dma_wait3A_980 = arith.constant 0 : i32
    %dma_wait3A_981 = arith.constant 0 : i32
    %dma_wait3A_982 = tpu.memref_slice %arg3[%dma_wait3A_980, %dma_wait3A_981] : memref<100000x128xf32, #tpu.memory_space<hbm>> -> memref<100000x128xf32, #tpu.memory_space<hbm>>
    tpu.wait_indirect_dma semaphore(%arg9 : memref<!tpu.dma_semaphore, #tpu.memory_space<semaphore_mem>>) src(%dma_wait3A_982 : memref<100000x128xf32, #tpu.memory_space<hbm>>) dst(%dma_wait3A_977 : memref<128x128xf32, #tpu.memory_space<vmem>>)
    %add3A_983 = arith.constant 4992 : i32
    %add3A_984 = arith.addi %mul3A_2, %add3A_983 : i32
    %dma_start3A_985 = arith.constant 0 : i32
    %dma_start3A_986 = arith.constant 0 : i32
    %dma_start3A_987 = tpu.memref_slice %arg7[%dma_start3A_985, %dma_start3A_986] : memref<384x128xf32, #tpu.memory_space<vmem>> -> memref<384x128xf32, #tpu.memory_space<vmem>>
    %dma_start3A_988 = arith.constant 0 : i32
    %dma_start3A_989 = tpu.memref_slice %arg4[%add3A_984, %dma_start3A_988] : memref<204800x128xf32, #tpu.memory_space<hbm>> -> memref<384x128xf32, #tpu.memory_space<hbm>>
    %dma_start3A_990 = arith.constant 0 : i32
    %dma_start3A_991 = tpu.memref_slice %arg4[%add3A_984, %dma_start3A_990] : memref<204800x128xf32, #tpu.memory_space<hbm>> -> memref<384x128xf32, #tpu.memory_space<hbm>>
    %dma_start3A_992 = arith.constant 0 : i32
    %dma_start3A_993 = arith.constant 0 : i32
    %dma_start3A_994 = tpu.memref_slice %arg7[%dma_start3A_992, %dma_start3A_993] : memref<384x128xf32, #tpu.memory_space<vmem>> -> memref<384x128xf32, #tpu.memory_space<vmem>>
    tpu.enqueue_dma source(%dma_start3A_994 : memref<384x128xf32, #tpu.memory_space<vmem>>) target(%dma_start3A_991 : memref<384x128xf32, #tpu.memory_space<hbm>>) target_semaphore(%arg11 : memref<!tpu.dma_semaphore, #tpu.memory_space<semaphore_mem>>)
    %dma_wait3A_995 = arith.constant 0 : i32
    %dma_wait3A_996 = arith.constant 0 : i32
    %dma_wait3A_997 = tpu.memref_slice %arg7[%dma_wait3A_995, %dma_wait3A_996] : memref<384x128xf32, #tpu.memory_space<vmem>> -> memref<384x128xf32, #tpu.memory_space<vmem>>
    %dma_wait3A_998 = arith.constant 0 : i32
    %dma_wait3A_999 = tpu.memref_slice %arg4[%add3A_984, %dma_wait3A_998] : memref<204800x128xf32, #tpu.memory_space<hbm>> -> memref<384x128xf32, #tpu.memory_space<hbm>>
    %dma_wait3A_1000 = arith.constant 0 : i32
    %dma_wait3A_1001 = tpu.memref_slice %arg4[%add3A_984, %dma_wait3A_1000] : memref<204800x128xf32, #tpu.memory_space<hbm>> -> memref<384x128xf32, #tpu.memory_space<hbm>>
    %dma_wait3A_1002 = arith.constant 0 : i32
    %dma_wait3A_1003 = arith.constant 0 : i32
    %dma_wait3A_1004 = tpu.memref_slice %arg7[%dma_wait3A_1002, %dma_wait3A_1003] : memref<384x128xf32, #tpu.memory_space<vmem>> -> memref<384x128xf32, #tpu.memory_space<vmem>>
    tpu.wait_dma2 semaphore(%arg11 : memref<!tpu.dma_semaphore, #tpu.memory_space<semaphore_mem>>) src(%dma_wait3A_1004 : memref<384x128xf32, #tpu.memory_space<vmem>>) dst(%dma_wait3A_1001 : memref<384x128xf32, #tpu.memory_space<hbm>>)
    %dma_start3A_1005 = arith.constant 0 : i32
    %dma_start3A_1006 = arith.constant 0 : i32
    %dma_start3A_1007 = tpu.memref_slice %arg7[%dma_start3A_1005, %dma_start3A_1006] : memref<384x128xf32, #tpu.memory_space<vmem>> -> memref<128x128xf32, #tpu.memory_space<vmem>>
    %dma_start3A_1008 = arith.constant 5760 : i32
    %dma_start3A_1009 = tpu.memref_slice %arg5[%dma_start3A_1008] : memref<6400xi32, #tpu.memory_space<vmem>> -> memref<128xi32, #tpu.memory_space<vmem>>
    %dma_start3A_1010 = arith.constant 0 : i32
    %dma_start3A_1011 = arith.constant 0 : i32
    %dma_start3A_1012 = tpu.memref_slice %arg3[%dma_start3A_1010, %dma_start3A_1011] : memref<100000x128xf32, #tpu.memory_space<hbm>> -> memref<100000x128xf32, #tpu.memory_space<hbm>>
    tpu.enqueue_indirect_dma source(%dma_start3A_1012 : memref<100000x128xf32, #tpu.memory_space<hbm>>) target(%dma_start3A_1007 : memref<128x128xf32, #tpu.memory_space<vmem>>) offsets(%dma_start3A_1009 : memref<128xi32, #tpu.memory_space<vmem>>) semaphore(%arg9 : memref<!tpu.dma_semaphore, #tpu.memory_space<semaphore_mem>>)
    %dma_start3A_1013 = arith.constant 128 : i32
    %dma_start3A_1014 = arith.constant 0 : i32
    %dma_start3A_1015 = tpu.memref_slice %arg7[%dma_start3A_1013, %dma_start3A_1014] : memref<384x128xf32, #tpu.memory_space<vmem>> -> memref<128x128xf32, #tpu.memory_space<vmem>>
    %dma_start3A_1016 = arith.constant 5888 : i32
    %dma_start3A_1017 = tpu.memref_slice %arg5[%dma_start3A_1016] : memref<6400xi32, #tpu.memory_space<vmem>> -> memref<128xi32, #tpu.memory_space<vmem>>
    %dma_start3A_1018 = arith.constant 0 : i32
    %dma_start3A_1019 = arith.constant 0 : i32
    %dma_start3A_1020 = tpu.memref_slice %arg3[%dma_start3A_1018, %dma_start3A_1019] : memref<100000x128xf32, #tpu.memory_space<hbm>> -> memref<100000x128xf32, #tpu.memory_space<hbm>>
    tpu.enqueue_indirect_dma source(%dma_start3A_1020 : memref<100000x128xf32, #tpu.memory_space<hbm>>) target(%dma_start3A_1015 : memref<128x128xf32, #tpu.memory_space<vmem>>) offsets(%dma_start3A_1017 : memref<128xi32, #tpu.memory_space<vmem>>) semaphore(%arg9 : memref<!tpu.dma_semaphore, #tpu.memory_space<semaphore_mem>>)
    %dma_start3A_1021 = arith.constant 256 : i32
    %dma_start3A_1022 = arith.constant 0 : i32
    %dma_start3A_1023 = tpu.memref_slice %arg7[%dma_start3A_1021, %dma_start3A_1022] : memref<384x128xf32, #tpu.memory_space<vmem>> -> memref<128x128xf32, #tpu.memory_space<vmem>>
    %dma_start3A_1024 = arith.constant 6016 : i32
    %dma_start3A_1025 = tpu.memref_slice %arg5[%dma_start3A_1024] : memref<6400xi32, #tpu.memory_space<vmem>> -> memref<128xi32, #tpu.memory_space<vmem>>
    %dma_start3A_1026 = arith.constant 0 : i32
    %dma_start3A_1027 = arith.constant 0 : i32
    %dma_start3A_1028 = tpu.memref_slice %arg3[%dma_start3A_1026, %dma_start3A_1027] : memref<100000x128xf32, #tpu.memory_space<hbm>> -> memref<100000x128xf32, #tpu.memory_space<hbm>>
    tpu.enqueue_indirect_dma source(%dma_start3A_1028 : memref<100000x128xf32, #tpu.memory_space<hbm>>) target(%dma_start3A_1023 : memref<128x128xf32, #tpu.memory_space<vmem>>) offsets(%dma_start3A_1025 : memref<128xi32, #tpu.memory_space<vmem>>) semaphore(%arg9 : memref<!tpu.dma_semaphore, #tpu.memory_space<semaphore_mem>>)
    %dma_wait3A_1029 = arith.constant 0 : i32
    %dma_wait3A_1030 = arith.constant 0 : i32
    %dma_wait3A_1031 = tpu.memref_slice %arg6[%dma_wait3A_1029, %dma_wait3A_1030] : memref<384x128xf32, #tpu.memory_space<vmem>> -> memref<128x128xf32, #tpu.memory_space<vmem>>
    %dma_wait3A_1032 = arith.constant 5376 : i32
    %dma_wait3A_1033 = tpu.memref_slice %arg5[%dma_wait3A_1032] : memref<6400xi32, #tpu.memory_space<vmem>> -> memref<128xi32, #tpu.memory_space<vmem>>
    %dma_wait3A_1034 = arith.constant 0 : i32
    %dma_wait3A_1035 = arith.constant 0 : i32
    %dma_wait3A_1036 = tpu.memref_slice %arg3[%dma_wait3A_1034, %dma_wait3A_1035] : memref<100000x128xf32, #tpu.memory_space<hbm>> -> memref<100000x128xf32, #tpu.memory_space<hbm>>
    tpu.wait_indirect_dma semaphore(%arg8 : memref<!tpu.dma_semaphore, #tpu.memory_space<semaphore_mem>>) src(%dma_wait3A_1036 : memref<100000x128xf32, #tpu.memory_space<hbm>>) dst(%dma_wait3A_1031 : memref<128x128xf32, #tpu.memory_space<vmem>>)
    %dma_wait3A_1037 = arith.constant 128 : i32
    %dma_wait3A_1038 = arith.constant 0 : i32
    %dma_wait3A_1039 = tpu.memref_slice %arg6[%dma_wait3A_1037, %dma_wait3A_1038] : memref<384x128xf32, #tpu.memory_space<vmem>> -> memref<128x128xf32, #tpu.memory_space<vmem>>
    %dma_wait3A_1040 = arith.constant 5504 : i32
    %dma_wait3A_1041 = tpu.memref_slice %arg5[%dma_wait3A_1040] : memref<6400xi32, #tpu.memory_space<vmem>> -> memref<128xi32, #tpu.memory_space<vmem>>
    %dma_wait3A_1042 = arith.constant 0 : i32
    %dma_wait3A_1043 = arith.constant 0 : i32
    %dma_wait3A_1044 = tpu.memref_slice %arg3[%dma_wait3A_1042, %dma_wait3A_1043] : memref<100000x128xf32, #tpu.memory_space<hbm>> -> memref<100000x128xf32, #tpu.memory_space<hbm>>
    tpu.wait_indirect_dma semaphore(%arg8 : memref<!tpu.dma_semaphore, #tpu.memory_space<semaphore_mem>>) src(%dma_wait3A_1044 : memref<100000x128xf32, #tpu.memory_space<hbm>>) dst(%dma_wait3A_1039 : memref<128x128xf32, #tpu.memory_space<vmem>>)
    %dma_wait3A_1045 = arith.constant 256 : i32
    %dma_wait3A_1046 = arith.constant 0 : i32
    %dma_wait3A_1047 = tpu.memref_slice %arg6[%dma_wait3A_1045, %dma_wait3A_1046] : memref<384x128xf32, #tpu.memory_space<vmem>> -> memref<128x128xf32, #tpu.memory_space<vmem>>
    %dma_wait3A_1048 = arith.constant 5632 : i32
    %dma_wait3A_1049 = tpu.memref_slice %arg5[%dma_wait3A_1048] : memref<6400xi32, #tpu.memory_space<vmem>> -> memref<128xi32, #tpu.memory_space<vmem>>
    %dma_wait3A_1050 = arith.constant 0 : i32
    %dma_wait3A_1051 = arith.constant 0 : i32
    %dma_wait3A_1052 = tpu.memref_slice %arg3[%dma_wait3A_1050, %dma_wait3A_1051] : memref<100000x128xf32, #tpu.memory_space<hbm>> -> memref<100000x128xf32, #tpu.memory_space<hbm>>
    tpu.wait_indirect_dma semaphore(%arg8 : memref<!tpu.dma_semaphore, #tpu.memory_space<semaphore_mem>>) src(%dma_wait3A_1052 : memref<100000x128xf32, #tpu.memory_space<hbm>>) dst(%dma_wait3A_1047 : memref<128x128xf32, #tpu.memory_space<vmem>>)
    %add3A_1053 = arith.constant 5376 : i32
    %add3A_1054 = arith.addi %mul3A_2, %add3A_1053 : i32
    %dma_start3A_1055 = arith.constant 0 : i32
    %dma_start3A_1056 = arith.constant 0 : i32
    %dma_start3A_1057 = tpu.memref_slice %arg6[%dma_start3A_1055, %dma_start3A_1056] : memref<384x128xf32, #tpu.memory_space<vmem>> -> memref<384x128xf32, #tpu.memory_space<vmem>>
    %dma_start3A_1058 = arith.constant 0 : i32
    %dma_start3A_1059 = tpu.memref_slice %arg4[%add3A_1054, %dma_start3A_1058] : memref<204800x128xf32, #tpu.memory_space<hbm>> -> memref<384x128xf32, #tpu.memory_space<hbm>>
    %dma_start3A_1060 = arith.constant 0 : i32
    %dma_start3A_1061 = tpu.memref_slice %arg4[%add3A_1054, %dma_start3A_1060] : memref<204800x128xf32, #tpu.memory_space<hbm>> -> memref<384x128xf32, #tpu.memory_space<hbm>>
    %dma_start3A_1062 = arith.constant 0 : i32
    %dma_start3A_1063 = arith.constant 0 : i32
    %dma_start3A_1064 = tpu.memref_slice %arg6[%dma_start3A_1062, %dma_start3A_1063] : memref<384x128xf32, #tpu.memory_space<vmem>> -> memref<384x128xf32, #tpu.memory_space<vmem>>
    tpu.enqueue_dma source(%dma_start3A_1064 : memref<384x128xf32, #tpu.memory_space<vmem>>) target(%dma_start3A_1061 : memref<384x128xf32, #tpu.memory_space<hbm>>) target_semaphore(%arg10 : memref<!tpu.dma_semaphore, #tpu.memory_space<semaphore_mem>>)
    %dma_wait3A_1065 = arith.constant 0 : i32
    %dma_wait3A_1066 = arith.constant 0 : i32
    %dma_wait3A_1067 = tpu.memref_slice %arg6[%dma_wait3A_1065, %dma_wait3A_1066] : memref<384x128xf32, #tpu.memory_space<vmem>> -> memref<384x128xf32, #tpu.memory_space<vmem>>
    %dma_wait3A_1068 = arith.constant 0 : i32
    %dma_wait3A_1069 = tpu.memref_slice %arg4[%add3A_1054, %dma_wait3A_1068] : memref<204800x128xf32, #tpu.memory_space<hbm>> -> memref<384x128xf32, #tpu.memory_space<hbm>>
    %dma_wait3A_1070 = arith.constant 0 : i32
    %dma_wait3A_1071 = tpu.memref_slice %arg4[%add3A_1054, %dma_wait3A_1070] : memref<204800x128xf32, #tpu.memory_space<hbm>> -> memref<384x128xf32, #tpu.memory_space<hbm>>
    %dma_wait3A_1072 = arith.constant 0 : i32
    %dma_wait3A_1073 = arith.constant 0 : i32
    %dma_wait3A_1074 = tpu.memref_slice %arg6[%dma_wait3A_1072, %dma_wait3A_1073] : memref<384x128xf32, #tpu.memory_space<vmem>> -> memref<384x128xf32, #tpu.memory_space<vmem>>
    tpu.wait_dma2 semaphore(%arg10 : memref<!tpu.dma_semaphore, #tpu.memory_space<semaphore_mem>>) src(%dma_wait3A_1074 : memref<384x128xf32, #tpu.memory_space<vmem>>) dst(%dma_wait3A_1071 : memref<384x128xf32, #tpu.memory_space<hbm>>)
    %dma_start3A_1075 = arith.constant 0 : i32
    %dma_start3A_1076 = arith.constant 0 : i32
    %dma_start3A_1077 = tpu.memref_slice %arg6[%dma_start3A_1075, %dma_start3A_1076] : memref<384x128xf32, #tpu.memory_space<vmem>> -> memref<128x128xf32, #tpu.memory_space<vmem>>
    %dma_start3A_1078 = arith.constant 6144 : i32
    %dma_start3A_1079 = tpu.memref_slice %arg5[%dma_start3A_1078] : memref<6400xi32, #tpu.memory_space<vmem>> -> memref<128xi32, #tpu.memory_space<vmem>>
    %dma_start3A_1080 = arith.constant 0 : i32
    %dma_start3A_1081 = arith.constant 0 : i32
    %dma_start3A_1082 = tpu.memref_slice %arg3[%dma_start3A_1080, %dma_start3A_1081] : memref<100000x128xf32, #tpu.memory_space<hbm>> -> memref<100000x128xf32, #tpu.memory_space<hbm>>
    tpu.enqueue_indirect_dma source(%dma_start3A_1082 : memref<100000x128xf32, #tpu.memory_space<hbm>>) target(%dma_start3A_1077 : memref<128x128xf32, #tpu.memory_space<vmem>>) offsets(%dma_start3A_1079 : memref<128xi32, #tpu.memory_space<vmem>>) semaphore(%arg8 : memref<!tpu.dma_semaphore, #tpu.memory_space<semaphore_mem>>)
    %dma_start3A_1083 = arith.constant 128 : i32
    %dma_start3A_1084 = arith.constant 0 : i32
    %dma_start3A_1085 = tpu.memref_slice %arg6[%dma_start3A_1083, %dma_start3A_1084] : memref<384x128xf32, #tpu.memory_space<vmem>> -> memref<128x128xf32, #tpu.memory_space<vmem>>
    %dma_start3A_1086 = arith.constant 6272 : i32
    %dma_start3A_1087 = tpu.memref_slice %arg5[%dma_start3A_1086] : memref<6400xi32, #tpu.memory_space<vmem>> -> memref<128xi32, #tpu.memory_space<vmem>>
    %dma_start3A_1088 = arith.constant 0 : i32
    %dma_start3A_1089 = arith.constant 0 : i32
    %dma_start3A_1090 = tpu.memref_slice %arg3[%dma_start3A_1088, %dma_start3A_1089] : memref<100000x128xf32, #tpu.memory_space<hbm>> -> memref<100000x128xf32, #tpu.memory_space<hbm>>
    tpu.enqueue_indirect_dma source(%dma_start3A_1090 : memref<100000x128xf32, #tpu.memory_space<hbm>>) target(%dma_start3A_1085 : memref<128x128xf32, #tpu.memory_space<vmem>>) offsets(%dma_start3A_1087 : memref<128xi32, #tpu.memory_space<vmem>>) semaphore(%arg8 : memref<!tpu.dma_semaphore, #tpu.memory_space<semaphore_mem>>)
    %dma_wait3A_1091 = arith.constant 0 : i32
    %dma_wait3A_1092 = arith.constant 0 : i32
    %dma_wait3A_1093 = tpu.memref_slice %arg7[%dma_wait3A_1091, %dma_wait3A_1092] : memref<384x128xf32, #tpu.memory_space<vmem>> -> memref<128x128xf32, #tpu.memory_space<vmem>>
    %dma_wait3A_1094 = arith.constant 5760 : i32
    %dma_wait3A_1095 = tpu.memref_slice %arg5[%dma_wait3A_1094] : memref<6400xi32, #tpu.memory_space<vmem>> -> memref<128xi32, #tpu.memory_space<vmem>>
    %dma_wait3A_1096 = arith.constant 0 : i32
    %dma_wait3A_1097 = arith.constant 0 : i32
    %dma_wait3A_1098 = tpu.memref_slice %arg3[%dma_wait3A_1096, %dma_wait3A_1097] : memref<100000x128xf32, #tpu.memory_space<hbm>> -> memref<100000x128xf32, #tpu.memory_space<hbm>>
    tpu.wait_indirect_dma semaphore(%arg9 : memref<!tpu.dma_semaphore, #tpu.memory_space<semaphore_mem>>) src(%dma_wait3A_1098 : memref<100000x128xf32, #tpu.memory_space<hbm>>) dst(%dma_wait3A_1093 : memref<128x128xf32, #tpu.memory_space<vmem>>)
    %dma_wait3A_1099 = arith.constant 128 : i32
    %dma_wait3A_1100 = arith.constant 0 : i32
    %dma_wait3A_1101 = tpu.memref_slice %arg7[%dma_wait3A_1099, %dma_wait3A_1100] : memref<384x128xf32, #tpu.memory_space<vmem>> -> memref<128x128xf32, #tpu.memory_space<vmem>>
    %dma_wait3A_1102 = arith.constant 5888 : i32
    %dma_wait3A_1103 = tpu.memref_slice %arg5[%dma_wait3A_1102] : memref<6400xi32, #tpu.memory_space<vmem>> -> memref<128xi32, #tpu.memory_space<vmem>>
    %dma_wait3A_1104 = arith.constant 0 : i32
    %dma_wait3A_1105 = arith.constant 0 : i32
    %dma_wait3A_1106 = tpu.memref_slice %arg3[%dma_wait3A_1104, %dma_wait3A_1105] : memref<100000x128xf32, #tpu.memory_space<hbm>> -> memref<100000x128xf32, #tpu.memory_space<hbm>>
    tpu.wait_indirect_dma semaphore(%arg9 : memref<!tpu.dma_semaphore, #tpu.memory_space<semaphore_mem>>) src(%dma_wait3A_1106 : memref<100000x128xf32, #tpu.memory_space<hbm>>) dst(%dma_wait3A_1101 : memref<128x128xf32, #tpu.memory_space<vmem>>)
    %dma_wait3A_1107 = arith.constant 256 : i32
    %dma_wait3A_1108 = arith.constant 0 : i32
    %dma_wait3A_1109 = tpu.memref_slice %arg7[%dma_wait3A_1107, %dma_wait3A_1108] : memref<384x128xf32, #tpu.memory_space<vmem>> -> memref<128x128xf32, #tpu.memory_space<vmem>>
    %dma_wait3A_1110 = arith.constant 6016 : i32
    %dma_wait3A_1111 = tpu.memref_slice %arg5[%dma_wait3A_1110] : memref<6400xi32, #tpu.memory_space<vmem>> -> memref<128xi32, #tpu.memory_space<vmem>>
    %dma_wait3A_1112 = arith.constant 0 : i32
    %dma_wait3A_1113 = arith.constant 0 : i32
    %dma_wait3A_1114 = tpu.memref_slice %arg3[%dma_wait3A_1112, %dma_wait3A_1113] : memref<100000x128xf32, #tpu.memory_space<hbm>> -> memref<100000x128xf32, #tpu.memory_space<hbm>>
    tpu.wait_indirect_dma semaphore(%arg9 : memref<!tpu.dma_semaphore, #tpu.memory_space<semaphore_mem>>) src(%dma_wait3A_1114 : memref<100000x128xf32, #tpu.memory_space<hbm>>) dst(%dma_wait3A_1109 : memref<128x128xf32, #tpu.memory_space<vmem>>)
    %add3A_1115 = arith.constant 5760 : i32
    %add3A_1116 = arith.addi %mul3A_2, %add3A_1115 : i32
    %dma_start3A_1117 = arith.constant 0 : i32
    %dma_start3A_1118 = arith.constant 0 : i32
    %dma_start3A_1119 = tpu.memref_slice %arg7[%dma_start3A_1117, %dma_start3A_1118] : memref<384x128xf32, #tpu.memory_space<vmem>> -> memref<384x128xf32, #tpu.memory_space<vmem>>
    %dma_start3A_1120 = arith.constant 0 : i32
    %dma_start3A_1121 = tpu.memref_slice %arg4[%add3A_1116, %dma_start3A_1120] : memref<204800x128xf32, #tpu.memory_space<hbm>> -> memref<384x128xf32, #tpu.memory_space<hbm>>
    %dma_start3A_1122 = arith.constant 0 : i32
    %dma_start3A_1123 = tpu.memref_slice %arg4[%add3A_1116, %dma_start3A_1122] : memref<204800x128xf32, #tpu.memory_space<hbm>> -> memref<384x128xf32, #tpu.memory_space<hbm>>
    %dma_start3A_1124 = arith.constant 0 : i32
    %dma_start3A_1125 = arith.constant 0 : i32
    %dma_start3A_1126 = tpu.memref_slice %arg7[%dma_start3A_1124, %dma_start3A_1125] : memref<384x128xf32, #tpu.memory_space<vmem>> -> memref<384x128xf32, #tpu.memory_space<vmem>>
    tpu.enqueue_dma source(%dma_start3A_1126 : memref<384x128xf32, #tpu.memory_space<vmem>>) target(%dma_start3A_1123 : memref<384x128xf32, #tpu.memory_space<hbm>>) target_semaphore(%arg11 : memref<!tpu.dma_semaphore, #tpu.memory_space<semaphore_mem>>)
    %dma_wait3A_1127 = arith.constant 0 : i32
    %dma_wait3A_1128 = arith.constant 0 : i32
    %dma_wait3A_1129 = tpu.memref_slice %arg6[%dma_wait3A_1127, %dma_wait3A_1128] : memref<384x128xf32, #tpu.memory_space<vmem>> -> memref<128x128xf32, #tpu.memory_space<vmem>>
    %dma_wait3A_1130 = arith.constant 6144 : i32
    %dma_wait3A_1131 = tpu.memref_slice %arg5[%dma_wait3A_1130] : memref<6400xi32, #tpu.memory_space<vmem>> -> memref<128xi32, #tpu.memory_space<vmem>>
    %dma_wait3A_1132 = arith.constant 0 : i32
    %dma_wait3A_1133 = arith.constant 0 : i32
    %dma_wait3A_1134 = tpu.memref_slice %arg3[%dma_wait3A_1132, %dma_wait3A_1133] : memref<100000x128xf32, #tpu.memory_space<hbm>> -> memref<100000x128xf32, #tpu.memory_space<hbm>>
    tpu.wait_indirect_dma semaphore(%arg8 : memref<!tpu.dma_semaphore, #tpu.memory_space<semaphore_mem>>) src(%dma_wait3A_1134 : memref<100000x128xf32, #tpu.memory_space<hbm>>) dst(%dma_wait3A_1129 : memref<128x128xf32, #tpu.memory_space<vmem>>)
    %dma_wait3A_1135 = arith.constant 128 : i32
    %dma_wait3A_1136 = arith.constant 0 : i32
    %dma_wait3A_1137 = tpu.memref_slice %arg6[%dma_wait3A_1135, %dma_wait3A_1136] : memref<384x128xf32, #tpu.memory_space<vmem>> -> memref<128x128xf32, #tpu.memory_space<vmem>>
    %dma_wait3A_1138 = arith.constant 6272 : i32
    %dma_wait3A_1139 = tpu.memref_slice %arg5[%dma_wait3A_1138] : memref<6400xi32, #tpu.memory_space<vmem>> -> memref<128xi32, #tpu.memory_space<vmem>>
    %dma_wait3A_1140 = arith.constant 0 : i32
    %dma_wait3A_1141 = arith.constant 0 : i32
    %dma_wait3A_1142 = tpu.memref_slice %arg3[%dma_wait3A_1140, %dma_wait3A_1141] : memref<100000x128xf32, #tpu.memory_space<hbm>> -> memref<100000x128xf32, #tpu.memory_space<hbm>>
    tpu.wait_indirect_dma semaphore(%arg8 : memref<!tpu.dma_semaphore, #tpu.memory_space<semaphore_mem>>) src(%dma_wait3A_1142 : memref<100000x128xf32, #tpu.memory_space<hbm>>) dst(%dma_wait3A_1137 : memref<128x128xf32, #tpu.memory_space<vmem>>)
    %add3A_1143 = arith.constant 6144 : i32
    %add3A_1144 = arith.addi %mul3A_2, %add3A_1143 : i32
    %dma_start3A_1145 = arith.constant 0 : i32
    %dma_start3A_1146 = arith.constant 0 : i32
    %dma_start3A_1147 = tpu.memref_slice %arg6[%dma_start3A_1145, %dma_start3A_1146] : memref<384x128xf32, #tpu.memory_space<vmem>> -> memref<256x128xf32, #tpu.memory_space<vmem>>
    %dma_start3A_1148 = arith.constant 0 : i32
    %dma_start3A_1149 = tpu.memref_slice %arg4[%add3A_1144, %dma_start3A_1148] : memref<204800x128xf32, #tpu.memory_space<hbm>> -> memref<256x128xf32, #tpu.memory_space<hbm>>
    %dma_start3A_1150 = arith.constant 0 : i32
    %dma_start3A_1151 = tpu.memref_slice %arg4[%add3A_1144, %dma_start3A_1150] : memref<204800x128xf32, #tpu.memory_space<hbm>> -> memref<256x128xf32, #tpu.memory_space<hbm>>
    %dma_start3A_1152 = arith.constant 0 : i32
    %dma_start3A_1153 = arith.constant 0 : i32
    %dma_start3A_1154 = tpu.memref_slice %arg6[%dma_start3A_1152, %dma_start3A_1153] : memref<384x128xf32, #tpu.memory_space<vmem>> -> memref<256x128xf32, #tpu.memory_space<vmem>>
    tpu.enqueue_dma source(%dma_start3A_1154 : memref<256x128xf32, #tpu.memory_space<vmem>>) target(%dma_start3A_1151 : memref<256x128xf32, #tpu.memory_space<hbm>>) target_semaphore(%arg10 : memref<!tpu.dma_semaphore, #tpu.memory_space<semaphore_mem>>)
    %dma_wait3A_1155 = arith.constant 0 : i32
    %dma_wait3A_1156 = arith.constant 0 : i32
    %dma_wait3A_1157 = tpu.memref_slice %arg7[%dma_wait3A_1155, %dma_wait3A_1156] : memref<384x128xf32, #tpu.memory_space<vmem>> -> memref<384x128xf32, #tpu.memory_space<vmem>>
    %dma_wait3A_1158 = arith.constant 0 : i32
    %dma_wait3A_1159 = tpu.memref_slice %arg4[%add3A_1116, %dma_wait3A_1158] : memref<204800x128xf32, #tpu.memory_space<hbm>> -> memref<384x128xf32, #tpu.memory_space<hbm>>
    %dma_wait3A_1160 = arith.constant 0 : i32
    %dma_wait3A_1161 = tpu.memref_slice %arg4[%add3A_1116, %dma_wait3A_1160] : memref<204800x128xf32, #tpu.memory_space<hbm>> -> memref<384x128xf32, #tpu.memory_space<hbm>>
    %dma_wait3A_1162 = arith.constant 0 : i32
    %dma_wait3A_1163 = arith.constant 0 : i32
    %dma_wait3A_1164 = tpu.memref_slice %arg7[%dma_wait3A_1162, %dma_wait3A_1163] : memref<384x128xf32, #tpu.memory_space<vmem>> -> memref<384x128xf32, #tpu.memory_space<vmem>>
    tpu.wait_dma2 semaphore(%arg11 : memref<!tpu.dma_semaphore, #tpu.memory_space<semaphore_mem>>) src(%dma_wait3A_1164 : memref<384x128xf32, #tpu.memory_space<vmem>>) dst(%dma_wait3A_1161 : memref<384x128xf32, #tpu.memory_space<hbm>>)
    %dma_wait3A_1165 = arith.constant 0 : i32
    %dma_wait3A_1166 = arith.constant 0 : i32
    %dma_wait3A_1167 = tpu.memref_slice %arg6[%dma_wait3A_1165, %dma_wait3A_1166] : memref<384x128xf32, #tpu.memory_space<vmem>> -> memref<256x128xf32, #tpu.memory_space<vmem>>
    %dma_wait3A_1168 = arith.constant 0 : i32
    %dma_wait3A_1169 = tpu.memref_slice %arg4[%add3A_1144, %dma_wait3A_1168] : memref<204800x128xf32, #tpu.memory_space<hbm>> -> memref<256x128xf32, #tpu.memory_space<hbm>>
    %dma_wait3A_1170 = arith.constant 0 : i32
    %dma_wait3A_1171 = tpu.memref_slice %arg4[%add3A_1144, %dma_wait3A_1170] : memref<204800x128xf32, #tpu.memory_space<hbm>> -> memref<256x128xf32, #tpu.memory_space<hbm>>
    %dma_wait3A_1172 = arith.constant 0 : i32
    %dma_wait3A_1173 = arith.constant 0 : i32
    %dma_wait3A_1174 = tpu.memref_slice %arg6[%dma_wait3A_1172, %dma_wait3A_1173] : memref<384x128xf32, #tpu.memory_space<vmem>> -> memref<256x128xf32, #tpu.memory_space<vmem>>
    tpu.wait_dma2 semaphore(%arg10 : memref<!tpu.dma_semaphore, #tpu.memory_space<semaphore_mem>>) src(%dma_wait3A_1174 : memref<256x128xf32, #tpu.memory_space<vmem>>) dst(%dma_wait3A_1171 : memref<256x128xf32, #tpu.memory_space<hbm>>)
    return
  }
}

</mosaic_0001>

<sc_bundles>
// kernel: _embedding_lookup.3.cloned.1.call-start
scs
__scs_entry_jumppad:
0x0: {  	(pc) =	sbr.rel $0x88, $3  }
0x1: {  	(tag) =	ssettag $0x0;
	lr =	simm.s32 $0x1  }
0x2: {  	[smem:$0x3F9F] =	sst lr;
	_ =	strace $0xD0000000  }
0x3: {  	_ = 	snop  }
0x4: {  	_ = 	snop  }
0x5: {  	_ = 	snop  }
0x6: {  	_ = 	snop  }
0x7: {  	_ = 	snop  }
__scs_overlays_trampoline_lowered:
0x8: {  	[smem:$0x3FAE] =	sst s0  }
0x9: {  	[smem:$0x3FAF] =	sst s1  }
0xa: {  	[smem:$0x3FB0] =	sst s2  }
0xb: {  	[smem:$0x3FB1] =	sst s3  }
0xc: {  	[smem:$0x3FB2] =	sst s4  }
0xd: {  	[smem:$0x3FB3] =	sst s5  }
0xe: {  	[smem:$0x3FB4] =	sst s6  }
0xf: {  	[smem:$0x3FB5] =	sst s7  }
0x10: {  	[smem:$0x3FB6] =	sst s8  }
0x11: {  	[smem:$0x3FB7] =	sst s9;
	s0 =	simm.s32 @!p0 $0x0  }
0x12: {  	s1 =	sld [smem:$0x3F9D];
	s0 =	simm.s32 @p0 $0x1  }
0x13: {  	[smem:$0x3FB8] =	sst s0;
	s0 =	simm.s32 @!p1 $0x0  }
0x14: {  	s2 =	sld [smem:$0x3F9C];
	s0 =	simm.s32 @p1 $0x1  }
0x15: {  	[smem:$0x3FB9] =	sst s0;
	s0 =	simm.s32 @!p2 $0x0  }
0x16: {  	s3 =	sld [smem:$0x3FDB];
	s0 =	simm.s32 @p2 $0x1  }
0x17: {  	s4 =	simm.s32 $0x1BF5;
	[smem:$0x3FBB] =	sst s0  }
0x18: {  	s0 =	sld [smem:$0x3F9E];
	_ =	swait.ge [sflag:s4], $0x0  }
0x19: {  	s7 =	sld [smem:$0x3F9F]  }
0x1a: {  	s8 =	sadd.s32 $0xFFFFE003, lr  }
0x1b: {  	s9 =	sadd.s32 $0xFFFFFEF7, lr;
	s5 =	simm.s32 $0xFFFFFFFF;
	p2 =	slt.u32 s8, $0xFFFFF086  }
0x1c: {  	p1 =	slt.u32 s9, $0xF7A;
	s5 =	simm.s32 @!p2 $0x0  }
0x1d: {  	s5 =	simm.s32 @p1 $0x1;
	p0 =	seq.s32 s7, s2  }
0x1e: {  	s7 =	smul.u32 @!p0 $0xF7A, s2;
	p2 =	seq.s32 @!p0 s5, $0x0  }
0x1f: {  	s9 =	smul.u32 $0xF7A, s1;
	s8 =	simm.s32 @!p0 $0x1BF5;
	p2 =	por !p2, p0  }
0x20: {  	[sflag:s8] =	ssyncset.s32 @!p0 $0xFFFFF086;
	s6 =	sadd.s32 @!p0 s3, s7;
	s7 =	simm.s32 @!p0 $0x108  }
0x21: {  	s3 =	sadd.s32 s3, s9;
	s6 =	sadd.s32 @!p0 $0x88, s6;
	s7 =	simm.s32 @p2 $0x1082  }
0x22: {  	[simem:s7], [sflag:s8] =	dma.local @!p0 [hbm:s6], $0xF7A  }
0x23: {  	s9 =	sor.u32 $0xD0000000, s2;
	s6 =	simm.s32 $0x108;
	_ =	swait.ge @!p0 [sflag:s8], $0x0  }
0x24: {  	s3 =	sadd.s32 $0x88, s3;
	s6 =	simm.s32 @!p1 $0x1082;
	[sflag:s4] =	ssyncset.s32 $0xFFFFF086  }
0x25: {  	[simem:s6], [sflag:s4] =	dma.local [hbm:s3], $0xF7A  }
0x26: {  	[smem:$0x3F9F] =	sst s1;
	(tag) =	ssettag s2;
	_ =	strace s9  }
0x27: {  	s1 =	sld [smem:$0x3FAF]  }
0x28: {  	s2 =	sld [smem:$0x3FB0]  }
0x29: {  	s4 =	sld [smem:$0x3FB2]  }
0x2a: {  	p0 =	seq.s32 s5, $0x0;
	s5 =	sld [smem:$0x3FB3]  }
0x2b: {  	s6 =	sld [smem:$0x3FB4]  }
0x2c: {  	s7 =	sld [smem:$0x3FB5]  }
0x2d: {  	s3 =	simm.s32 $0x108;
	s8 =	sld [smem:$0x3FB6]  }
0x2e: {  	s3 =	simm.s32 @!p0 $0x1082;
	s9 =	sld [smem:$0x3FB7]  }
0x2f: {  	lr =	sadd.s32 s0, s3;
	s0 =	sld [smem:$0x3FAE]  }
0x30: {  	s3 =	sld [smem:$0x3FB1]  }
0x31: {  	[smem:$0x3FBA] =	sst s10  }
0x32: {  	s10 =	sld [smem:$0x3FB8];
	_ =	sdelay $0x3  }
0x33: {  	p0 =	seq.s32 s10, $0x1;
	s10 =	sld [smem:$0x3FBA];
	_ =	sdelay $0x3  }
0x34: {  	[smem:$0x3FBA] =	sst s10  }
0x35: {  	s10 =	sld [smem:$0x3FB9];
	_ =	sdelay $0x3  }
0x36: {  	p1 =	seq.s32 s10, $0x1;
	s10 =	sld [smem:$0x3FBA];
	_ =	sdelay $0x3  }
0x37: {  	[smem:$0x3FBA] =	sst s10  }
0x38: {  	s10 =	sld [smem:$0x3FBB]  }
0x39: {  	_ = 	snop;
	(pc) =	sbr.ind lr, $3  }
0x3a: {  	_ = 	snop  }
0x3b: {  	_ = 	snop  }
0x3c: {  	p2 =	seq.s32 s10, $0x1;
	s10 =	sld [smem:$0x3FBA]  }
0x3d: {  	_ =	shalt  }
0x3e: {  	_ =	shalt  }
0x3f: {  	_ =	shalt  }
0x40: {  	_ =	shalt  }
0x41: {  	_ =	shalt  }
0x42: {  	_ =	shalt  }
0x43: {  	_ =	shalt  }
0x44: {  	_ =	shalt  }
0x45: {  	_ =	shalt  }
0x46: {  	_ =	shalt  }
0x47: {  	_ =	shalt  }
0x48: {  	_ =	shalt  }
0x49: {  	_ =	shalt  }
0x4a: {  	_ =	shalt  }
0x4b: {  	_ =	shalt  }
0x4c: {  	_ =	shalt  }
0x4d: {  	_ =	shalt  }
0x4e: {  	_ =	shalt  }
0x4f: {  	_ =	shalt  }
0x50: {  	_ =	shalt  }
0x51: {  	_ =	shalt  }
0x52: {  	_ =	shalt  }
0x53: {  	_ =	shalt  }
0x54: {  	_ =	shalt  }
0x55: {  	_ =	shalt  }
0x56: {  	_ =	shalt  }
0x57: {  	_ =	shalt  }
0x58: {  	_ =	shalt  }
0x59: {  	_ =	shalt  }
0x5a: {  	_ =	shalt  }
0x5b: {  	_ =	shalt  }
0x5c: {  	_ =	shalt  }
0x5d: {  	_ =	shalt  }
0x5e: {  	_ =	shalt  }
0x5f: {  	_ =	shalt  }
0x60: {  	_ =	shalt  }
0x61: {  	_ =	shalt  }
0x62: {  	_ =	shalt  }
0x63: {  	_ =	shalt  }
0x64: {  	_ =	shalt  }
0x65: {  	_ =	shalt  }
0x66: {  	_ =	shalt  }
0x67: {  	_ =	shalt  }
0x68: {  	_ =	shalt  }
0x69: {  	_ =	shalt  }
0x6a: {  	_ =	shalt  }
0x6b: {  	_ =	shalt  }
0x6c: {  	_ =	shalt  }
0x6d: {  	_ =	shalt  }
0x6e: {  	_ =	shalt  }
0x6f: {  	_ =	shalt  }
0x70: {  	_ =	shalt  }
0x71: {  	_ =	shalt  }
0x72: {  	_ =	shalt  }
0x73: {  	_ =	shalt  }
0x74: {  	_ =	shalt  }
0x75: {  	_ =	shalt  }
0x76: {  	_ =	shalt  }
0x77: {  	_ =	shalt  }
0x78: {  	_ =	shalt  }
0x79: {  	_ =	shalt  }
0x7a: {  	_ =	shalt  }
0x7b: {  	_ =	shalt  }
0x7c: {  	_ =	shalt  }
0x7d: {  	_ =	shalt  }
0x7e: {  	_ =	shalt  }
0x7f: {  	_ =	shalt  }
0x80: {  	_ =	shalt  }
0x81: {  	_ =	shalt  }
0x82: {  	_ =	shalt  }
0x83: {  	_ =	shalt  }
0x84: {  	_ =	shalt  }
0x85: {  	_ =	shalt  }
0x86: {  	_ =	shalt  }
0x87: {  	_ =	shalt  }
.Lfunc_end0:
.L_simem_size_0:
called_computation_lowered:
.L_overlay_start_0:
0x88: {  	s2 =	sld [smem:$0x3FD9]  }
0x89: {  	s3 =	sld [smem:$0x3FFE];
	_ =	sdelay $0x1  }
0x8a: {  	s1 =	srdreg.scid  }
0x8b: {  	s0 =	sand.u32 $0x1, s1  }
0x8c: {  	s18 =	sshll.u32 s0, $0xA;
	s2 =	sadd.s32 s3, s2  }
0x8d: {  	s2 =	sadd.s32 s2, s18  }
0x8e: {  	[smem:$0x3FC6] =	sst s2  }
0x8f: {  	_ = 	snop  }
0x90: {  	s2 =	sld [smem:$0x3FC9]  }
0x91: {  	s19 =	sld [smem:$0x3FC8]  }
0x92: {  	s4 =	sld [smem:$0x3FD0];
	(tm) =	ssettm $0x1  }
0x93: {  	s5 =	sld [smem:$0x3FFB];
	_ =	sdelay $0x3  }
0x94: {  	_ =	strace s5  }
0x95: {  	s5 =	sld [smem:$0x3FFC];
	_ =	sdelay $0x3  }
0x96: {  	_ =	strace s5  }
0x97: {  	s5 =	sld [smem:$0x3FFD];
	_ =	sdelay $0x3  }
0x98: {  	_ =	strace s5  }
0x99: {  	_ =	strace $0x8FFFFFFF  }
0x9a: {  	s20 =	sld [smem:$0x3FDB];
	_ =	sdelay $0x1  }
0x9b: {  	s6 =	simm.s32 $_scs_section_size  }
0x9c: {  	s7 =	simm.s32 $_size__tile_overlayer_lowered;
	s8 =	simm.s32 $_tile_overlayer_lowered  }
0x9d: {  	s23 =	simm.s32 $0x1BFF;
	s22 =	sshll.u32 s8, $0x1;
	s5 =	sadd.s32 s6, s20  }
0x9e: {  	s9 =	simm.s32 $0x0;
	s21 =	sshll.u32 s7, $0x1;
	s7 =	sadd.s32 s22, s5  }
0x9f: {  	[timem:s9], [sflag:s23] =	dma.local [hbm:s7], s21  }
0xa0: {  	_ =	swait.ge [sflag:s23], s21  }
0xa1: {  	s6 =	ssub.s32 $0x0, s21;
	[sflag:s23] =	ssyncset.done $0x0  }
0xa2: {  	[sflag:s23] =	ssyncadd.s32 s6;
	_ =	sdelay $0x1  }
0xa3: {  	s24 =	simm.s32 $0x1B8B  }
0xa4: {  	_ =	swait.ge [sflag:s24], $0x1  }
0xa5: {  	[sflag:s24] =	ssyncset.done $0x0  }
0xa6: {  	s25 =	simm.s32 $0x1B8E;
	[sflag:s24] =	ssyncadd.s32 $0xFFFFFFFF  }
0xa7: {  	s26 =	simm.s32 $execute0_lowered;
	[smem:$0x3FD2] =	sst s25  }
0xa8: {  	s6 =	sshll.u32 s26, $0x1;
	_ =	strace $0x80000046;
	[dreg:$0x1] =	wrdreg $0xFFFFFFFF  }
0xa9: {  	s28 =	simm.s32 $_size_execute0_lowered;
	s5 =	sadd.s32 s5, s6;
	[dreg:$0x0] =	wrdreg $0x0  }
0xaa: {  	s6 =	sshll.u32 s28, $0x1;
	[dreg:$0x2] =	wrdreg s5  }
0xab: {  	[dreg:$0x3] =	wrdreg s6  }
0xac: {  	[dreg:$0x4] =	wrdreg $0xC0  }
0xad: {  	_ =	task [dreg:s9], $0x5FFFF  }
0xae: {  	[dreg:$0x1] =	wrdreg $0xFFFFFFFF  }
0xaf: {  	[dreg:$0x0] =	wrdreg $0x60  }
0xb0: {  	[dreg:$0x2] =	wrdreg s2  }
0xb1: {  	[dreg:$0x3] =	wrdreg s19  }
0xb2: {  	[dreg:$0x4] =	wrdreg s4  }
0xb3: {  	[dreg:$0x5] =	wrdreg $0x9  }
0xb4: {  	_ =	task.clear_ibuf [dreg:s9], $0x6FFFF;
	_ =	strace $0x90000046  }
0xb5: {  	s29 =	simm.s32 $0x9;
	_ =	strace $0x80000048  }
0xb6: {  	_ =	swait.ge [sflag:s29], $0x1  }
0xb7: {  	[sflag:s29] =	ssyncadd.s32 $0xFFFFFFFF  }
0xb8: {  	_ =	strace $0x90000048  }
0xb9: {  	_ =	sfence  }
0xba: {  	s30 =	sld [smem:$0x0];
	_ =	sdelay $0x2  }
0xbb: {  	s31 =	sshll.u32 s1, $0xD;
	s1 =	sshrl.u32 s1, $0x2  }
0xbc: {  	s3 =	sand.u32 $0x4000, s31;
	s1 =	sadd.s32 s1, s30  }
0xbd: {  	s0 =	sor.u32 s3, s0;
	s1 =	sshll.u32 s1, $0x11  }
0xbe: {  	s0 =	sor.u32 s1, s0  }
0xbf: {  	s0 =	sadd.s32 $0x8F2B, s0  }
0xc0: {  	[sflag:s0] =	ssyncadd.remote.s32 $0x1  }
0xc1: {  	_ =	sfence.sel $0xFFFF  }
0xc2: {  	[dreg:$0x0] =	wrdreg $0xFFFFFFFF;
	(pc) =	sbr.abs _section_cstart, $3  }
0xc3: {  	[dreg:$0x1] =	wrdreg $0xFFFFFFFF  }
0xc4: {  	_ =	task.clear_ibuf [dreg:s9], $0x2FFFF;
	_ =	strace $0x9FFFFFFF  }
0xc5: {  	(tm) =	ssettm $0x7FFFFFFF  }
tec
execute0_lowered:
.L_overlay_start_1:
0x0: {  	(tag) =	ssettag $0x1  }
0x1: {  	s0 =	srdreg.scid;
	s4 =	rddreg [dreg:$0x0]  }
0x2: {  	s15 =	stileid.u32;
	s3 =	rddreg [dreg:$0x1]  }
0x3: {  	s5 =	rddreg [dreg:$0x2];
	s2 =	simm.s32 $0x0;
	s14 =	simm.s32 $0x100  }
0x4: {  	s16 =	simm.s32 $0x180;
	s1 =	sand.u32 $0x1, s0;
	[smem:$0x7FF] =	sst s2  }
0x5: {  	s17 =	sshll.u32 s15, $0x1;
	_ =	strace $0x80000047;
	[dreg:$0x16] =	wrdreg s14  }
0x6: {  	s0 =	sor.u32 s1, s17;
	[dreg:$0x17] =	wrdreg s16;
	s17 =	simm.s32 $0x200  }
0x7: {  	s14 =	simm.s32 $0xB80;
	s6 =	smul.u32 $0x320, s0;
	[dreg:$0x18] =	wrdreg s17  }
0x8: {  	s16 =	simm.s32 $0xC00;
	s7 =	smul.u32 $0xC8000, s0;
	[smem:$0x7F2] =	sst s14  }
0x9: {  	s0 =	smul.u32 $0x19000, s0;
	[smem:$0x7F3] =	sst s16;
	s17 =	simm.s32 $0xC80  }
0xa: {  	[smem:$0x7F4] =	sst s17;
	s4 =	sadd.s32 s4, s6  }
0xb: {  	s18 =	sshrl.u32 s7, $0x3;
	s0 =	sadd.s32 s5, s0;
	[dreg:$0x4] =	wrdreg s4  }
0xc: {  	s19 =	sadd.s32 s5, s18;
	[dreg:$0x5] =	wrdreg s0;
	s18 =	simm.s32 $0x280  }
0xd: {  	s4 =	simm.s32 $0x700;
	[dreg:$0x19] =	wrdreg s18  }
0xe: {  	[smem:$0x7E9] =	sst s4  }
0xf: {  	s20 =	sadd.s32 $0x1800, s19;
	s0 =	rddreg [dreg:$0x4]  }
0x10: {  	s21 =	sadd.s32 $0x3000, s19;
	[dreg:$0x6] =	wrdreg s20  }
0x11: {  	s22 =	sadd.s32 $0x4800, s19;
	[dreg:$0x7] =	wrdreg s21  }
0x12: {  	s23 =	sadd.s32 $0x6000, s19;
	[dreg:$0x8] =	wrdreg s22  }
0x13: {  	s24 =	sadd.s32 $0x7800, s19;
	[dreg:$0x9] =	wrdreg s23  }
0x14: {  	s25 =	sadd.s32 $0x9000, s19;
	[dreg:$0xa] =	wrdreg s24  }
0x15: {  	s26 =	sadd.s32 $0xA800, s19;
	[dreg:$0xb] =	wrdreg s25  }
0x16: {  	s5 =	sadd.s32 $0xC000, s19;
	[dreg:$0xc] =	wrdreg s26  }
0x17: {  	s6 =	sadd.s32 $0xD800, s19;
	[dreg:$0xd] =	wrdreg s5  }
0x18: {  	s7 =	sadd.s32 $0xF000, s19;
	[dreg:$0xe] =	wrdreg s6  }
0x19: {  	s8 =	sadd.s32 $0x10800, s19;
	[dreg:$0xf] =	wrdreg s7  }
0x1a: {  	s9 =	sadd.s32 $0x12000, s19;
	[dreg:$0x10] =	wrdreg s8  }
0x1b: {  	s10 =	sadd.s32 $0x13800, s19;
	[dreg:$0x11] =	wrdreg s9  }
0x1c: {  	s11 =	sadd.s32 $0x15000, s19;
	[dreg:$0x12] =	wrdreg s10  }
0x1d: {  	s12 =	sadd.s32 $0x16800, s19;
	[dreg:$0x13] =	wrdreg s11  }
0x1e: {  	s13 =	sadd.s32 $0x18000, s19;
	[dreg:$0x14] =	wrdreg s12  }
0x1f: {  	s19 =	simm.s32 $0x300;
	[dreg:$0x15] =	wrdreg s13  }
0x20: {  	s18 =	simm.s32 $0xD00;
	[dreg:$0x1a] =	wrdreg s19  }
0x21: {  	s20 =	simm.s32 $0x380;
	[smem:$0x7F5] =	sst s18  }
0x22: {  	s21 =	simm.s32 $0x400;
	[dreg:$0x1b] =	wrdreg s20  }
0x23: {  	s22 =	simm.s32 $0x480;
	[dreg:$0x1c] =	wrdreg s21  }
0x24: {  	s31 =	simm.s32 $0x5;
	s23 =	simm.s32 $0x500;
	[dreg:$0x1d] =	wrdreg s22  }
0x25: {  	s28 =	simm.s32 $0x1200;
	s24 =	simm.s32 $0x580;
	[dreg:$0x1e] =	wrdreg s23  }
0x26: {  	s29 =	simm.s32 $0x1280;
	s25 =	simm.s32 $0x600;
	[dreg:$0x1f] =	wrdreg s24  }
0x27: {  	s30 =	simm.s32 $0x1300;
	s26 =	simm.s32 $0x680;
	[smem:$0x7E7] =	sst s25  }
0x28: {  	p0 =	por $0x0, $0x0;
	s5 =	simm.s32 $0x780;
	[smem:$0x7E8] =	sst s26  }
0x29: {  	s1 =	ssub.s32 $0x2, s1;
	s6 =	simm.s32 $0x800;
	[smem:$0x7EA] =	sst s5  }
0x2a: {  	s14 =	simm.s32 $0x9900;
	s7 =	simm.s32 $0x880;
	[smem:$0x7EB] =	sst s6  }
0x2b: {  	s16 =	simm.s32 $0x1800;
	s8 =	simm.s32 $0x900;
	[smem:$0x7EC] =	sst s7  }
0x2c: {  	s17 =	simm.s32 $0x1880;
	s9 =	simm.s32 $0x980;
	[smem:$0x7ED] =	sst s8  }
0x2d: {  	s4 =	simm.s32 $0x1900;
	s10 =	simm.s32 $0xA00;
	[smem:$0x7EE] =	sst s9  }
0x2e: {  	s11 =	sshrl.u32 s1, $0x1;
	s12 =	simm.s32 $0xA80;
	[smem:$0x7EF] =	sst s10  }
0x2f: {  	s13 =	simm.s32 $0xB00;
	s19 =	simm.s32 $0xD80;
	[smem:$0x7F0] =	sst s12  }
0x30: {  	s18 =	simm.s32 $0x1680;
	s1 =	ssub.s32 s1, s11;
	[smem:$0x7F1] =	sst s13  }
0x31: {  	s6 =	simm.s32 $0x80;
	s9 =	simm.s32 $0x5900;
	[smem:$0x7F6] =	sst s19  }
0x32: {  	s20 =	simm.s32 $0xE00;
	s7 =	simm.s32 $0xD900;
	s21 =	simm.s32 $0xE80  }
0x33: {  	s12 =	simm.s32 $0x11900;
	s22 =	simm.s32 $0xF00;
	s13 =	simm.s32 $0x15900  }
0x34: {  	s23 =	simm.s32 $0xF80;
	s8 =	simm.s32 $0x1;
	[smem:$0x7F7] =	sst s20  }
0x35: {  	s24 =	simm.s32 $0x1000;
	s5 =	simm.s32 $0x3;
	[smem:$0x7F8] =	sst s21  }
0x36: {  	s25 =	simm.s32 $0x1080;
	s1 =	smax.u32 s1, $0x1;
	[smem:$0x7F9] =	sst s22  }
0x37: {  	s11 =	simm.s32 $0x2;
	[smem:$0x7FA] =	sst s23;
	p1 =	sne.s32 s1, $0x1  }
.Ltmp0:
0x38: {  	s26 =	simm.s32 $0x1100;
	[smem:$0x7FB] =	sst s24;
	(pc) =	sbr.rel @!p1 .LBB2_1-.Ltmp0, $4  }
0x39: {  	s10 =	simm.s32 $0x4;
	s19 =	simm.s32 $0x1700;
	[smem:$0x7FC] =	sst s25  }
0x3a: {  	[smem:$0x7FD] =	sst s26;
	s21 =	simm.s32 $0x1180;
	s24 =	simm.s32 $0x1380  }
0x3b: {  	s25 =	simm.s32 $0x1400;
	s26 =	simm.s32 $0x1480;
	s22 =	simm.s32 $0x1580  }
0x3c: {  	s23 =	simm.s32 $0x1600;
	s20 =	simm.s32 $0x1780;
	s1 =	sadd.s32 $0xFFFFFFFF, s1  }
0x3d: {  	[tilespmem:s2], [sflag:$0x5] =	stream.linear.gather [hbm4b:s0+s2], $0x1900, $0x38;
	[tilespmem:$0x19900] =	vst v63  }
0x3e: {  	_ =	swait.ge [sflag:s31], $0x1900  }
0x3f: {  	[sflag:s31] =	ssyncset.done $0x0  }
0x40: {  	[sflag:s31] =	ssyncadd.s32 $0xFFFFE700  }
0x41: {  	[tilespmem:s4], [sflag:$0x1] =	stream.indirect.gather [hbm4b:s3+s6], $0x80, s2, s6, $0xb8;
	[tilespmem:$0x19900] =	vst v63  }
0x42: {  	_ = 	snop  }
0x43: {  	[tilespmem:s9], [sflag:$0x1] =	stream.indirect.gather [hbm4b:s3+s6], $0x80, s6, s6, $0xb8;
	[tilespmem:$0x19900] =	vst v63  }
0x44: {  	s0 =	rddreg [dreg:$0x16]  }
0x45: {  	[tilespmem:s14], [sflag:$0x1] =	stream.indirect.gather [hbm4b:s3+s6], $0x80, s0, s6, $0xb8;
	[tilespmem:$0x19900] =	vst v63  }
0x46: {  	s15 =	smov.u32 s1;
	s1 =	rddreg [dreg:$0x17]  }
0x47: {  	[tilespmem:s7], [sflag:$0x2] =	stream.indirect.gather [hbm4b:s3+s6], $0x80, s1, s6, $0xb8;
	[tilespmem:$0x19900] =	vst v63  }
0x48: {  	s0 =	rddreg [dreg:$0x18]  }
0x49: {  	[tilespmem:s12], [sflag:$0x2] =	stream.indirect.gather [hbm4b:s3+s6], $0x80, s0, s6, $0xb8;
	[tilespmem:$0x19900] =	vst v63  }
0x4a: {  	s1 =	rddreg [dreg:$0x19]  }
0x4b: {  	[tilespmem:s13], [sflag:$0x2] =	stream.indirect.gather [hbm4b:s3+s6], $0x80, s1, s6, $0xb8;
	[tilespmem:$0x19900] =	vst v63  }
0x4c: {  	_ =	swait.ge [sflag:s8], $0x4000  }
0x4d: {  	[sflag:s8] =	ssyncset.done $0x0  }
0x4e: {  	[sflag:s8] =	ssyncadd.s32 $0xFFFFC000  }
0x4f: {  	_ =	swait.ge [sflag:s8], $0x4000  }
0x50: {  	[sflag:s8] =	ssyncset.done $0x0  }
0x51: {  	[sflag:s8] =	ssyncadd.s32 $0xFFFFC000  }
0x52: {  	_ =	swait.ge [sflag:s8], $0x4000  }
0x53: {  	[sflag:s8] =	ssyncset.done $0x0  }
0x54: {  	s1 =	rddreg [dreg:$0x5];
	[sflag:s8] =	ssyncadd.s32 $0xFFFFC000  }
0x55: {  	[hbm4b:s1+s2] =	stream.linear.scatter [tilespmem:s4], [sflag:$0x3], $0xC000, $0x38;
	[tilespmem:$0x19900] =	vst v63  }
0x56: {  	_ =	swait.ge [sflag:s5], $0xC000  }
0x57: {  	[sflag:s5] =	ssyncset.done $0x0  }
0x58: {  	s0 =	rddreg [dreg:$0x1a];
	[sflag:s5] =	ssyncadd.s32 $0xFFFF4000  }
0x59: {  	[tilespmem:s4], [sflag:$0x1] =	stream.indirect.gather [hbm4b:s3+s6], $0x80, s0, s6, $0xb8;
	[tilespmem:$0x19900] =	vst v63  }
0x5a: {  	s1 =	rddreg [dreg:$0x1b]  }
0x5b: {  	[tilespmem:s9], [sflag:$0x1] =	stream.indirect.gather [hbm4b:s3+s6], $0x80, s1, s6, $0xb8;
	[tilespmem:$0x19900] =	vst v63  }
0x5c: {  	s0 =	rddreg [dreg:$0x1c]  }
0x5d: {  	[tilespmem:s14], [sflag:$0x1] =	stream.indirect.gather [hbm4b:s3+s6], $0x80, s0, s6, $0xb8;
	[tilespmem:$0x19900] =	vst v63  }
0x5e: {  	_ =	swait.ge [sflag:s11], $0x4000  }
0x5f: {  	[sflag:s11] =	ssyncset.done $0x0  }
0x60: {  	[sflag:s11] =	ssyncadd.s32 $0xFFFFC000  }
0x61: {  	_ =	swait.ge [sflag:s11], $0x4000  }
0x62: {  	[sflag:s11] =	ssyncset.done $0x0  }
0x63: {  	[sflag:s11] =	ssyncadd.s32 $0xFFFFC000  }
0x64: {  	_ =	swait.ge [sflag:s11], $0x4000  }
0x65: {  	[sflag:s11] =	ssyncset.done $0x0  }
0x66: {  	s1 =	rddreg [dreg:$0x6];
	[sflag:s11] =	ssyncadd.s32 $0xFFFFC000  }
0x67: {  	[hbm4b:s1+s2] =	stream.linear.scatter [tilespmem:s7], [sflag:$0x4], $0xC000, $0x38;
	[tilespmem:$0x19900] =	vst v63  }
0x68: {  	_ =	swait.ge [sflag:s10], $0xC000  }
0x69: {  	[sflag:s10] =	ssyncset.done $0x0  }
0x6a: {  	s0 =	rddreg [dreg:$0x1d];
	[sflag:s10] =	ssyncadd.s32 $0xFFFF4000  }
0x6b: {  	[tilespmem:s7], [sflag:$0x2] =	stream.indirect.gather [hbm4b:s3+s6], $0x80, s0, s6, $0xb8;
	[tilespmem:$0x19900] =	vst v63  }
0x6c: {  	s1 =	rddreg [dreg:$0x1e]  }
0x6d: {  	[tilespmem:s12], [sflag:$0x2] =	stream.indirect.gather [hbm4b:s3+s6], $0x80, s1, s6, $0xb8;
	[tilespmem:$0x19900] =	vst v63  }
0x6e: {  	s0 =	rddreg [dreg:$0x1f]  }
0x6f: {  	[tilespmem:s13], [sflag:$0x2] =	stream.indirect.gather [hbm4b:s3+s6], $0x80, s0, s6, $0xb8;
	[tilespmem:$0x19900] =	vst v63  }
0x70: {  	_ =	swait.ge [sflag:s8], $0x4000  }
0x71: {  	[sflag:s8] =	ssyncset.done $0x0  }
0x72: {  	[sflag:s8] =	ssyncadd.s32 $0xFFFFC000  }
0x73: {  	_ =	swait.ge [sflag:s8], $0x4000  }
0x74: {  	[sflag:s8] =	ssyncset.done $0x0  }
0x75: {  	[sflag:s8] =	ssyncadd.s32 $0xFFFFC000  }
0x76: {  	_ =	swait.ge [sflag:s8], $0x4000  }
0x77: {  	[sflag:s8] =	ssyncset.done $0x0  }
0x78: {  	s1 =	rddreg [dreg:$0x7];
	[sflag:s8] =	ssyncadd.s32 $0xFFFFC000  }
0x79: {  	[hbm4b:s1+s2] =	stream.linear.scatter [tilespmem:s4], [sflag:$0x3], $0xC000, $0x38;
	[tilespmem:$0x19900] =	vst v63  }
0x7a: {  	_ =	swait.ge [sflag:s5], $0xC000  }
0x7b: {  	s0 =	sld [smem:$0x7E7]  }
0x7c: {  	[sflag:s5] =	ssyncset.done $0x0  }
0x7d: {  	s1 =	sld [smem:$0x7E8];
	[sflag:s5] =	ssyncadd.s32 $0xFFFF4000  }
0x7e: {  	[tilespmem:s4], [sflag:$0x1] =	stream.indirect.gather [hbm4b:s3+s6], $0x80, s0, s6, $0xb8;
	[tilespmem:$0x19900] =	vst v63  }
0x7f: {  	s0 =	sld [smem:$0x7E9]  }
0x80: {  	[tilespmem:s9], [sflag:$0x1] =	stream.indirect.gather [hbm4b:s3+s6], $0x80, s1, s6, $0xb8;
	[tilespmem:$0x19900] =	vst v63  }
0x81: {  	_ = 	snop  }
0x82: {  	[tilespmem:s14], [sflag:$0x1] =	stream.indirect.gather [hbm4b:s3+s6], $0x80, s0, s6, $0xb8;
	[tilespmem:$0x19900] =	vst v63  }
0x83: {  	_ =	swait.ge [sflag:s11], $0x4000  }
0x84: {  	[sflag:s11] =	ssyncset.done $0x0  }
0x85: {  	[sflag:s11] =	ssyncadd.s32 $0xFFFFC000  }
0x86: {  	_ =	swait.ge [sflag:s11], $0x4000  }
0x87: {  	[sflag:s11] =	ssyncset.done $0x0  }
0x88: {  	[sflag:s11] =	ssyncadd.s32 $0xFFFFC000  }
0x89: {  	_ =	swait.ge [sflag:s11], $0x4000  }
0x8a: {  	[sflag:s11] =	ssyncset.done $0x0  }
0x8b: {  	s1 =	rddreg [dreg:$0x8];
	[sflag:s11] =	ssyncadd.s32 $0xFFFFC000  }
0x8c: {  	[hbm4b:s1+s2] =	stream.linear.scatter [tilespmem:s7], [sflag:$0x4], $0xC000, $0x38;
	[tilespmem:$0x19900] =	vst v63  }
0x8d: {  	_ =	swait.ge [sflag:s10], $0xC000  }
0x8e: {  	s0 =	sld [smem:$0x7EA]  }
0x8f: {  	[sflag:s10] =	ssyncset.done $0x0  }
0x90: {  	s1 =	sld [smem:$0x7EB];
	[sflag:s10] =	ssyncadd.s32 $0xFFFF4000  }
0x91: {  	[tilespmem:s7], [sflag:$0x2] =	stream.indirect.gather [hbm4b:s3+s6], $0x80, s0, s6, $0xb8;
	[tilespmem:$0x19900] =	vst v63  }
0x92: {  	s0 =	sld [smem:$0x7EC]  }
0x93: {  	[tilespmem:s12], [sflag:$0x2] =	stream.indirect.gather [hbm4b:s3+s6], $0x80, s1, s6, $0xb8;
	[tilespmem:$0x19900] =	vst v63  }
0x94: {  	_ = 	snop  }
0x95: {  	[tilespmem:s13], [sflag:$0x2] =	stream.indirect.gather [hbm4b:s3+s6], $0x80, s0, s6, $0xb8;
	[tilespmem:$0x19900] =	vst v63  }
0x96: {  	_ =	swait.ge [sflag:s8], $0x4000  }
0x97: {  	[sflag:s8] =	ssyncset.done $0x0  }
0x98: {  	[sflag:s8] =	ssyncadd.s32 $0xFFFFC000  }
0x99: {  	_ =	swait.ge [sflag:s8], $0x4000  }
0x9a: {  	[sflag:s8] =	ssyncset.done $0x0  }
0x9b: {  	[sflag:s8] =	ssyncadd.s32 $0xFFFFC000  }
0x9c: {  	_ =	swait.ge [sflag:s8], $0x4000  }
0x9d: {  	[sflag:s8] =	ssyncset.done $0x0  }
0x9e: {  	s1 =	rddreg [dreg:$0x9];
	[sflag:s8] =	ssyncadd.s32 $0xFFFFC000  }
0x9f: {  	[hbm4b:s1+s2] =	stream.linear.scatter [tilespmem:s4], [sflag:$0x3], $0xC000, $0x38;
	[tilespmem:$0x19900] =	vst v63  }
0xa0: {  	_ =	swait.ge [sflag:s5], $0xC000  }
0xa1: {  	s0 =	sld [smem:$0x7ED]  }
0xa2: {  	[sflag:s5] =	ssyncset.done $0x0  }
0xa3: {  	s1 =	sld [smem:$0x7EE];
	[sflag:s5] =	ssyncadd.s32 $0xFFFF4000  }
0xa4: {  	[tilespmem:s4], [sflag:$0x1] =	stream.indirect.gather [hbm4b:s3+s6], $0x80, s0, s6, $0xb8;
	[tilespmem:$0x19900] =	vst v63  }
0xa5: {  	s0 =	sld [smem:$0x7EF]  }
0xa6: {  	[tilespmem:s9], [sflag:$0x1] =	stream.indirect.gather [hbm4b:s3+s6], $0x80, s1, s6, $0xb8;
	[tilespmem:$0x19900] =	vst v63  }
0xa7: {  	_ = 	snop  }
0xa8: {  	[tilespmem:s14], [sflag:$0x1] =	stream.indirect.gather [hbm4b:s3+s6], $0x80, s0, s6, $0xb8;
	[tilespmem:$0x19900] =	vst v63  }
0xa9: {  	_ =	swait.ge [sflag:s11], $0x4000  }
0xaa: {  	[sflag:s11] =	ssyncset.done $0x0  }
0xab: {  	[sflag:s11] =	ssyncadd.s32 $0xFFFFC000  }
0xac: {  	_ =	swait.ge [sflag:s11], $0x4000  }
0xad: {  	[sflag:s11] =	ssyncset.done $0x0  }
0xae: {  	[sflag:s11] =	ssyncadd.s32 $0xFFFFC000  }
0xaf: {  	_ =	swait.ge [sflag:s11], $0x4000  }
0xb0: {  	[sflag:s11] =	ssyncset.done $0x0  }
0xb1: {  	s1 =	rddreg [dreg:$0xa];
	[sflag:s11] =	ssyncadd.s32 $0xFFFFC000  }
0xb2: {  	[hbm4b:s1+s2] =	stream.linear.scatter [tilespmem:s7], [sflag:$0x4], $0xC000, $0x38;
	[tilespmem:$0x19900] =	vst v63  }
0xb3: {  	_ =	swait.ge [sflag:s10], $0xC000  }
0xb4: {  	s0 =	sld [smem:$0x7F0]  }
0xb5: {  	[sflag:s10] =	ssyncset.done $0x0  }
0xb6: {  	s1 =	sld [smem:$0x7F1];
	[sflag:s10] =	ssyncadd.s32 $0xFFFF4000  }
0xb7: {  	[tilespmem:s7], [sflag:$0x2] =	stream.indirect.gather [hbm4b:s3+s6], $0x80, s0, s6, $0xb8;
	[tilespmem:$0x19900] =	vst v63  }
0xb8: {  	s0 =	sld [smem:$0x7F2]  }
0xb9: {  	[tilespmem:s12], [sflag:$0x2] =	stream.indirect.gather [hbm4b:s3+s6], $0x80, s1, s6, $0xb8;
	[tilespmem:$0x19900] =	vst v63  }
0xba: {  	_ = 	snop  }
0xbb: {  	[tilespmem:s13], [sflag:$0x2] =	stream.indirect.gather [hbm4b:s3+s6], $0x80, s0, s6, $0xb8;
	[tilespmem:$0x19900] =	vst v63  }
0xbc: {  	_ =	swait.ge [sflag:s8], $0x4000  }
0xbd: {  	[sflag:s8] =	ssyncset.done $0x0  }
0xbe: {  	[sflag:s8] =	ssyncadd.s32 $0xFFFFC000  }
0xbf: {  	_ =	swait.ge [sflag:s8], $0x4000  }
0xc0: {  	[sflag:s8] =	ssyncset.done $0x0  }
0xc1: {  	[sflag:s8] =	ssyncadd.s32 $0xFFFFC000  }
0xc2: {  	_ =	swait.ge [sflag:s8], $0x4000  }
0xc3: {  	[sflag:s8] =	ssyncset.done $0x0  }
0xc4: {  	s1 =	rddreg [dreg:$0xb];
	[sflag:s8] =	ssyncadd.s32 $0xFFFFC000  }
0xc5: {  	[hbm4b:s1+s2] =	stream.linear.scatter [tilespmem:s4], [sflag:$0x3], $0xC000, $0x38;
	[tilespmem:$0x19900] =	vst v63  }
0xc6: {  	_ =	swait.ge [sflag:s5], $0xC000  }
0xc7: {  	s0 =	sld [smem:$0x7F3]  }
0xc8: {  	[sflag:s5] =	ssyncset.done $0x0  }
0xc9: {  	s1 =	sld [smem:$0x7F4];
	[sflag:s5] =	ssyncadd.s32 $0xFFFF4000  }
0xca: {  	[tilespmem:s4], [sflag:$0x1] =	stream.indirect.gather [hbm4b:s3+s6], $0x80, s0, s6, $0xb8;
	[tilespmem:$0x19900] =	vst v63  }
0xcb: {  	s0 =	sld [smem:$0x7F5]  }
0xcc: {  	[tilespmem:s9], [sflag:$0x1] =	stream.indirect.gather [hbm4b:s3+s6], $0x80, s1, s6, $0xb8;
	[tilespmem:$0x19900] =	vst v63  }
0xcd: {  	_ = 	snop  }
0xce: {  	[tilespmem:s14], [sflag:$0x1] =	stream.indirect.gather [hbm4b:s3+s6], $0x80, s0, s6, $0xb8;
	[tilespmem:$0x19900] =	vst v63  }
0xcf: {  	_ =	swait.ge [sflag:s11], $0x4000  }
0xd0: {  	[sflag:s11] =	ssyncset.done $0x0  }
0xd1: {  	[sflag:s11] =	ssyncadd.s32 $0xFFFFC000  }
0xd2: {  	_ =	swait.ge [sflag:s11], $0x4000  }
0xd3: {  	[sflag:s11] =	ssyncset.done $0x0  }
0xd4: {  	[sflag:s11] =	ssyncadd.s32 $0xFFFFC000  }
0xd5: {  	_ =	swait.ge [sflag:s11], $0x4000  }
0xd6: {  	[sflag:s11] =	ssyncset.done $0x0  }
0xd7: {  	s1 =	rddreg [dreg:$0xc];
	[sflag:s11] =	ssyncadd.s32 $0xFFFFC000  }
0xd8: {  	[hbm4b:s1+s2] =	stream.linear.scatter [tilespmem:s7], [sflag:$0x4], $0xC000, $0x38;
	[tilespmem:$0x19900] =	vst v63  }
0xd9: {  	_ =	swait.ge [sflag:s10], $0xC000  }
0xda: {  	s0 =	sld [smem:$0x7F6]  }
0xdb: {  	[sflag:s10] =	ssyncset.done $0x0  }
0xdc: {  	s1 =	sld [smem:$0x7F7];
	[sflag:s10] =	ssyncadd.s32 $0xFFFF4000  }
0xdd: {  	[tilespmem:s7], [sflag:$0x2] =	stream.indirect.gather [hbm4b:s3+s6], $0x80, s0, s6, $0xb8;
	[tilespmem:$0x19900] =	vst v63  }
0xde: {  	s0 =	sld [smem:$0x7F8]  }
0xdf: {  	[tilespmem:s12], [sflag:$0x2] =	stream.indirect.gather [hbm4b:s3+s6], $0x80, s1, s6, $0xb8;
	[tilespmem:$0x19900] =	vst v63  }
0xe0: {  	_ = 	snop  }
0xe1: {  	[tilespmem:s13], [sflag:$0x2] =	stream.indirect.gather [hbm4b:s3+s6], $0x80, s0, s6, $0xb8;
	[tilespmem:$0x19900] =	vst v63  }
0xe2: {  	_ =	swait.ge [sflag:s8], $0x4000  }
0xe3: {  	[sflag:s8] =	ssyncset.done $0x0  }
0xe4: {  	[sflag:s8] =	ssyncadd.s32 $0xFFFFC000  }
0xe5: {  	_ =	swait.ge [sflag:s8], $0x4000  }
0xe6: {  	[sflag:s8] =	ssyncset.done $0x0  }
0xe7: {  	[sflag:s8] =	ssyncadd.s32 $0xFFFFC000  }
0xe8: {  	_ =	swait.ge [sflag:s8], $0x4000  }
0xe9: {  	[sflag:s8] =	ssyncset.done $0x0  }
0xea: {  	s1 =	rddreg [dreg:$0xd];
	[sflag:s8] =	ssyncadd.s32 $0xFFFFC000  }
0xeb: {  	[hbm4b:s1+s2] =	stream.linear.scatter [tilespmem:s4], [sflag:$0x3], $0xC000, $0x38;
	[tilespmem:$0x19900] =	vst v63  }
0xec: {  	_ =	swait.ge [sflag:s5], $0xC000  }
0xed: {  	s0 =	sld [smem:$0x7F9]  }
0xee: {  	[sflag:s5] =	ssyncset.done $0x0  }
0xef: {  	s1 =	sld [smem:$0x7FA];
	[sflag:s5] =	ssyncadd.s32 $0xFFFF4000  }
0xf0: {  	[tilespmem:s4], [sflag:$0x1] =	stream.indirect.gather [hbm4b:s3+s6], $0x80, s0, s6, $0xb8;
	[tilespmem:$0x19900] =	vst v63  }
0xf1: {  	s0 =	sld [smem:$0x7FB]  }
0xf2: {  	[tilespmem:s9], [sflag:$0x1] =	stream.indirect.gather [hbm4b:s3+s6], $0x80, s1, s6, $0xb8;
	[tilespmem:$0x19900] =	vst v63  }
0xf3: {  	_ = 	snop  }
0xf4: {  	[tilespmem:s14], [sflag:$0x1] =	stream.indirect.gather [hbm4b:s3+s6], $0x80, s0, s6, $0xb8;
	[tilespmem:$0x19900] =	vst v63  }
0xf5: {  	_ =	swait.ge [sflag:s11], $0x4000  }
0xf6: {  	[sflag:s11] =	ssyncset.done $0x0  }
0xf7: {  	[sflag:s11] =	ssyncadd.s32 $0xFFFFC000  }
0xf8: {  	_ =	swait.ge [sflag:s11], $0x4000  }
0xf9: {  	[sflag:s11] =	ssyncset.done $0x0  }
0xfa: {  	[sflag:s11] =	ssyncadd.s32 $0xFFFFC000  }
0xfb: {  	_ =	swait.ge [sflag:s11], $0x4000  }
0xfc: {  	[sflag:s11] =	ssyncset.done $0x0  }
0xfd: {  	s1 =	rddreg [dreg:$0xe];
	[sflag:s11] =	ssyncadd.s32 $0xFFFFC000  }
0xfe: {  	[hbm4b:s1+s2] =	stream.linear.scatter [tilespmem:s7], [sflag:$0x4], $0xC000, $0x38;
	[tilespmem:$0x19900] =	vst v63  }
0xff: {  	_ =	swait.ge [sflag:s10], $0xC000  }
0x100: {  	s0 =	sld [smem:$0x7FC]  }
0x101: {  	[sflag:s10] =	ssyncset.done $0x0  }
0x102: {  	s1 =	sld [smem:$0x7FD];
	[sflag:s10] =	ssyncadd.s32 $0xFFFF4000  }
0x103: {  	[tilespmem:s7], [sflag:$0x2] =	stream.indirect.gather [hbm4b:s3+s6], $0x80, s0, s6, $0xb8;
	[tilespmem:$0x19900] =	vst v63  }
0x104: {  	_ = 	snop  }
0x105: {  	[tilespmem:s12], [sflag:$0x2] =	stream.indirect.gather [hbm4b:s3+s6], $0x80, s1, s6, $0xb8;
	[tilespmem:$0x19900] =	vst v63  }
0x106: {  	_ = 	snop  }
0x107: {  	[tilespmem:s13], [sflag:$0x2] =	stream.indirect.gather [hbm4b:s3+s6], $0x80, s21, s6, $0xb8;
	[tilespmem:$0x19900] =	vst v63  }
0x108: {  	_ =	swait.ge [sflag:s8], $0x4000  }
0x109: {  	[sflag:s8] =	ssyncset.done $0x0  }
0x10a: {  	[sflag:s8] =	ssyncadd.s32 $0xFFFFC000  }
0x10b: {  	_ =	swait.ge [sflag:s8], $0x4000  }
0x10c: {  	[sflag:s8] =	ssyncset.done $0x0  }
0x10d: {  	[sflag:s8] =	ssyncadd.s32 $0xFFFFC000  }
0x10e: {  	_ =	swait.ge [sflag:s8], $0x4000  }
0x10f: {  	[sflag:s8] =	ssyncset.done $0x0  }
0x110: {  	s1 =	rddreg [dreg:$0xf];
	[sflag:s8] =	ssyncadd.s32 $0xFFFFC000  }
0x111: {  	[hbm4b:s1+s2] =	stream.linear.scatter [tilespmem:s4], [sflag:$0x3], $0xC000, $0x38;
	[tilespmem:$0x19900] =	vst v63  }
0x112: {  	_ =	swait.ge [sflag:s5], $0xC000  }
0x113: {  	[sflag:s5] =	ssyncset.done $0x0  }
0x114: {  	[sflag:s5] =	ssyncadd.s32 $0xFFFF4000  }
0x115: {  	[tilespmem:s4], [sflag:$0x1] =	stream.indirect.gather [hbm4b:s3+s6], $0x80, s28, s6, $0xb8;
	[tilespmem:$0x19900] =	vst v63  }
0x116: {  	_ = 	snop  }
0x117: {  	[tilespmem:s9], [sflag:$0x1] =	stream.indirect.gather [hbm4b:s3+s6], $0x80, s29, s6, $0xb8;
	[tilespmem:$0x19900] =	vst v63  }
0x118: {  	_ = 	snop  }
0x119: {  	[tilespmem:s14], [sflag:$0x1] =	stream.indirect.gather [hbm4b:s3+s6], $0x80, s30, s6, $0xb8;
	[tilespmem:$0x19900] =	vst v63  }
0x11a: {  	_ =	swait.ge [sflag:s11], $0x4000  }
0x11b: {  	[sflag:s11] =	ssyncset.done $0x0  }
0x11c: {  	[sflag:s11] =	ssyncadd.s32 $0xFFFFC000  }
0x11d: {  	_ =	swait.ge [sflag:s11], $0x4000  }
0x11e: {  	[sflag:s11] =	ssyncset.done $0x0  }
0x11f: {  	[sflag:s11] =	ssyncadd.s32 $0xFFFFC000  }
0x120: {  	_ =	swait.ge [sflag:s11], $0x4000  }
0x121: {  	[sflag:s11] =	ssyncset.done $0x0  }
0x122: {  	s1 =	rddreg [dreg:$0x10];
	[sflag:s11] =	ssyncadd.s32 $0xFFFFC000  }
0x123: {  	[hbm4b:s1+s2] =	stream.linear.scatter [tilespmem:s7], [sflag:$0x4], $0xC000, $0x38;
	[tilespmem:$0x19900] =	vst v63  }
0x124: {  	_ =	swait.ge [sflag:s10], $0xC000  }
0x125: {  	[sflag:s10] =	ssyncset.done $0x0  }
0x126: {  	[sflag:s10] =	ssyncadd.s32 $0xFFFF4000  }
0x127: {  	[tilespmem:s7], [sflag:$0x2] =	stream.indirect.gather [hbm4b:s3+s6], $0x80, s24, s6, $0xb8;
	[tilespmem:$0x19900] =	vst v63  }
0x128: {  	_ = 	snop  }
0x129: {  	[tilespmem:s12], [sflag:$0x2] =	stream.indirect.gather [hbm4b:s3+s6], $0x80, s25, s6, $0xb8;
	[tilespmem:$0x19900] =	vst v63  }
0x12a: {  	_ = 	snop  }
0x12b: {  	[tilespmem:s13], [sflag:$0x2] =	stream.indirect.gather [hbm4b:s3+s6], $0x80, s26, s6, $0xb8;
	[tilespmem:$0x19900] =	vst v63  }
0x12c: {  	_ =	swait.ge [sflag:s8], $0x4000  }
0x12d: {  	[sflag:s8] =	ssyncset.done $0x0  }
0x12e: {  	[sflag:s8] =	ssyncadd.s32 $0xFFFFC000  }
0x12f: {  	_ =	swait.ge [sflag:s8], $0x4000  }
0x130: {  	[sflag:s8] =	ssyncset.done $0x0  }
0x131: {  	[sflag:s8] =	ssyncadd.s32 $0xFFFFC000  }
0x132: {  	_ =	swait.ge [sflag:s8], $0x4000  }
0x133: {  	[sflag:s8] =	ssyncset.done $0x0  }
0x134: {  	s1 =	rddreg [dreg:$0x11];
	[sflag:s8] =	ssyncadd.s32 $0xFFFFC000  }
0x135: {  	[hbm4b:s1+s2] =	stream.linear.scatter [tilespmem:s4], [sflag:$0x3], $0xC000, $0x38;
	[tilespmem:$0x19900] =	vst v63  }
0x136: {  	_ =	swait.ge [sflag:s5], $0xC000  }
0x137: {  	[sflag:s5] =	ssyncset.done $0x0  }
0x138: {  	s1 =	simm.s32 $0x1500;
	[sflag:s5] =	ssyncadd.s32 $0xFFFF4000  }
0x139: {  	[tilespmem:s4], [sflag:$0x1] =	stream.indirect.gather [hbm4b:s3+s6], $0x80, s1, s6, $0xb8;
	[tilespmem:$0x19900] =	vst v63  }
0x13a: {  	_ = 	snop  }
0x13b: {  	[tilespmem:s9], [sflag:$0x1] =	stream.indirect.gather [hbm4b:s3+s6], $0x80, s22, s6, $0xb8;
	[tilespmem:$0x19900] =	vst v63  }
0x13c: {  	_ = 	snop  }
0x13d: {  	[tilespmem:s14], [sflag:$0x1] =	stream.indirect.gather [hbm4b:s3+s6], $0x80, s23, s6, $0xb8;
	[tilespmem:$0x19900] =	vst v63  }
0x13e: {  	_ =	swait.ge [sflag:s11], $0x4000  }
0x13f: {  	[sflag:s11] =	ssyncset.done $0x0  }
0x140: {  	[sflag:s11] =	ssyncadd.s32 $0xFFFFC000  }
0x141: {  	_ =	swait.ge [sflag:s11], $0x4000  }
0x142: {  	[sflag:s11] =	ssyncset.done $0x0  }
0x143: {  	[sflag:s11] =	ssyncadd.s32 $0xFFFFC000  }
0x144: {  	_ =	swait.ge [sflag:s11], $0x4000  }
0x145: {  	[sflag:s11] =	ssyncset.done $0x0  }
0x146: {  	s1 =	rddreg [dreg:$0x12];
	[sflag:s11] =	ssyncadd.s32 $0xFFFFC000  }
0x147: {  	[hbm4b:s1+s2] =	stream.linear.scatter [tilespmem:s7], [sflag:$0x4], $0xC000, $0x38;
	[tilespmem:$0x19900] =	vst v63  }
0x148: {  	_ =	swait.ge [sflag:s10], $0xC000  }
0x149: {  	[sflag:s10] =	ssyncset.done $0x0  }
0x14a: {  	[sflag:s10] =	ssyncadd.s32 $0xFFFF4000  }
0x14b: {  	[tilespmem:s7], [sflag:$0x2] =	stream.indirect.gather [hbm4b:s3+s6], $0x80, s18, s6, $0xb8;
	[tilespmem:$0x19900] =	vst v63  }
0x14c: {  	_ = 	snop  }
0x14d: {  	[tilespmem:s12], [sflag:$0x2] =	stream.indirect.gather [hbm4b:s3+s6], $0x80, s19, s6, $0xb8;
	[tilespmem:$0x19900] =	vst v63  }
0x14e: {  	_ = 	snop  }
0x14f: {  	[tilespmem:s13], [sflag:$0x2] =	stream.indirect.gather [hbm4b:s3+s6], $0x80, s20, s6, $0xb8;
	[tilespmem:$0x19900] =	vst v63  }
0x150: {  	_ =	swait.ge [sflag:s8], $0x4000  }
0x151: {  	[sflag:s8] =	ssyncset.done $0x0  }
0x152: {  	[sflag:s8] =	ssyncadd.s32 $0xFFFFC000  }
0x153: {  	_ =	swait.ge [sflag:s8], $0x4000  }
0x154: {  	[sflag:s8] =	ssyncset.done $0x0  }
0x155: {  	[sflag:s8] =	ssyncadd.s32 $0xFFFFC000  }
0x156: {  	_ =	swait.ge [sflag:s8], $0x4000  }
0x157: {  	[sflag:s8] =	ssyncset.done $0x0  }
0x158: {  	s1 =	rddreg [dreg:$0x13];
	[sflag:s8] =	ssyncadd.s32 $0xFFFFC000  }
0x159: {  	[hbm4b:s1+s2] =	stream.linear.scatter [tilespmem:s4], [sflag:$0x3], $0xC000, $0x38;
	[tilespmem:$0x19900] =	vst v63  }
0x15a: {  	_ =	swait.ge [sflag:s5], $0xC000  }
0x15b: {  	[sflag:s5] =	ssyncset.done $0x0  }
0x15c: {  	[sflag:s5] =	ssyncadd.s32 $0xFFFF4000  }
0x15d: {  	[tilespmem:s4], [sflag:$0x1] =	stream.indirect.gather [hbm4b:s3+s6], $0x80, s16, s6, $0xb8;
	[tilespmem:$0x19900] =	vst v63  }
0x15e: {  	_ = 	snop  }
0x15f: {  	[tilespmem:s9], [sflag:$0x1] =	stream.indirect.gather [hbm4b:s3+s6], $0x80, s17, s6, $0xb8;
	[tilespmem:$0x19900] =	vst v63  }
0x160: {  	_ =	swait.ge [sflag:s11], $0x4000  }
0x161: {  	[sflag:s11] =	ssyncset.done $0x0  }
0x162: {  	[sflag:s11] =	ssyncadd.s32 $0xFFFFC000  }
0x163: {  	_ =	swait.ge [sflag:s11], $0x4000  }
0x164: {  	[sflag:s11] =	ssyncset.done $0x0  }
0x165: {  	[sflag:s11] =	ssyncadd.s32 $0xFFFFC000  }
0x166: {  	_ =	swait.ge [sflag:s11], $0x4000  }
0x167: {  	[sflag:s11] =	ssyncset.done $0x0  }
0x168: {  	s1 =	rddreg [dreg:$0x14];
	[sflag:s11] =	ssyncadd.s32 $0xFFFFC000  }
0x169: {  	[hbm4b:s1+s2] =	stream.linear.scatter [tilespmem:s7], [sflag:$0x4], $0xC000, $0x38;
	[tilespmem:$0x19900] =	vst v63  }
0x16a: {  	_ =	swait.ge [sflag:s8], $0x4000  }
0x16b: {  	[sflag:s8] =	ssyncset.done $0x0  }
0x16c: {  	[sflag:s8] =	ssyncadd.s32 $0xFFFFC000  }
0x16d: {  	_ =	swait.ge [sflag:s8], $0x4000  }
0x16e: {  	[sflag:s8] =	ssyncset.done $0x0  }
0x16f: {  	p1 =	sne.s32 s15, $0x1;
	s1 =	rddreg [dreg:$0x15];
	[sflag:s8] =	ssyncadd.s32 $0xFFFFC000  }
0x170: {  	[hbm4b:s1+s2] =	stream.linear.scatter [tilespmem:s4], [sflag:$0x3], $0x8000, $0x38;
	[tilespmem:$0x19900] =	vst v63  }
.Ltmp1:
0x171: {  	_ =	swait.ge [sflag:s10], $0xC000;
	(pc) =	sbr.rel @!p1 .LBB2_3-.Ltmp1, $4  }
0x172: {  	[sflag:s10] =	ssyncset.done $0x0  }
0x173: {  	[sflag:s10] =	ssyncadd.s32 $0xFFFF4000  }
0x174: {  	p0 =	por $0x1, $0x1;
	_ =	swait.ge [sflag:s5], $0x8000  }
0x175: {  	s1 =	sadd.s32 $0xFFFFFFFF, s15;
	s0 =	rddreg [dreg:$0x4];
	[sflag:s5] =	ssyncset.done $0x0  }
.LBB2_4:
0x176: {  	[sflag:s5] =	ssyncadd.s32 $0xFFFF8000  }
0x177: {  	[tilespmem:s2], [sflag:$0x5] =	stream.linear.gather [hbm4b:s0+s2], $0x1900, $0x38;
	[tilespmem:$0x19900] =	vst v63  }
0x178: {  	_ =	swait.ge [sflag:s31], $0x1900  }
0x179: {  	[sflag:s31] =	ssyncset.done $0x0  }
0x17a: {  	[sflag:s31] =	ssyncadd.s32 $0xFFFFE700  }
0x17b: {  	[tilespmem:s4], [sflag:$0x1] =	stream.indirect.gather [hbm4b:s3+s6], $0x80, s2, s6, $0xb8;
	[tilespmem:$0x19900] =	vst v63  }
0x17c: {  	_ = 	snop  }
0x17d: {  	[tilespmem:s9], [sflag:$0x1] =	stream.indirect.gather [hbm4b:s3+s6], $0x80, s6, s6, $0xb8;
	[tilespmem:$0x19900] =	vst v63  }
0x17e: {  	s0 =	rddreg [dreg:$0x16]  }
0x17f: {  	[tilespmem:s14], [sflag:$0x1] =	stream.indirect.gather [hbm4b:s3+s6], $0x80, s0, s6, $0xb8;
	[tilespmem:$0x19900] =	vst v63  }
0x180: {  	s15 =	rddreg [dreg:$0x17]  }
0x181: {  	[tilespmem:s7], [sflag:$0x2] =	stream.indirect.gather [hbm4b:s3+s6], $0x80, s15, s6, $0xb8;
	[tilespmem:$0x19900] =	vst v63  }
0x182: {  	s0 =	rddreg [dreg:$0x18]  }
0x183: {  	[tilespmem:s12], [sflag:$0x2] =	stream.indirect.gather [hbm4b:s3+s6], $0x80, s0, s6, $0xb8;
	[tilespmem:$0x19900] =	vst v63  }
0x184: {  	s15 =	rddreg [dreg:$0x19]  }
0x185: {  	[tilespmem:s13], [sflag:$0x2] =	stream.indirect.gather [hbm4b:s3+s6], $0x80, s15, s6, $0xb8;
	[tilespmem:$0x19900] =	vst v63  }
0x186: {  	_ =	swait.ge [sflag:s8], $0x4000  }
0x187: {  	[sflag:s8] =	ssyncset.done $0x0  }
0x188: {  	[sflag:s8] =	ssyncadd.s32 $0xFFFFC000  }
0x189: {  	_ =	swait.ge [sflag:s8], $0x4000  }
0x18a: {  	[sflag:s8] =	ssyncset.done $0x0  }
0x18b: {  	[sflag:s8] =	ssyncadd.s32 $0xFFFFC000  }
0x18c: {  	_ =	swait.ge [sflag:s8], $0x4000  }
0x18d: {  	[sflag:s8] =	ssyncset.done $0x0  }
0x18e: {  	s15 =	rddreg [dreg:$0x5];
	[sflag:s8] =	ssyncadd.s32 $0xFFFFC000  }
0x18f: {  	[hbm4b:s15+s2] =	stream.linear.scatter [tilespmem:s4], [sflag:$0x3], $0xC000, $0x38;
	[tilespmem:$0x19900] =	vst v63  }
0x190: {  	_ =	swait.ge [sflag:s5], $0xC000  }
0x191: {  	[sflag:s5] =	ssyncset.done $0x0  }
0x192: {  	s0 =	rddreg [dreg:$0x1a];
	[sflag:s5] =	ssyncadd.s32 $0xFFFF4000  }
0x193: {  	[tilespmem:s4], [sflag:$0x1] =	stream.indirect.gather [hbm4b:s3+s6], $0x80, s0, s6, $0xb8;
	[tilespmem:$0x19900] =	vst v63  }
0x194: {  	s15 =	rddreg [dreg:$0x1b]  }
0x195: {  	[tilespmem:s9], [sflag:$0x1] =	stream.indirect.gather [hbm4b:s3+s6], $0x80, s15, s6, $0xb8;
	[tilespmem:$0x19900] =	vst v63  }
0x196: {  	s0 =	rddreg [dreg:$0x1c]  }
0x197: {  	[tilespmem:s14], [sflag:$0x1] =	stream.indirect.gather [hbm4b:s3+s6], $0x80, s0, s6, $0xb8;
	[tilespmem:$0x19900] =	vst v63  }
0x198: {  	_ =	swait.ge [sflag:s11], $0x4000  }
0x199: {  	[sflag:s11] =	ssyncset.done $0x0  }
0x19a: {  	[sflag:s11] =	ssyncadd.s32 $0xFFFFC000  }
0x19b: {  	_ =	swait.ge [sflag:s11], $0x4000  }
0x19c: {  	[sflag:s11] =	ssyncset.done $0x0  }
0x19d: {  	[sflag:s11] =	ssyncadd.s32 $0xFFFFC000  }
0x19e: {  	_ =	swait.ge [sflag:s11], $0x4000  }
0x19f: {  	[sflag:s11] =	ssyncset.done $0x0  }
0x1a0: {  	s15 =	rddreg [dreg:$0x6];
	[sflag:s11] =	ssyncadd.s32 $0xFFFFC000  }
0x1a1: {  	[hbm4b:s15+s2] =	stream.linear.scatter [tilespmem:s7], [sflag:$0x4], $0xC000, $0x38;
	[tilespmem:$0x19900] =	vst v63  }
0x1a2: {  	_ =	swait.ge [sflag:s10], $0xC000  }
0x1a3: {  	[sflag:s10] =	ssyncset.done $0x0  }
0x1a4: {  	s0 =	rddreg [dreg:$0x1d];
	[sflag:s10] =	ssyncadd.s32 $0xFFFF4000  }
0x1a5: {  	[tilespmem:s7], [sflag:$0x2] =	stream.indirect.gather [hbm4b:s3+s6], $0x80, s0, s6, $0xb8;
	[tilespmem:$0x19900] =	vst v63  }
0x1a6: {  	s15 =	rddreg [dreg:$0x1e]  }
0x1a7: {  	[tilespmem:s12], [sflag:$0x2] =	stream.indirect.gather [hbm4b:s3+s6], $0x80, s15, s6, $0xb8;
	[tilespmem:$0x19900] =	vst v63  }
0x1a8: {  	s0 =	rddreg [dreg:$0x1f]  }
0x1a9: {  	[tilespmem:s13], [sflag:$0x2] =	stream.indirect.gather [hbm4b:s3+s6], $0x80, s0, s6, $0xb8;
	[tilespmem:$0x19900] =	vst v63  }
0x1aa: {  	_ =	swait.ge [sflag:s8], $0x4000  }
0x1ab: {  	[sflag:s8] =	ssyncset.done $0x0  }
0x1ac: {  	[sflag:s8] =	ssyncadd.s32 $0xFFFFC000  }
0x1ad: {  	_ =	swait.ge [sflag:s8], $0x4000  }
0x1ae: {  	[sflag:s8] =	ssyncset.done $0x0  }
0x1af: {  	[sflag:s8] =	ssyncadd.s32 $0xFFFFC000  }
0x1b0: {  	_ =	swait.ge [sflag:s8], $0x4000  }
0x1b1: {  	[sflag:s8] =	ssyncset.done $0x0  }
0x1b2: {  	s15 =	rddreg [dreg:$0x7];
	[sflag:s8] =	ssyncadd.s32 $0xFFFFC000  }
0x1b3: {  	[hbm4b:s15+s2] =	stream.linear.scatter [tilespmem:s4], [sflag:$0x3], $0xC000, $0x38;
	[tilespmem:$0x19900] =	vst v63  }
0x1b4: {  	_ =	swait.ge [sflag:s5], $0xC000  }
0x1b5: {  	s0 =	sld [smem:$0x7E7]  }
0x1b6: {  	[sflag:s5] =	ssyncset.done $0x0  }
0x1b7: {  	s15 =	sld [smem:$0x7E8];
	[sflag:s5] =	ssyncadd.s32 $0xFFFF4000  }
0x1b8: {  	[tilespmem:s4], [sflag:$0x1] =	stream.indirect.gather [hbm4b:s3+s6], $0x80, s0, s6, $0xb8;
	[tilespmem:$0x19900] =	vst v63  }
0x1b9: {  	s0 =	sld [smem:$0x7E9]  }
0x1ba: {  	[tilespmem:s9], [sflag:$0x1] =	stream.indirect.gather [hbm4b:s3+s6], $0x80, s15, s6, $0xb8;
	[tilespmem:$0x19900] =	vst v63  }
0x1bb: {  	_ = 	snop  }
0x1bc: {  	[tilespmem:s14], [sflag:$0x1] =	stream.indirect.gather [hbm4b:s3+s6], $0x80, s0, s6, $0xb8;
	[tilespmem:$0x19900] =	vst v63  }
0x1bd: {  	_ =	swait.ge [sflag:s11], $0x4000  }
0x1be: {  	[sflag:s11] =	ssyncset.done $0x0  }
0x1bf: {  	[sflag:s11] =	ssyncadd.s32 $0xFFFFC000  }
0x1c0: {  	_ =	swait.ge [sflag:s11], $0x4000  }
0x1c1: {  	[sflag:s11] =	ssyncset.done $0x0  }
0x1c2: {  	[sflag:s11] =	ssyncadd.s32 $0xFFFFC000  }
0x1c3: {  	_ =	swait.ge [sflag:s11], $0x4000  }
0x1c4: {  	[sflag:s11] =	ssyncset.done $0x0  }
0x1c5: {  	s15 =	rddreg [dreg:$0x8];
	[sflag:s11] =	ssyncadd.s32 $0xFFFFC000  }
0x1c6: {  	[hbm4b:s15+s2] =	stream.linear.scatter [tilespmem:s7], [sflag:$0x4], $0xC000, $0x38;
	[tilespmem:$0x19900] =	vst v63  }
0x1c7: {  	_ =	swait.ge [sflag:s10], $0xC000  }
0x1c8: {  	s0 =	sld [smem:$0x7EA]  }
0x1c9: {  	[sflag:s10] =	ssyncset.done $0x0  }
0x1ca: {  	s15 =	sld [smem:$0x7EB];
	[sflag:s10] =	ssyncadd.s32 $0xFFFF4000  }
0x1cb: {  	[tilespmem:s7], [sflag:$0x2] =	stream.indirect.gather [hbm4b:s3+s6], $0x80, s0, s6, $0xb8;
	[tilespmem:$0x19900] =	vst v63  }
0x1cc: {  	s0 =	sld [smem:$0x7EC]  }
0x1cd: {  	[tilespmem:s12], [sflag:$0x2] =	stream.indirect.gather [hbm4b:s3+s6], $0x80, s15, s6, $0xb8;
	[tilespmem:$0x19900] =	vst v63  }
0x1ce: {  	_ = 	snop  }
0x1cf: {  	[tilespmem:s13], [sflag:$0x2] =	stream.indirect.gather [hbm4b:s3+s6], $0x80, s0, s6, $0xb8;
	[tilespmem:$0x19900] =	vst v63  }
0x1d0: {  	_ =	swait.ge [sflag:s8], $0x4000  }
0x1d1: {  	[sflag:s8] =	ssyncset.done $0x0  }
0x1d2: {  	[sflag:s8] =	ssyncadd.s32 $0xFFFFC000  }
0x1d3: {  	_ =	swait.ge [sflag:s8], $0x4000  }
0x1d4: {  	[sflag:s8] =	ssyncset.done $0x0  }
0x1d5: {  	[sflag:s8] =	ssyncadd.s32 $0xFFFFC000  }
0x1d6: {  	_ =	swait.ge [sflag:s8], $0x4000  }
0x1d7: {  	[sflag:s8] =	ssyncset.done $0x0  }
0x1d8: {  	s15 =	rddreg [dreg:$0x9];
	[sflag:s8] =	ssyncadd.s32 $0xFFFFC000  }
0x1d9: {  	[hbm4b:s15+s2] =	stream.linear.scatter [tilespmem:s4], [sflag:$0x3], $0xC000, $0x38;
	[tilespmem:$0x19900] =	vst v63  }
0x1da: {  	_ =	swait.ge [sflag:s5], $0xC000  }
0x1db: {  	s0 =	sld [smem:$0x7ED]  }
0x1dc: {  	[sflag:s5] =	ssyncset.done $0x0  }
0x1dd: {  	s15 =	sld [smem:$0x7EE];
	[sflag:s5] =	ssyncadd.s32 $0xFFFF4000  }
0x1de: {  	[tilespmem:s4], [sflag:$0x1] =	stream.indirect.gather [hbm4b:s3+s6], $0x80, s0, s6, $0xb8;
	[tilespmem:$0x19900] =	vst v63  }
0x1df: {  	s0 =	sld [smem:$0x7EF]  }
0x1e0: {  	[tilespmem:s9], [sflag:$0x1] =	stream.indirect.gather [hbm4b:s3+s6], $0x80, s15, s6, $0xb8;
	[tilespmem:$0x19900] =	vst v63  }
0x1e1: {  	_ = 	snop  }
0x1e2: {  	[tilespmem:s14], [sflag:$0x1] =	stream.indirect.gather [hbm4b:s3+s6], $0x80, s0, s6, $0xb8;
	[tilespmem:$0x19900] =	vst v63  }
0x1e3: {  	_ =	swait.ge [sflag:s11], $0x4000  }
0x1e4: {  	[sflag:s11] =	ssyncset.done $0x0  }
0x1e5: {  	[sflag:s11] =	ssyncadd.s32 $0xFFFFC000  }
0x1e6: {  	_ =	swait.ge [sflag:s11], $0x4000  }
0x1e7: {  	[sflag:s11] =	ssyncset.done $0x0  }
0x1e8: {  	[sflag:s11] =	ssyncadd.s32 $0xFFFFC000  }
0x1e9: {  	_ =	swait.ge [sflag:s11], $0x4000  }
0x1ea: {  	[sflag:s11] =	ssyncset.done $0x0  }
0x1eb: {  	s15 =	rddreg [dreg:$0xa];
	[sflag:s11] =	ssyncadd.s32 $0xFFFFC000  }
0x1ec: {  	[hbm4b:s15+s2] =	stream.linear.scatter [tilespmem:s7], [sflag:$0x4], $0xC000, $0x38;
	[tilespmem:$0x19900] =	vst v63  }
0x1ed: {  	_ =	swait.ge [sflag:s10], $0xC000  }
0x1ee: {  	s0 =	sld [smem:$0x7F0]  }
0x1ef: {  	[sflag:s10] =	ssyncset.done $0x0  }
0x1f0: {  	s15 =	sld [smem:$0x7F1];
	[sflag:s10] =	ssyncadd.s32 $0xFFFF4000  }
0x1f1: {  	[tilespmem:s7], [sflag:$0x2] =	stream.indirect.gather [hbm4b:s3+s6], $0x80, s0, s6, $0xb8;
	[tilespmem:$0x19900] =	vst v63  }
0x1f2: {  	s0 =	sld [smem:$0x7F2]  }
0x1f3: {  	[tilespmem:s12], [sflag:$0x2] =	stream.indirect.gather [hbm4b:s3+s6], $0x80, s15, s6, $0xb8;
	[tilespmem:$0x19900] =	vst v63  }
0x1f4: {  	_ = 	snop  }
0x1f5: {  	[tilespmem:s13], [sflag:$0x2] =	stream.indirect.gather [hbm4b:s3+s6], $0x80, s0, s6, $0xb8;
	[tilespmem:$0x19900] =	vst v63  }
0x1f6: {  	_ =	swait.ge [sflag:s8], $0x4000  }
0x1f7: {  	[sflag:s8] =	ssyncset.done $0x0  }
0x1f8: {  	[sflag:s8] =	ssyncadd.s32 $0xFFFFC000  }
0x1f9: {  	_ =	swait.ge [sflag:s8], $0x4000  }
0x1fa: {  	[sflag:s8] =	ssyncset.done $0x0  }
0x1fb: {  	[sflag:s8] =	ssyncadd.s32 $0xFFFFC000  }
0x1fc: {  	_ =	swait.ge [sflag:s8], $0x4000  }
0x1fd: {  	[sflag:s8] =	ssyncset.done $0x0  }
0x1fe: {  	s15 =	rddreg [dreg:$0xb];
	[sflag:s8] =	ssyncadd.s32 $0xFFFFC000  }
0x1ff: {  	[hbm4b:s15+s2] =	stream.linear.scatter [tilespmem:s4], [sflag:$0x3], $0xC000, $0x38;
	[tilespmem:$0x19900] =	vst v63  }
0x200: {  	_ =	swait.ge [sflag:s5], $0xC000  }
0x201: {  	s0 =	sld [smem:$0x7F3]  }
0x202: {  	[sflag:s5] =	ssyncset.done $0x0  }
0x203: {  	s15 =	sld [smem:$0x7F4];
	[sflag:s5] =	ssyncadd.s32 $0xFFFF4000  }
0x204: {  	[tilespmem:s4], [sflag:$0x1] =	stream.indirect.gather [hbm4b:s3+s6], $0x80, s0, s6, $0xb8;
	[tilespmem:$0x19900] =	vst v63  }
0x205: {  	s0 =	sld [smem:$0x7F5]  }
0x206: {  	[tilespmem:s9], [sflag:$0x1] =	stream.indirect.gather [hbm4b:s3+s6], $0x80, s15, s6, $0xb8;
	[tilespmem:$0x19900] =	vst v63  }
0x207: {  	_ = 	snop  }
0x208: {  	[tilespmem:s14], [sflag:$0x1] =	stream.indirect.gather [hbm4b:s3+s6], $0x80, s0, s6, $0xb8;
	[tilespmem:$0x19900] =	vst v63  }
0x209: {  	_ =	swait.ge [sflag:s11], $0x4000  }
0x20a: {  	[sflag:s11] =	ssyncset.done $0x0  }
0x20b: {  	[sflag:s11] =	ssyncadd.s32 $0xFFFFC000  }
0x20c: {  	_ =	swait.ge [sflag:s11], $0x4000  }
0x20d: {  	[sflag:s11] =	ssyncset.done $0x0  }
0x20e: {  	[sflag:s11] =	ssyncadd.s32 $0xFFFFC000  }
0x20f: {  	_ =	swait.ge [sflag:s11], $0x4000  }
0x210: {  	[sflag:s11] =	ssyncset.done $0x0  }
0x211: {  	s15 =	rddreg [dreg:$0xc];
	[sflag:s11] =	ssyncadd.s32 $0xFFFFC000  }
0x212: {  	[hbm4b:s15+s2] =	stream.linear.scatter [tilespmem:s7], [sflag:$0x4], $0xC000, $0x38;
	[tilespmem:$0x19900] =	vst v63  }
0x213: {  	_ =	swait.ge [sflag:s10], $0xC000  }
0x214: {  	s0 =	sld [smem:$0x7F6]  }
0x215: {  	[sflag:s10] =	ssyncset.done $0x0  }
0x216: {  	s15 =	sld [smem:$0x7F7];
	[sflag:s10] =	ssyncadd.s32 $0xFFFF4000  }
0x217: {  	[tilespmem:s7], [sflag:$0x2] =	stream.indirect.gather [hbm4b:s3+s6], $0x80, s0, s6, $0xb8;
	[tilespmem:$0x19900] =	vst v63  }
0x218: {  	s0 =	sld [smem:$0x7F8]  }
0x219: {  	[tilespmem:s12], [sflag:$0x2] =	stream.indirect.gather [hbm4b:s3+s6], $0x80, s15, s6, $0xb8;
	[tilespmem:$0x19900] =	vst v63  }
0x21a: {  	_ = 	snop  }
0x21b: {  	[tilespmem:s13], [sflag:$0x2] =	stream.indirect.gather [hbm4b:s3+s6], $0x80, s0, s6, $0xb8;
	[tilespmem:$0x19900] =	vst v63  }
0x21c: {  	_ =	swait.ge [sflag:s8], $0x4000  }
0x21d: {  	[sflag:s8] =	ssyncset.done $0x0  }
0x21e: {  	[sflag:s8] =	ssyncadd.s32 $0xFFFFC000  }
0x21f: {  	_ =	swait.ge [sflag:s8], $0x4000  }
0x220: {  	[sflag:s8] =	ssyncset.done $0x0  }
0x221: {  	[sflag:s8] =	ssyncadd.s32 $0xFFFFC000  }
0x222: {  	_ =	swait.ge [sflag:s8], $0x4000  }
0x223: {  	[sflag:s8] =	ssyncset.done $0x0  }
0x224: {  	s15 =	rddreg [dreg:$0xd];
	[sflag:s8] =	ssyncadd.s32 $0xFFFFC000  }
0x225: {  	[hbm4b:s15+s2] =	stream.linear.scatter [tilespmem:s4], [sflag:$0x3], $0xC000, $0x38;
	[tilespmem:$0x19900] =	vst v63  }
0x226: {  	_ =	swait.ge [sflag:s5], $0xC000  }
0x227: {  	s0 =	sld [smem:$0x7F9]  }
0x228: {  	[sflag:s5] =	ssyncset.done $0x0  }
0x229: {  	s15 =	sld [smem:$0x7FA];
	[sflag:s5] =	ssyncadd.s32 $0xFFFF4000  }
0x22a: {  	[tilespmem:s4], [sflag:$0x1] =	stream.indirect.gather [hbm4b:s3+s6], $0x80, s0, s6, $0xb8;
	[tilespmem:$0x19900] =	vst v63  }
0x22b: {  	s0 =	sld [smem:$0x7FB]  }
0x22c: {  	[tilespmem:s9], [sflag:$0x1] =	stream.indirect.gather [hbm4b:s3+s6], $0x80, s15, s6, $0xb8;
	[tilespmem:$0x19900] =	vst v63  }
0x22d: {  	_ = 	snop  }
0x22e: {  	[tilespmem:s14], [sflag:$0x1] =	stream.indirect.gather [hbm4b:s3+s6], $0x80, s0, s6, $0xb8;
	[tilespmem:$0x19900] =	vst v63  }
0x22f: {  	_ =	swait.ge [sflag:s11], $0x4000  }
0x230: {  	[sflag:s11] =	ssyncset.done $0x0  }
0x231: {  	[sflag:s11] =	ssyncadd.s32 $0xFFFFC000  }
0x232: {  	_ =	swait.ge [sflag:s11], $0x4000  }
0x233: {  	[sflag:s11] =	ssyncset.done $0x0  }
0x234: {  	[sflag:s11] =	ssyncadd.s32 $0xFFFFC000  }
0x235: {  	_ =	swait.ge [sflag:s11], $0x4000  }
0x236: {  	[sflag:s11] =	ssyncset.done $0x0  }
0x237: {  	s15 =	rddreg [dreg:$0xe];
	[sflag:s11] =	ssyncadd.s32 $0xFFFFC000  }
0x238: {  	[hbm4b:s15+s2] =	stream.linear.scatter [tilespmem:s7], [sflag:$0x4], $0xC000, $0x38;
	[tilespmem:$0x19900] =	vst v63  }
0x239: {  	_ =	swait.ge [sflag:s10], $0xC000  }
0x23a: {  	s0 =	sld [smem:$0x7FC]  }
0x23b: {  	[sflag:s10] =	ssyncset.done $0x0  }
0x23c: {  	s15 =	sld [smem:$0x7FD];
	[sflag:s10] =	ssyncadd.s32 $0xFFFF4000  }
0x23d: {  	[tilespmem:s7], [sflag:$0x2] =	stream.indirect.gather [hbm4b:s3+s6], $0x80, s0, s6, $0xb8;
	[tilespmem:$0x19900] =	vst v63  }
0x23e: {  	_ = 	snop  }
0x23f: {  	[tilespmem:s12], [sflag:$0x2] =	stream.indirect.gather [hbm4b:s3+s6], $0x80, s15, s6, $0xb8;
	[tilespmem:$0x19900] =	vst v63  }
0x240: {  	_ = 	snop  }
0x241: {  	[tilespmem:s13], [sflag:$0x2] =	stream.indirect.gather [hbm4b:s3+s6], $0x80, s21, s6, $0xb8;
	[tilespmem:$0x19900] =	vst v63  }
0x242: {  	_ =	swait.ge [sflag:s8], $0x4000  }
0x243: {  	[sflag:s8] =	ssyncset.done $0x0  }
0x244: {  	[sflag:s8] =	ssyncadd.s32 $0xFFFFC000  }
0x245: {  	_ =	swait.ge [sflag:s8], $0x4000  }
0x246: {  	[sflag:s8] =	ssyncset.done $0x0  }
0x247: {  	[sflag:s8] =	ssyncadd.s32 $0xFFFFC000  }
0x248: {  	_ =	swait.ge [sflag:s8], $0x4000  }
0x249: {  	[sflag:s8] =	ssyncset.done $0x0  }
0x24a: {  	s15 =	rddreg [dreg:$0xf];
	[sflag:s8] =	ssyncadd.s32 $0xFFFFC000  }
0x24b: {  	[hbm4b:s15+s2] =	stream.linear.scatter [tilespmem:s4], [sflag:$0x3], $0xC000, $0x38;
	[tilespmem:$0x19900] =	vst v63  }
0x24c: {  	_ =	swait.ge [sflag:s5], $0xC000  }
0x24d: {  	[sflag:s5] =	ssyncset.done $0x0  }
0x24e: {  	[sflag:s5] =	ssyncadd.s32 $0xFFFF4000  }
0x24f: {  	[tilespmem:s4], [sflag:$0x1] =	stream.indirect.gather [hbm4b:s3+s6], $0x80, s28, s6, $0xb8;
	[tilespmem:$0x19900] =	vst v63  }
0x250: {  	_ = 	snop  }
0x251: {  	[tilespmem:s9], [sflag:$0x1] =	stream.indirect.gather [hbm4b:s3+s6], $0x80, s29, s6, $0xb8;
	[tilespmem:$0x19900] =	vst v63  }
0x252: {  	_ = 	snop  }
0x253: {  	[tilespmem:s14], [sflag:$0x1] =	stream.indirect.gather [hbm4b:s3+s6], $0x80, s30, s6, $0xb8;
	[tilespmem:$0x19900] =	vst v63  }
0x254: {  	_ =	swait.ge [sflag:s11], $0x4000  }
0x255: {  	[sflag:s11] =	ssyncset.done $0x0  }
0x256: {  	[sflag:s11] =	ssyncadd.s32 $0xFFFFC000  }
0x257: {  	_ =	swait.ge [sflag:s11], $0x4000  }
0x258: {  	[sflag:s11] =	ssyncset.done $0x0  }
0x259: {  	[sflag:s11] =	ssyncadd.s32 $0xFFFFC000  }
0x25a: {  	_ =	swait.ge [sflag:s11], $0x4000  }
0x25b: {  	[sflag:s11] =	ssyncset.done $0x0  }
0x25c: {  	s15 =	rddreg [dreg:$0x10];
	[sflag:s11] =	ssyncadd.s32 $0xFFFFC000  }
0x25d: {  	[hbm4b:s15+s2] =	stream.linear.scatter [tilespmem:s7], [sflag:$0x4], $0xC000, $0x38;
	[tilespmem:$0x19900] =	vst v63  }
0x25e: {  	_ =	swait.ge [sflag:s10], $0xC000  }
0x25f: {  	[sflag:s10] =	ssyncset.done $0x0  }
0x260: {  	[sflag:s10] =	ssyncadd.s32 $0xFFFF4000  }
0x261: {  	[tilespmem:s7], [sflag:$0x2] =	stream.indirect.gather [hbm4b:s3+s6], $0x80, s24, s6, $0xb8;
	[tilespmem:$0x19900] =	vst v63  }
0x262: {  	_ = 	snop  }
0x263: {  	[tilespmem:s12], [sflag:$0x2] =	stream.indirect.gather [hbm4b:s3+s6], $0x80, s25, s6, $0xb8;
	[tilespmem:$0x19900] =	vst v63  }
0x264: {  	_ = 	snop  }
0x265: {  	[tilespmem:s13], [sflag:$0x2] =	stream.indirect.gather [hbm4b:s3+s6], $0x80, s26, s6, $0xb8;
	[tilespmem:$0x19900] =	vst v63  }
0x266: {  	_ =	swait.ge [sflag:s8], $0x4000  }
0x267: {  	[sflag:s8] =	ssyncset.done $0x0  }
0x268: {  	[sflag:s8] =	ssyncadd.s32 $0xFFFFC000  }
0x269: {  	_ =	swait.ge [sflag:s8], $0x4000  }
0x26a: {  	[sflag:s8] =	ssyncset.done $0x0  }
0x26b: {  	[sflag:s8] =	ssyncadd.s32 $0xFFFFC000  }
0x26c: {  	_ =	swait.ge [sflag:s8], $0x4000  }
0x26d: {  	[sflag:s8] =	ssyncset.done $0x0  }
0x26e: {  	s15 =	rddreg [dreg:$0x11];
	[sflag:s8] =	ssyncadd.s32 $0xFFFFC000  }
0x26f: {  	[hbm4b:s15+s2] =	stream.linear.scatter [tilespmem:s4], [sflag:$0x3], $0xC000, $0x38;
	[tilespmem:$0x19900] =	vst v63  }
0x270: {  	_ =	swait.ge [sflag:s5], $0xC000  }
0x271: {  	[sflag:s5] =	ssyncset.done $0x0  }
0x272: {  	s15 =	simm.s32 $0x1500;
	[sflag:s5] =	ssyncadd.s32 $0xFFFF4000  }
0x273: {  	[tilespmem:s4], [sflag:$0x1] =	stream.indirect.gather [hbm4b:s3+s6], $0x80, s15, s6, $0xb8;
	[tilespmem:$0x19900] =	vst v63  }
0x274: {  	_ = 	snop  }
0x275: {  	[tilespmem:s9], [sflag:$0x1] =	stream.indirect.gather [hbm4b:s3+s6], $0x80, s22, s6, $0xb8;
	[tilespmem:$0x19900] =	vst v63  }
0x276: {  	_ = 	snop  }
0x277: {  	[tilespmem:s14], [sflag:$0x1] =	stream.indirect.gather [hbm4b:s3+s6], $0x80, s23, s6, $0xb8;
	[tilespmem:$0x19900] =	vst v63  }
0x278: {  	_ =	swait.ge [sflag:s11], $0x4000  }
0x279: {  	[sflag:s11] =	ssyncset.done $0x0  }
0x27a: {  	[sflag:s11] =	ssyncadd.s32 $0xFFFFC000  }
0x27b: {  	_ =	swait.ge [sflag:s11], $0x4000  }
0x27c: {  	[sflag:s11] =	ssyncset.done $0x0  }
0x27d: {  	[sflag:s11] =	ssyncadd.s32 $0xFFFFC000  }
0x27e: {  	_ =	swait.ge [sflag:s11], $0x4000  }
0x27f: {  	[sflag:s11] =	ssyncset.done $0x0  }
0x280: {  	s15 =	rddreg [dreg:$0x12];
	[sflag:s11] =	ssyncadd.s32 $0xFFFFC000  }
0x281: {  	[hbm4b:s15+s2] =	stream.linear.scatter [tilespmem:s7], [sflag:$0x4], $0xC000, $0x38;
	[tilespmem:$0x19900] =	vst v63  }
0x282: {  	_ =	swait.ge [sflag:s10], $0xC000  }
0x283: {  	[sflag:s10] =	ssyncset.done $0x0  }
0x284: {  	[sflag:s10] =	ssyncadd.s32 $0xFFFF4000  }
0x285: {  	[tilespmem:s7], [sflag:$0x2] =	stream.indirect.gather [hbm4b:s3+s6], $0x80, s18, s6, $0xb8;
	[tilespmem:$0x19900] =	vst v63  }
0x286: {  	_ = 	snop  }
0x287: {  	[tilespmem:s12], [sflag:$0x2] =	stream.indirect.gather [hbm4b:s3+s6], $0x80, s19, s6, $0xb8;
	[tilespmem:$0x19900] =	vst v63  }
0x288: {  	_ = 	snop  }
0x289: {  	[tilespmem:s13], [sflag:$0x2] =	stream.indirect.gather [hbm4b:s3+s6], $0x80, s20, s6, $0xb8;
	[tilespmem:$0x19900] =	vst v63  }
0x28a: {  	_ =	swait.ge [sflag:s8], $0x4000  }
0x28b: {  	[sflag:s8] =	ssyncset.done $0x0  }
0x28c: {  	[sflag:s8] =	ssyncadd.s32 $0xFFFFC000  }
0x28d: {  	_ =	swait.ge [sflag:s8], $0x4000  }
0x28e: {  	[sflag:s8] =	ssyncset.done $0x0  }
0x28f: {  	[sflag:s8] =	ssyncadd.s32 $0xFFFFC000  }
0x290: {  	_ =	swait.ge [sflag:s8], $0x4000  }
0x291: {  	[sflag:s8] =	ssyncset.done $0x0  }
0x292: {  	s15 =	rddreg [dreg:$0x13];
	[sflag:s8] =	ssyncadd.s32 $0xFFFFC000  }
0x293: {  	[hbm4b:s15+s2] =	stream.linear.scatter [tilespmem:s4], [sflag:$0x3], $0xC000, $0x38;
	[tilespmem:$0x19900] =	vst v63  }
0x294: {  	_ =	swait.ge [sflag:s5], $0xC000  }
0x295: {  	[sflag:s5] =	ssyncset.done $0x0  }
0x296: {  	[sflag:s5] =	ssyncadd.s32 $0xFFFF4000  }
0x297: {  	[tilespmem:s4], [sflag:$0x1] =	stream.indirect.gather [hbm4b:s3+s6], $0x80, s16, s6, $0xb8;
	[tilespmem:$0x19900] =	vst v63  }
0x298: {  	_ = 	snop  }
0x299: {  	[tilespmem:s9], [sflag:$0x1] =	stream.indirect.gather [hbm4b:s3+s6], $0x80, s17, s6, $0xb8;
	[tilespmem:$0x19900] =	vst v63  }
0x29a: {  	_ =	swait.ge [sflag:s11], $0x4000  }
0x29b: {  	[sflag:s11] =	ssyncset.done $0x0  }
0x29c: {  	[sflag:s11] =	ssyncadd.s32 $0xFFFFC000  }
0x29d: {  	_ =	swait.ge [sflag:s11], $0x4000  }
0x29e: {  	[sflag:s11] =	ssyncset.done $0x0  }
0x29f: {  	[sflag:s11] =	ssyncadd.s32 $0xFFFFC000  }
0x2a0: {  	_ =	swait.ge [sflag:s11], $0x4000  }
0x2a1: {  	[sflag:s11] =	ssyncset.done $0x0  }
0x2a2: {  	s15 =	rddreg [dreg:$0x14];
	[sflag:s11] =	ssyncadd.s32 $0xFFFFC000  }
0x2a3: {  	[hbm4b:s15+s2] =	stream.linear.scatter [tilespmem:s7], [sflag:$0x4], $0xC000, $0x38;
	[tilespmem:$0x19900] =	vst v63  }
0x2a4: {  	_ =	swait.ge [sflag:s8], $0x4000  }
0x2a5: {  	[sflag:s8] =	ssyncset.done $0x0  }
0x2a6: {  	[sflag:s8] =	ssyncadd.s32 $0xFFFFC000  }
0x2a7: {  	_ =	swait.ge [sflag:s8], $0x4000  }
0x2a8: {  	[sflag:s8] =	ssyncset.done $0x0  }
0x2a9: {  	p1 =	sne.s32 s1, $0x1;
	s15 =	rddreg [dreg:$0x15];
	[sflag:s8] =	ssyncadd.s32 $0xFFFFC000  }
0x2aa: {  	[hbm4b:s15+s2] =	stream.linear.scatter [tilespmem:s4], [sflag:$0x3], $0x8000, $0x38;
	[tilespmem:$0x19900] =	vst v63  }
.Ltmp2:
0x2ab: {  	_ =	swait.ge [sflag:s10], $0xC000;
	(pc) =	sbr.rel @p1 .LBB2_4-.Ltmp2, $4  }
0x2ac: {  	[sflag:s10] =	ssyncset.done $0x0  }
0x2ad: {  	[sflag:s10] =	ssyncadd.s32 $0xFFFF4000  }
0x2ae: {  	_ =	swait.ge [sflag:s5], $0x8000  }
0x2af: {  	s1 =	sadd.s32 $0xFFFFFFFF, s1;
	s0 =	rddreg [dreg:$0x4];
	[sflag:s5] =	ssyncset.done $0x0  }
0x2b0: {  	s17 =	simm.s32 $0x1180;
	s30 =	simm.s32 $0x1300;
	s29 =	simm.s32 $0x1280  }
0x2b1: {  	s28 =	simm.s32 $0x1200;
	s26 =	simm.s32 $0x1480;
	s25 =	simm.s32 $0x1400  }
0x2b2: {  	s24 =	simm.s32 $0x1380;
	s23 =	simm.s32 $0x1600;
	s22 =	simm.s32 $0x1580  }
0x2b3: {  	s21 =	simm.s32 $0x1500;
	s20 =	simm.s32 $0x1780;
	s19 =	simm.s32 $0x1700  }
0x2b4: {  	s18 =	simm.s32 $0x1680;
	s16 =	simm.s32 $0x1800;
	s15 =	stileid.u32  }
.LBB2_6:
0x2b5: {  	[sflag:s5] =	ssyncadd.s32 @p0 $0xFFFF8000  }
0x2b6: {  	[tilespmem:s2], [sflag:$0x5] =	stream.linear.gather [hbm4b:s0+s2], $0x1900, $0x38;
	[tilespmem:$0x19900] =	vst v63  }
0x2b7: {  	_ =	swait.ge [sflag:s31], $0x1900  }
0x2b8: {  	[sflag:s31] =	ssyncset.done $0x0  }
0x2b9: {  	[sflag:s31] =	ssyncadd.s32 $0xFFFFE700  }
0x2ba: {  	[tilespmem:s4], [sflag:$0x1] =	stream.indirect.gather [hbm4b:s3+s6], $0x80, s2, s6, $0xb8;
	[tilespmem:$0x19900] =	vst v63  }
0x2bb: {  	_ = 	snop  }
0x2bc: {  	[tilespmem:s9], [sflag:$0x1] =	stream.indirect.gather [hbm4b:s3+s6], $0x80, s6, s6, $0xb8;
	[tilespmem:$0x19900] =	vst v63  }
0x2bd: {  	s31 =	rddreg [dreg:$0x16]  }
0x2be: {  	[tilespmem:s14], [sflag:$0x1] =	stream.indirect.gather [hbm4b:s3+s6], $0x80, s31, s6, $0xb8;
	[tilespmem:$0x19900] =	vst v63  }
0x2bf: {  	s1 =	rddreg [dreg:$0x17]  }
0x2c0: {  	[tilespmem:s7], [sflag:$0x2] =	stream.indirect.gather [hbm4b:s3+s6], $0x80, s1, s6, $0xb8;
	[tilespmem:$0x19900] =	vst v63  }
0x2c1: {  	s0 =	rddreg [dreg:$0x18]  }
0x2c2: {  	[tilespmem:s12], [sflag:$0x2] =	stream.indirect.gather [hbm4b:s3+s6], $0x80, s0, s6, $0xb8;
	[tilespmem:$0x19900] =	vst v63  }
0x2c3: {  	s31 =	rddreg [dreg:$0x19]  }
0x2c4: {  	[tilespmem:s13], [sflag:$0x2] =	stream.indirect.gather [hbm4b:s3+s6], $0x80, s31, s6, $0xb8;
	[tilespmem:$0x19900] =	vst v63  }
0x2c5: {  	_ =	swait.ge [sflag:s8], $0x4000  }
0x2c6: {  	[sflag:s8] =	ssyncset.done $0x0  }
0x2c7: {  	[sflag:s8] =	ssyncadd.s32 $0xFFFFC000  }
0x2c8: {  	_ =	swait.ge [sflag:s8], $0x4000  }
0x2c9: {  	[sflag:s8] =	ssyncset.done $0x0  }
0x2ca: {  	[sflag:s8] =	ssyncadd.s32 $0xFFFFC000  }
0x2cb: {  	_ =	swait.ge [sflag:s8], $0x4000  }
0x2cc: {  	[sflag:s8] =	ssyncset.done $0x0  }
0x2cd: {  	s1 =	rddreg [dreg:$0x5];
	[sflag:s8] =	ssyncadd.s32 $0xFFFFC000  }
0x2ce: {  	[hbm4b:s1+s2] =	stream.linear.scatter [tilespmem:s4], [sflag:$0x3], $0xC000, $0x38;
	[tilespmem:$0x19900] =	vst v63  }
0x2cf: {  	_ =	swait.ge [sflag:s5], $0xC000  }
0x2d0: {  	[sflag:s5] =	ssyncset.done $0x0  }
0x2d1: {  	s31 =	rddreg [dreg:$0x1a];
	[sflag:s5] =	ssyncadd.s32 $0xFFFF4000  }
0x2d2: {  	[tilespmem:s4], [sflag:$0x1] =	stream.indirect.gather [hbm4b:s3+s6], $0x80, s31, s6, $0xb8;
	[tilespmem:$0x19900] =	vst v63  }
0x2d3: {  	s1 =	rddreg [dreg:$0x1b]  }
0x2d4: {  	[tilespmem:s9], [sflag:$0x1] =	stream.indirect.gather [hbm4b:s3+s6], $0x80, s1, s6, $0xb8;
	[tilespmem:$0x19900] =	vst v63  }
0x2d5: {  	s31 =	rddreg [dreg:$0x1c]  }
0x2d6: {  	[tilespmem:s14], [sflag:$0x1] =	stream.indirect.gather [hbm4b:s3+s6], $0x80, s31, s6, $0xb8;
	[tilespmem:$0x19900] =	vst v63  }
0x2d7: {  	_ =	swait.ge [sflag:s11], $0x4000  }
0x2d8: {  	[sflag:s11] =	ssyncset.done $0x0  }
0x2d9: {  	[sflag:s11] =	ssyncadd.s32 $0xFFFFC000  }
0x2da: {  	_ =	swait.ge [sflag:s11], $0x4000  }
0x2db: {  	[sflag:s11] =	ssyncset.done $0x0  }
0x2dc: {  	[sflag:s11] =	ssyncadd.s32 $0xFFFFC000  }
0x2dd: {  	_ =	swait.ge [sflag:s11], $0x4000  }
0x2de: {  	[sflag:s11] =	ssyncset.done $0x0  }
0x2df: {  	s1 =	rddreg [dreg:$0x6];
	[sflag:s11] =	ssyncadd.s32 $0xFFFFC000  }
0x2e0: {  	[hbm4b:s1+s2] =	stream.linear.scatter [tilespmem:s7], [sflag:$0x4], $0xC000, $0x38;
	[tilespmem:$0x19900] =	vst v63  }
0x2e1: {  	_ =	swait.ge [sflag:s10], $0xC000  }
0x2e2: {  	[sflag:s10] =	ssyncset.done $0x0  }
0x2e3: {  	s31 =	rddreg [dreg:$0x1d];
	[sflag:s10] =	ssyncadd.s32 $0xFFFF4000  }
0x2e4: {  	[tilespmem:s7], [sflag:$0x2] =	stream.indirect.gather [hbm4b:s3+s6], $0x80, s31, s6, $0xb8;
	[tilespmem:$0x19900] =	vst v63  }
0x2e5: {  	s1 =	rddreg [dreg:$0x1e]  }
0x2e6: {  	[tilespmem:s12], [sflag:$0x2] =	stream.indirect.gather [hbm4b:s3+s6], $0x80, s1, s6, $0xb8;
	[tilespmem:$0x19900] =	vst v63  }
0x2e7: {  	s31 =	rddreg [dreg:$0x1f]  }
0x2e8: {  	[tilespmem:s13], [sflag:$0x2] =	stream.indirect.gather [hbm4b:s3+s6], $0x80, s31, s6, $0xb8;
	[tilespmem:$0x19900] =	vst v63  }
0x2e9: {  	_ =	swait.ge [sflag:s8], $0x4000  }
0x2ea: {  	[sflag:s8] =	ssyncset.done $0x0  }
0x2eb: {  	[sflag:s8] =	ssyncadd.s32 $0xFFFFC000  }
0x2ec: {  	_ =	swait.ge [sflag:s8], $0x4000  }
0x2ed: {  	[sflag:s8] =	ssyncset.done $0x0  }
0x2ee: {  	[sflag:s8] =	ssyncadd.s32 $0xFFFFC000  }
0x2ef: {  	_ =	swait.ge [sflag:s8], $0x4000  }
0x2f0: {  	[sflag:s8] =	ssyncset.done $0x0  }
0x2f1: {  	s1 =	rddreg [dreg:$0x7];
	[sflag:s8] =	ssyncadd.s32 $0xFFFFC000  }
0x2f2: {  	[hbm4b:s1+s2] =	stream.linear.scatter [tilespmem:s4], [sflag:$0x3], $0xC000, $0x38;
	[tilespmem:$0x19900] =	vst v63  }
0x2f3: {  	_ =	swait.ge [sflag:s5], $0xC000  }
0x2f4: {  	s31 =	sld [smem:$0x7E7]  }
0x2f5: {  	[sflag:s5] =	ssyncset.done $0x0  }
0x2f6: {  	s1 =	sld [smem:$0x7E8];
	[sflag:s5] =	ssyncadd.s32 $0xFFFF4000  }
0x2f7: {  	[tilespmem:s4], [sflag:$0x1] =	stream.indirect.gather [hbm4b:s3+s6], $0x80, s31, s6, $0xb8;
	[tilespmem:$0x19900] =	vst v63  }
0x2f8: {  	s31 =	sld [smem:$0x7E9]  }
0x2f9: {  	[tilespmem:s9], [sflag:$0x1] =	stream.indirect.gather [hbm4b:s3+s6], $0x80, s1, s6, $0xb8;
	[tilespmem:$0x19900] =	vst v63  }
0x2fa: {  	_ = 	snop  }
0x2fb: {  	[tilespmem:s14], [sflag:$0x1] =	stream.indirect.gather [hbm4b:s3+s6], $0x80, s31, s6, $0xb8;
	[tilespmem:$0x19900] =	vst v63  }
0x2fc: {  	_ =	swait.ge [sflag:s11], $0x4000  }
0x2fd: {  	[sflag:s11] =	ssyncset.done $0x0  }
0x2fe: {  	[sflag:s11] =	ssyncadd.s32 $0xFFFFC000  }
0x2ff: {  	_ =	swait.ge [sflag:s11], $0x4000  }
0x300: {  	[sflag:s11] =	ssyncset.done $0x0  }
0x301: {  	[sflag:s11] =	ssyncadd.s32 $0xFFFFC000  }
0x302: {  	_ =	swait.ge [sflag:s11], $0x4000  }
0x303: {  	[sflag:s11] =	ssyncset.done $0x0  }
0x304: {  	s1 =	rddreg [dreg:$0x8];
	[sflag:s11] =	ssyncadd.s32 $0xFFFFC000  }
0x305: {  	[hbm4b:s1+s2] =	stream.linear.scatter [tilespmem:s7], [sflag:$0x4], $0xC000, $0x38;
	[tilespmem:$0x19900] =	vst v63  }
0x306: {  	_ =	swait.ge [sflag:s10], $0xC000  }
0x307: {  	s31 =	sld [smem:$0x7EA]  }
0x308: {  	[sflag:s10] =	ssyncset.done $0x0  }
0x309: {  	s1 =	sld [smem:$0x7EB];
	[sflag:s10] =	ssyncadd.s32 $0xFFFF4000  }
0x30a: {  	[tilespmem:s7], [sflag:$0x2] =	stream.indirect.gather [hbm4b:s3+s6], $0x80, s31, s6, $0xb8;
	[tilespmem:$0x19900] =	vst v63  }
0x30b: {  	s31 =	sld [smem:$0x7EC]  }
0x30c: {  	[tilespmem:s12], [sflag:$0x2] =	stream.indirect.gather [hbm4b:s3+s6], $0x80, s1, s6, $0xb8;
	[tilespmem:$0x19900] =	vst v63  }
0x30d: {  	_ = 	snop  }
0x30e: {  	[tilespmem:s13], [sflag:$0x2] =	stream.indirect.gather [hbm4b:s3+s6], $0x80, s31, s6, $0xb8;
	[tilespmem:$0x19900] =	vst v63  }
0x30f: {  	_ =	swait.ge [sflag:s8], $0x4000  }
0x310: {  	[sflag:s8] =	ssyncset.done $0x0  }
0x311: {  	[sflag:s8] =	ssyncadd.s32 $0xFFFFC000  }
0x312: {  	_ =	swait.ge [sflag:s8], $0x4000  }
0x313: {  	[sflag:s8] =	ssyncset.done $0x0  }
0x314: {  	[sflag:s8] =	ssyncadd.s32 $0xFFFFC000  }
0x315: {  	_ =	swait.ge [sflag:s8], $0x4000  }
0x316: {  	[sflag:s8] =	ssyncset.done $0x0  }
0x317: {  	s1 =	rddreg [dreg:$0x9];
	[sflag:s8] =	ssyncadd.s32 $0xFFFFC000  }
0x318: {  	[hbm4b:s1+s2] =	stream.linear.scatter [tilespmem:s4], [sflag:$0x3], $0xC000, $0x38;
	[tilespmem:$0x19900] =	vst v63  }
0x319: {  	_ =	swait.ge [sflag:s5], $0xC000  }
0x31a: {  	s31 =	sld [smem:$0x7ED]  }
0x31b: {  	[sflag:s5] =	ssyncset.done $0x0  }
0x31c: {  	s1 =	sld [smem:$0x7EE];
	[sflag:s5] =	ssyncadd.s32 $0xFFFF4000  }
0x31d: {  	[tilespmem:s4], [sflag:$0x1] =	stream.indirect.gather [hbm4b:s3+s6], $0x80, s31, s6, $0xb8;
	[tilespmem:$0x19900] =	vst v63  }
0x31e: {  	s31 =	sld [smem:$0x7EF]  }
0x31f: {  	[tilespmem:s9], [sflag:$0x1] =	stream.indirect.gather [hbm4b:s3+s6], $0x80, s1, s6, $0xb8;
	[tilespmem:$0x19900] =	vst v63  }
0x320: {  	_ = 	snop  }
0x321: {  	[tilespmem:s14], [sflag:$0x1] =	stream.indirect.gather [hbm4b:s3+s6], $0x80, s31, s6, $0xb8;
	[tilespmem:$0x19900] =	vst v63  }
0x322: {  	_ =	swait.ge [sflag:s11], $0x4000  }
0x323: {  	[sflag:s11] =	ssyncset.done $0x0  }
0x324: {  	[sflag:s11] =	ssyncadd.s32 $0xFFFFC000  }
0x325: {  	_ =	swait.ge [sflag:s11], $0x4000  }
0x326: {  	[sflag:s11] =	ssyncset.done $0x0  }
0x327: {  	[sflag:s11] =	ssyncadd.s32 $0xFFFFC000  }
0x328: {  	_ =	swait.ge [sflag:s11], $0x4000  }
0x329: {  	[sflag:s11] =	ssyncset.done $0x0  }
0x32a: {  	s1 =	rddreg [dreg:$0xa];
	[sflag:s11] =	ssyncadd.s32 $0xFFFFC000  }
0x32b: {  	[hbm4b:s1+s2] =	stream.linear.scatter [tilespmem:s7], [sflag:$0x4], $0xC000, $0x38;
	[tilespmem:$0x19900] =	vst v63  }
0x32c: {  	_ =	swait.ge [sflag:s10], $0xC000  }
0x32d: {  	s31 =	sld [smem:$0x7F0]  }
0x32e: {  	[sflag:s10] =	ssyncset.done $0x0  }
0x32f: {  	s1 =	sld [smem:$0x7F1];
	[sflag:s10] =	ssyncadd.s32 $0xFFFF4000  }
0x330: {  	[tilespmem:s7], [sflag:$0x2] =	stream.indirect.gather [hbm4b:s3+s6], $0x80, s31, s6, $0xb8;
	[tilespmem:$0x19900] =	vst v63  }
0x331: {  	s31 =	sld [smem:$0x7F2]  }
0x332: {  	[tilespmem:s12], [sflag:$0x2] =	stream.indirect.gather [hbm4b:s3+s6], $0x80, s1, s6, $0xb8;
	[tilespmem:$0x19900] =	vst v63  }
0x333: {  	_ = 	snop  }
0x334: {  	[tilespmem:s13], [sflag:$0x2] =	stream.indirect.gather [hbm4b:s3+s6], $0x80, s31, s6, $0xb8;
	[tilespmem:$0x19900] =	vst v63  }
0x335: {  	_ =	swait.ge [sflag:s8], $0x4000  }
0x336: {  	[sflag:s8] =	ssyncset.done $0x0  }
0x337: {  	[sflag:s8] =	ssyncadd.s32 $0xFFFFC000  }
0x338: {  	_ =	swait.ge [sflag:s8], $0x4000  }
0x339: {  	[sflag:s8] =	ssyncset.done $0x0  }
0x33a: {  	[sflag:s8] =	ssyncadd.s32 $0xFFFFC000  }
0x33b: {  	_ =	swait.ge [sflag:s8], $0x4000  }
0x33c: {  	[sflag:s8] =	ssyncset.done $0x0  }
0x33d: {  	s1 =	rddreg [dreg:$0xb];
	[sflag:s8] =	ssyncadd.s32 $0xFFFFC000  }
0x33e: {  	[hbm4b:s1+s2] =	stream.linear.scatter [tilespmem:s4], [sflag:$0x3], $0xC000, $0x38;
	[tilespmem:$0x19900] =	vst v63  }
0x33f: {  	_ =	swait.ge [sflag:s5], $0xC000  }
0x340: {  	s31 =	sld [smem:$0x7F3]  }
0x341: {  	[sflag:s5] =	ssyncset.done $0x0  }
0x342: {  	s1 =	sld [smem:$0x7F4];
	[sflag:s5] =	ssyncadd.s32 $0xFFFF4000  }
0x343: {  	[tilespmem:s4], [sflag:$0x1] =	stream.indirect.gather [hbm4b:s3+s6], $0x80, s31, s6, $0xb8;
	[tilespmem:$0x19900] =	vst v63  }
0x344: {  	s31 =	sld [smem:$0x7F5]  }
0x345: {  	[tilespmem:s9], [sflag:$0x1] =	stream.indirect.gather [hbm4b:s3+s6], $0x80, s1, s6, $0xb8;
	[tilespmem:$0x19900] =	vst v63  }
0x346: {  	_ = 	snop  }
0x347: {  	[tilespmem:s14], [sflag:$0x1] =	stream.indirect.gather [hbm4b:s3+s6], $0x80, s31, s6, $0xb8;
	[tilespmem:$0x19900] =	vst v63  }
0x348: {  	_ =	swait.ge [sflag:s11], $0x4000  }
0x349: {  	[sflag:s11] =	ssyncset.done $0x0  }
0x34a: {  	[sflag:s11] =	ssyncadd.s32 $0xFFFFC000  }
0x34b: {  	_ =	swait.ge [sflag:s11], $0x4000  }
0x34c: {  	[sflag:s11] =	ssyncset.done $0x0  }
0x34d: {  	[sflag:s11] =	ssyncadd.s32 $0xFFFFC000  }
0x34e: {  	_ =	swait.ge [sflag:s11], $0x4000  }
0x34f: {  	[sflag:s11] =	ssyncset.done $0x0  }
0x350: {  	s1 =	rddreg [dreg:$0xc];
	[sflag:s11] =	ssyncadd.s32 $0xFFFFC000  }
0x351: {  	[hbm4b:s1+s2] =	stream.linear.scatter [tilespmem:s7], [sflag:$0x4], $0xC000, $0x38;
	[tilespmem:$0x19900] =	vst v63  }
0x352: {  	_ =	swait.ge [sflag:s10], $0xC000  }
0x353: {  	s31 =	sld [smem:$0x7F6]  }
0x354: {  	[sflag:s10] =	ssyncset.done $0x0  }
0x355: {  	s1 =	sld [smem:$0x7F7];
	[sflag:s10] =	ssyncadd.s32 $0xFFFF4000  }
0x356: {  	[tilespmem:s7], [sflag:$0x2] =	stream.indirect.gather [hbm4b:s3+s6], $0x80, s31, s6, $0xb8;
	[tilespmem:$0x19900] =	vst v63  }
0x357: {  	s31 =	sld [smem:$0x7F8]  }
0x358: {  	[tilespmem:s12], [sflag:$0x2] =	stream.indirect.gather [hbm4b:s3+s6], $0x80, s1, s6, $0xb8;
	[tilespmem:$0x19900] =	vst v63  }
0x359: {  	_ = 	snop  }
0x35a: {  	[tilespmem:s13], [sflag:$0x2] =	stream.indirect.gather [hbm4b:s3+s6], $0x80, s31, s6, $0xb8;
	[tilespmem:$0x19900] =	vst v63  }
0x35b: {  	_ =	swait.ge [sflag:s8], $0x4000  }
0x35c: {  	[sflag:s8] =	ssyncset.done $0x0  }
0x35d: {  	[sflag:s8] =	ssyncadd.s32 $0xFFFFC000  }
0x35e: {  	_ =	swait.ge [sflag:s8], $0x4000  }
0x35f: {  	[sflag:s8] =	ssyncset.done $0x0  }
0x360: {  	[sflag:s8] =	ssyncadd.s32 $0xFFFFC000  }
0x361: {  	_ =	swait.ge [sflag:s8], $0x4000  }
0x362: {  	[sflag:s8] =	ssyncset.done $0x0  }
0x363: {  	s1 =	rddreg [dreg:$0xd];
	[sflag:s8] =	ssyncadd.s32 $0xFFFFC000  }
0x364: {  	[hbm4b:s1+s2] =	stream.linear.scatter [tilespmem:s4], [sflag:$0x3], $0xC000, $0x38;
	[tilespmem:$0x19900] =	vst v63  }
0x365: {  	_ =	swait.ge [sflag:s5], $0xC000  }
0x366: {  	s31 =	sld [smem:$0x7F9]  }
0x367: {  	[sflag:s5] =	ssyncset.done $0x0  }
0x368: {  	s1 =	sld [smem:$0x7FA];
	[sflag:s5] =	ssyncadd.s32 $0xFFFF4000  }
0x369: {  	[tilespmem:s4], [sflag:$0x1] =	stream.indirect.gather [hbm4b:s3+s6], $0x80, s31, s6, $0xb8;
	[tilespmem:$0x19900] =	vst v63  }
0x36a: {  	s31 =	sld [smem:$0x7FB]  }
0x36b: {  	[tilespmem:s9], [sflag:$0x1] =	stream.indirect.gather [hbm4b:s3+s6], $0x80, s1, s6, $0xb8;
	[tilespmem:$0x19900] =	vst v63  }
0x36c: {  	_ = 	snop  }
0x36d: {  	[tilespmem:s14], [sflag:$0x1] =	stream.indirect.gather [hbm4b:s3+s6], $0x80, s31, s6, $0xb8;
	[tilespmem:$0x19900] =	vst v63  }
0x36e: {  	_ =	swait.ge [sflag:s11], $0x4000  }
0x36f: {  	[sflag:s11] =	ssyncset.done $0x0  }
0x370: {  	[sflag:s11] =	ssyncadd.s32 $0xFFFFC000  }
0x371: {  	_ =	swait.ge [sflag:s11], $0x4000  }
0x372: {  	[sflag:s11] =	ssyncset.done $0x0  }
0x373: {  	[sflag:s11] =	ssyncadd.s32 $0xFFFFC000  }
0x374: {  	_ =	swait.ge [sflag:s11], $0x4000  }
0x375: {  	[sflag:s11] =	ssyncset.done $0x0  }
0x376: {  	s31 =	rddreg [dreg:$0xe];
	[sflag:s11] =	ssyncadd.s32 $0xFFFFC000  }
0x377: {  	[hbm4b:s31+s2] =	stream.linear.scatter [tilespmem:s7], [sflag:$0x4], $0xC000, $0x38;
	[tilespmem:$0x19900] =	vst v63  }
0x378: {  	_ =	swait.ge [sflag:s10], $0xC000  }
0x379: {  	s1 =	sld [smem:$0x7FC]  }
0x37a: {  	[sflag:s10] =	ssyncset.done $0x0  }
0x37b: {  	s31 =	sld [smem:$0x7FD];
	[sflag:s10] =	ssyncadd.s32 $0xFFFF4000  }
0x37c: {  	[tilespmem:s7], [sflag:$0x2] =	stream.indirect.gather [hbm4b:s3+s6], $0x80, s1, s6, $0xb8;
	[tilespmem:$0x19900] =	vst v63  }
0x37d: {  	_ = 	snop  }
0x37e: {  	[tilespmem:s12], [sflag:$0x2] =	stream.indirect.gather [hbm4b:s3+s6], $0x80, s31, s6, $0xb8;
	[tilespmem:$0x19900] =	vst v63  }
0x37f: {  	_ = 	snop  }
0x380: {  	[tilespmem:s13], [sflag:$0x2] =	stream.indirect.gather [hbm4b:s3+s6], $0x80, s17, s6, $0xb8;
	[tilespmem:$0x19900] =	vst v63  }
0x381: {  	_ =	swait.ge [sflag:s8], $0x4000  }
0x382: {  	[sflag:s8] =	ssyncset.done $0x0  }
0x383: {  	[sflag:s8] =	ssyncadd.s32 $0xFFFFC000  }
0x384: {  	_ =	swait.ge [sflag:s8], $0x4000  }
0x385: {  	[sflag:s8] =	ssyncset.done $0x0  }
0x386: {  	[sflag:s8] =	ssyncadd.s32 $0xFFFFC000  }
0x387: {  	_ =	swait.ge [sflag:s8], $0x4000  }
0x388: {  	[sflag:s8] =	ssyncset.done $0x0  }
0x389: {  	s1 =	rddreg [dreg:$0xf];
	[sflag:s8] =	ssyncadd.s32 $0xFFFFC000  }
0x38a: {  	[hbm4b:s1+s2] =	stream.linear.scatter [tilespmem:s4], [sflag:$0x3], $0xC000, $0x38;
	[tilespmem:$0x19900] =	vst v63  }
0x38b: {  	_ =	swait.ge [sflag:s5], $0xC000  }
0x38c: {  	[sflag:s5] =	ssyncset.done $0x0  }
0x38d: {  	[sflag:s5] =	ssyncadd.s32 $0xFFFF4000  }
0x38e: {  	[tilespmem:s4], [sflag:$0x1] =	stream.indirect.gather [hbm4b:s3+s6], $0x80, s28, s6, $0xb8;
	[tilespmem:$0x19900] =	vst v63  }
0x38f: {  	_ = 	snop  }
0x390: {  	[tilespmem:s9], [sflag:$0x1] =	stream.indirect.gather [hbm4b:s3+s6], $0x80, s29, s6, $0xb8;
	[tilespmem:$0x19900] =	vst v63  }
0x391: {  	_ = 	snop  }
0x392: {  	[tilespmem:s14], [sflag:$0x1] =	stream.indirect.gather [hbm4b:s3+s6], $0x80, s30, s6, $0xb8;
	[tilespmem:$0x19900] =	vst v63  }
0x393: {  	_ =	swait.ge [sflag:s11], $0x4000  }
0x394: {  	[sflag:s11] =	ssyncset.done $0x0  }
0x395: {  	[sflag:s11] =	ssyncadd.s32 $0xFFFFC000  }
0x396: {  	_ =	swait.ge [sflag:s11], $0x4000  }
0x397: {  	[sflag:s11] =	ssyncset.done $0x0  }
0x398: {  	[sflag:s11] =	ssyncadd.s32 $0xFFFFC000  }
0x399: {  	_ =	swait.ge [sflag:s11], $0x4000  }
0x39a: {  	[sflag:s11] =	ssyncset.done $0x0  }
0x39b: {  	s17 =	rddreg [dreg:$0x10];
	[sflag:s11] =	ssyncadd.s32 $0xFFFFC000  }
0x39c: {  	[hbm4b:s17+s2] =	stream.linear.scatter [tilespmem:s7], [sflag:$0x4], $0xC000, $0x38;
	[tilespmem:$0x19900] =	vst v63  }
0x39d: {  	_ =	swait.ge [sflag:s10], $0xC000  }
0x39e: {  	[sflag:s10] =	ssyncset.done $0x0  }
0x39f: {  	[sflag:s10] =	ssyncadd.s32 $0xFFFF4000  }
0x3a0: {  	[tilespmem:s7], [sflag:$0x2] =	stream.indirect.gather [hbm4b:s3+s6], $0x80, s24, s6, $0xb8;
	[tilespmem:$0x19900] =	vst v63  }
0x3a1: {  	_ = 	snop  }
0x3a2: {  	[tilespmem:s12], [sflag:$0x2] =	stream.indirect.gather [hbm4b:s3+s6], $0x80, s25, s6, $0xb8;
	[tilespmem:$0x19900] =	vst v63  }
0x3a3: {  	_ = 	snop  }
0x3a4: {  	[tilespmem:s13], [sflag:$0x2] =	stream.indirect.gather [hbm4b:s3+s6], $0x80, s26, s6, $0xb8;
	[tilespmem:$0x19900] =	vst v63  }
0x3a5: {  	_ =	swait.ge [sflag:s8], $0x4000  }
0x3a6: {  	[sflag:s8] =	ssyncset.done $0x0  }
0x3a7: {  	[sflag:s8] =	ssyncadd.s32 $0xFFFFC000  }
0x3a8: {  	_ =	swait.ge [sflag:s8], $0x4000  }
0x3a9: {  	[sflag:s8] =	ssyncset.done $0x0  }
0x3aa: {  	[sflag:s8] =	ssyncadd.s32 $0xFFFFC000  }
0x3ab: {  	_ =	swait.ge [sflag:s8], $0x4000  }
0x3ac: {  	[sflag:s8] =	ssyncset.done $0x0  }
0x3ad: {  	s25 =	rddreg [dreg:$0x11];
	[sflag:s8] =	ssyncadd.s32 $0xFFFFC000  }
0x3ae: {  	[hbm4b:s25+s2] =	stream.linear.scatter [tilespmem:s4], [sflag:$0x3], $0xC000, $0x38;
	[tilespmem:$0x19900] =	vst v63  }
0x3af: {  	_ =	swait.ge [sflag:s5], $0xC000  }
0x3b0: {  	[sflag:s5] =	ssyncset.done $0x0  }
0x3b1: {  	[sflag:s5] =	ssyncadd.s32 $0xFFFF4000  }
0x3b2: {  	[tilespmem:s4], [sflag:$0x1] =	stream.indirect.gather [hbm4b:s3+s6], $0x80, s21, s6, $0xb8;
	[tilespmem:$0x19900] =	vst v63  }
0x3b3: {  	_ = 	snop  }
0x3b4: {  	[tilespmem:s9], [sflag:$0x1] =	stream.indirect.gather [hbm4b:s3+s6], $0x80, s22, s6, $0xb8;
	[tilespmem:$0x19900] =	vst v63  }
0x3b5: {  	_ = 	snop  }
0x3b6: {  	[tilespmem:s14], [sflag:$0x1] =	stream.indirect.gather [hbm4b:s3+s6], $0x80, s23, s6, $0xb8;
	[tilespmem:$0x19900] =	vst v63  }
0x3b7: {  	_ =	swait.ge [sflag:s11], $0x4000  }
0x3b8: {  	[sflag:s11] =	ssyncset.done $0x0  }
0x3b9: {  	[sflag:s11] =	ssyncadd.s32 $0xFFFFC000  }
0x3ba: {  	_ =	swait.ge [sflag:s11], $0x4000  }
0x3bb: {  	[sflag:s11] =	ssyncset.done $0x0  }
0x3bc: {  	[sflag:s11] =	ssyncadd.s32 $0xFFFFC000  }
0x3bd: {  	_ =	swait.ge [sflag:s11], $0x4000  }
0x3be: {  	[sflag:s11] =	ssyncset.done $0x0  }
0x3bf: {  	s26 =	rddreg [dreg:$0x12];
	[sflag:s11] =	ssyncadd.s32 $0xFFFFC000  }
0x3c0: {  	[hbm4b:s26+s2] =	stream.linear.scatter [tilespmem:s7], [sflag:$0x4], $0xC000, $0x38;
	[tilespmem:$0x19900] =	vst v63  }
0x3c1: {  	_ =	swait.ge [sflag:s10], $0xC000  }
0x3c2: {  	[sflag:s10] =	ssyncset.done $0x0  }
0x3c3: {  	[sflag:s10] =	ssyncadd.s32 $0xFFFF4000  }
0x3c4: {  	[tilespmem:s7], [sflag:$0x2] =	stream.indirect.gather [hbm4b:s3+s6], $0x80, s18, s6, $0xb8;
	[tilespmem:$0x19900] =	vst v63  }
0x3c5: {  	_ = 	snop  }
0x3c6: {  	[tilespmem:s12], [sflag:$0x2] =	stream.indirect.gather [hbm4b:s3+s6], $0x80, s19, s6, $0xb8;
	[tilespmem:$0x19900] =	vst v63  }
0x3c7: {  	_ = 	snop  }
0x3c8: {  	[tilespmem:s13], [sflag:$0x2] =	stream.indirect.gather [hbm4b:s3+s6], $0x80, s20, s6, $0xb8;
	[tilespmem:$0x19900] =	vst v63  }
0x3c9: {  	_ =	swait.ge [sflag:s8], $0x4000  }
0x3ca: {  	[sflag:s8] =	ssyncset.done $0x0  }
0x3cb: {  	[sflag:s8] =	ssyncadd.s32 $0xFFFFC000  }
0x3cc: {  	_ =	swait.ge [sflag:s8], $0x4000  }
0x3cd: {  	[sflag:s8] =	ssyncset.done $0x0  }
0x3ce: {  	[sflag:s8] =	ssyncadd.s32 $0xFFFFC000  }
0x3cf: {  	_ =	swait.ge [sflag:s8], $0x4000  }
0x3d0: {  	[sflag:s8] =	ssyncset.done $0x0  }
0x3d1: {  	s28 =	rddreg [dreg:$0x13];
	[sflag:s8] =	ssyncadd.s32 $0xFFFFC000  }
0x3d2: {  	[hbm4b:s28+s2] =	stream.linear.scatter [tilespmem:s4], [sflag:$0x3], $0xC000, $0x38;
	[tilespmem:$0x19900] =	vst v63  }
0x3d3: {  	_ =	swait.ge [sflag:s5], $0xC000  }
0x3d4: {  	[sflag:s5] =	ssyncset.done $0x0  }
0x3d5: {  	[sflag:s5] =	ssyncadd.s32 $0xFFFF4000  }
0x3d6: {  	[tilespmem:s4], [sflag:$0x1] =	stream.indirect.gather [hbm4b:s3+s6], $0x80, s16, s6, $0xb8;
	[tilespmem:$0x19900] =	vst v63  }
0x3d7: {  	s29 =	simm.s32 $0x1880  }
0x3d8: {  	[tilespmem:s9], [sflag:$0x1] =	stream.indirect.gather [hbm4b:s3+s6], $0x80, s29, s6, $0xb8;
	[tilespmem:$0x19900] =	vst v63  }
0x3d9: {  	_ =	swait.ge [sflag:s11], $0x4000  }
0x3da: {  	[sflag:s11] =	ssyncset.done $0x0  }
0x3db: {  	[sflag:s11] =	ssyncadd.s32 $0xFFFFC000  }
0x3dc: {  	_ =	swait.ge [sflag:s11], $0x4000  }
0x3dd: {  	[sflag:s11] =	ssyncset.done $0x0  }
0x3de: {  	[sflag:s11] =	ssyncadd.s32 $0xFFFFC000  }
0x3df: {  	_ =	swait.ge [sflag:s11], $0x4000  }
0x3e0: {  	[sflag:s11] =	ssyncset.done $0x0  }
0x3e1: {  	s30 =	rddreg [dreg:$0x14];
	[sflag:s11] =	ssyncadd.s32 $0xFFFFC000  }
0x3e2: {  	[hbm4b:s30+s2] =	stream.linear.scatter [tilespmem:s7], [sflag:$0x4], $0xC000, $0x38;
	[tilespmem:$0x19900] =	vst v63  }
0x3e3: {  	_ =	swait.ge [sflag:s8], $0x4000  }
0x3e4: {  	[sflag:s8] =	ssyncset.done $0x0  }
0x3e5: {  	[sflag:s8] =	ssyncadd.s32 $0xFFFFC000  }
0x3e6: {  	_ =	swait.ge [sflag:s8], $0x4000  }
0x3e7: {  	[sflag:s8] =	ssyncset.done $0x0  }
0x3e8: {  	s31 =	rddreg [dreg:$0x15];
	[sflag:s8] =	ssyncadd.s32 $0xFFFFC000  }
0x3e9: {  	[hbm4b:s31+s2] =	stream.linear.scatter [tilespmem:s4], [sflag:$0x3], $0x8000, $0x38;
	[tilespmem:$0x19900] =	vst v63  }
0x3ea: {  	_ =	swait.ge [sflag:s10], $0xC000  }
0x3eb: {  	[sflag:s10] =	ssyncset.done $0x0  }
0x3ec: {  	[sflag:s10] =	ssyncadd.s32 $0xFFFF4000  }
0x3ed: {  	_ =	swait.ge [sflag:s5], $0x8000  }
0x3ee: {  	[sflag:s5] =	ssyncset.done $0x0  }
0x3ef: {  	[sflag:s5] =	ssyncadd.s32 $0xFFFF8000  }
0x3f0: {  	_ =	sfence.sel $0x180000  }
0x3f1: {  	[bflag:$0x0] =	sbarrier.arrive $0xFFFF  }
0x3f2: {  	_ =	strace $0x90000047  }
0x3f3: {  	[bflag:$0x2] =	sbarrier.arrive $0xFFFF  }
0x3f4: {  	p0 =	sne.s32 s15, $0x0;
	s0 =	rddreg [dreg:$0x3]  }
0x3f5: {  	s0 =	sadd.s32 @!p0 $0x100000, s0  }
0x3f6: {  	[sflag:s0] =	ssyncadd.tile.s32 @!p0 $0x1;
	_ =	shalt  }
.LBB2_1:
.Ltmp3:
0x3f7: {  	s17 =	simm.s32 $0x1180;
	s30 =	simm.s32 $0x1300;
	(pc) =	sbr.rel .LBB2_6-.Ltmp3, $4  }
0x3f8: {  	s29 =	simm.s32 $0x1280;
	s28 =	simm.s32 $0x1200;
	s26 =	simm.s32 $0x1480  }
0x3f9: {  	s25 =	simm.s32 $0x1400;
	s24 =	simm.s32 $0x1380;
	s23 =	simm.s32 $0x1600  }
0x3fa: {  	s22 =	simm.s32 $0x1580;
	s21 =	simm.s32 $0x1500;
	s20 =	simm.s32 $0x1780  }
0x3fb: {  	s19 =	simm.s32 $0x1700;
	s18 =	simm.s32 $0x1680;
	s16 =	simm.s32 $0x1800  }
.LBB2_3:
0x3fc: {  	s17 =	simm.s32 $0x1180  }
.Ltmp4:
0x3fd: {  	s30 =	simm.s32 $0x1300;
	s29 =	simm.s32 $0x1280;
	(pc) =	sbr.rel .LBB2_6-.Ltmp4, $4  }
0x3fe: {  	s28 =	simm.s32 $0x1200;
	s26 =	simm.s32 $0x1480;
	s25 =	simm.s32 $0x1400  }
0x3ff: {  	s24 =	simm.s32 $0x1380;
	s23 =	simm.s32 $0x1600;
	s22 =	simm.s32 $0x1580  }
0x400: {  	s21 =	simm.s32 $0x1500;
	s20 =	simm.s32 $0x1780;
	s19 =	simm.s32 $0x1700  }
0x401: {  	s18 =	simm.s32 $0x1680;
	s16 =	simm.s32 $0x1800;
	s15 =	stileid.u32  }
.Lfunc_end2:
_tile_overlayer_lowered:
.L_overlay_start_2:
0x402: {  	(tag) =	ssettag $0x2  }
0x403: {  	s0 =	rddreg [dreg:$0x0];
	s2 =	stileid.u32  }
0x404: {  	s1 =	rddreg [dreg:$0x1];
	p0 =	sne.s32 s2, $0x0  }
0x405: {  	s3 =	rddreg [dreg:$0x2];
	[bflag:$0x3] =	sbarrier.arrive $0xFFFF;
	s2 =	simm.s32 @!p0 $0x1C05  }
0x406: {  	[timem:s3], [sflag:s2] =	dma.local @!p0 [hbm:s0], s1  }
0x407: {  	s0 =	simm.s32 @!p0 $0x5  }
0x408: {  	_ =	swait.ge @!p0 [sflag:s0], s1  }
0x409: {  	s1 =	ssub.s32 @!p0 $0x0, s1;
	[sflag:s0] =	ssyncset.done @!p0 $0x0  }
0x40a: {  	[sflag:s0] =	ssyncadd.s32 @!p0 s1  }
0x40b: {  	[bflag:$0x3] =	sbarrier.arrive $0xFFFF  }
0x40c: {  	_ =	shalt  }

</sc_bundles>
